<compile_context>
chip_gen: v7x
topology: tpu7x:2x2x1
jax: 0.10.2.dev20260603
libtpu: 0.0.44.dev20260713+nightly
codegen_flags: <defaults>
</compile_context>

<pallas_src>
import functools

import jax
import jax.numpy as jnp
from jax import lax
from jax.experimental import pallas as pl
from jax.experimental.pallas import tpu as pltpu
from jax.experimental.pallas import tpu_sc as plsc

N = 10000
E = 320000
D = 128
H = 128
FOUT = 768
EPS = 1e-5

NC = 2
NS = 16
NW = NC * NS
EPT = E // NW
EB = 80
NP = 10240
RPT = NP // NS
ZR = 128
DEGW = 16

_MESH = plsc.VectorSubcoreMesh(core_axis_name="c", subcore_axis_name="s")

RB = 1000
NB = N // RB



NITER = EPT // EB


def _make_sc_degree():
    @functools.partial(
        pl.kernel,
        out_type=jax.ShapeDtypeStruct((NC, NP, DEGW), jnp.float32),
        mesh=_MESH,
        scratch_types=[
            pltpu.VMEM((EB,), jnp.int32),
            pltpu.VMEM((EB, DEGW), jnp.float32),
            pltpu.VMEM((ZR, DEGW), jnp.float32),
            pltpu.VMEM_SHARED((NP, DEGW), jnp.float32),
            pltpu.SemaphoreType.DMA,
        ],
    )
    def k(dst_hbm, out_hbm, dsts, ones_v, zbuf, acc, dsem):
        cid = lax.axis_index("c")
        sid = lax.axis_index("s")
        wid = sid * NC + cid

        def fill(i, _):
            z16 = jnp.zeros((16,), jnp.float32)
            ones_row = jnp.ones((16,), jnp.float32)
            zbuf[i, :] = z16

            @pl.when(i < EB)
            def _():
                ones_v[i, :] = ones_row
            return 0

        lax.fori_loop(0, ZR, fill, 0)
        for r in range(RPT // ZR):
            pltpu.sync_copy(zbuf, acc.at[pl.ds(sid * RPT + r * ZR, ZR)])
        plsc.subcore_barrier()

        def body(j, _):
            pltpu.async_copy(dst_hbm.at[pl.ds(wid * EPT + j * EB, EB)],
                             dsts, dsem)
            pltpu.make_async_copy(dst_hbm.at[pl.ds(0, EB)], dsts,
                                  dsem).wait()
            pltpu.sync_copy(ones_v, acc.at[dsts], add=True)
            return 0

        lax.fori_loop(0, NITER, body, 0)
        plsc.subcore_barrier()
        pltpu.sync_copy(acc.at[pl.ds(sid * RPT, RPT)],
                        out_hbm.at[cid, pl.ds(sid * RPT, RPT)])

    return k


def _make_sc_aggregate():

    @functools.partial(
        pl.kernel,
        out_type=jax.ShapeDtypeStruct((NC, NP, H), jnp.float32),
        mesh=_MESH,
        scratch_types=[
            pltpu.VMEM((EPT,), jnp.int32),
            pltpu.VMEM((EB,), jnp.int32),
            pltpu.VMEM((EB,), jnp.int32),
            pltpu.VMEM((EB, H), jnp.float32),
            pltpu.VMEM((ZR, H), jnp.float32),
            pltpu.VMEM_SHARED((NP, H), jnp.float32),
            pltpu.SemaphoreType.DMA,
            pltpu.SemaphoreType.DMA,
            pltpu.SemaphoreType.DMA,
        ],
    )
    def k(hp_hbm, src_hbm, dst_hbm, out_hbm, src1d, srcs, dsts,
          gbuf, zbuf, acc, gsem, isem, bsem1):
        cid = lax.axis_index("c")
        sid = lax.axis_index("s")
        wid = sid * NC + cid
        pltpu.async_copy(src_hbm.at[pl.ds(wid * EPT, EPT)], src1d, bsem1)

        def fill(i, _):
            z16 = jnp.zeros((16,), jnp.float32)
            for f in range(H // 16):
                zbuf[i, pl.ds(f * 16, 16)] = z16
            return 0

        lax.fori_loop(0, ZR, fill, 0)
        for r in range(RPT // ZR):
            pltpu.sync_copy(zbuf, acc.at[pl.ds(sid * RPT + r * ZR, ZR)])
        pltpu.make_async_copy(src_hbm.at[pl.ds(0, EPT)], src1d, bsem1).wait()
        plsc.subcore_barrier()

        def body(j, _):
            pltpu.async_copy(dst_hbm.at[pl.ds(wid * EPT + j * EB, EB)],
                             dsts, isem)
            for f in range(EB // 16):
                srcs[pl.ds(f * 16, 16)] = src1d[pl.ds(j * EB + f * 16, 16)]
            pltpu.async_copy(hp_hbm.at[srcs], gbuf, gsem)
            pltpu.make_async_copy(hp_hbm.at[srcs], gbuf, gsem).wait()
            pltpu.make_async_copy(dst_hbm.at[pl.ds(0, EB)], dsts,
                                  isem).wait()
            pltpu.sync_copy(gbuf, acc.at[dsts], add=True)
            return 0

        lax.fori_loop(0, NITER, body, 0)
        plsc.subcore_barrier()
        pltpu.sync_copy(acc.at[pl.ds(sid * RPT, RPT)],
                        out_hbm.at[cid, pl.ds(sid * RPT, RPT)])

    return k


_sc_degree = _make_sc_degree()
_sc_aggregate = _make_sc_aggregate()



def _dinv_block(deg_ref):
    deg = deg_ref[0, :, 0:1] + deg_ref[1, :, 0:1] + 1.0
    return lax.rsqrt(deg)


_DEG_SPEC = pl.BlockSpec((NC, RB, DEGW), lambda i: (0, i, 0))
_ROW_SPEC = pl.BlockSpec((RB, H), lambda i: (i, 0))
_FULL_W = pl.BlockSpec((H, H), lambda i: (0, 0))
_VEC_SPEC = pl.BlockSpec((1, H), lambda i: (0, 0))


def _mm(a, b):
    return jnp.dot(a, b, preferred_element_type=jnp.float32,
                   precision=lax.Precision.HIGHEST)


def _tc_first(deg, x, W1):

    def body(deg_ref, x_ref, w_ref, hp_ref):
        hp_ref[...] = _mm(x_ref[...], w_ref[...]) * _dinv_block(deg_ref)

    return pl.pallas_call(
        body,
        grid=(NB,),
        in_specs=[_DEG_SPEC, _ROW_SPEC, _FULL_W],
        out_specs=_ROW_SPEC,
        out_shape=jax.ShapeDtypeStruct((N, H), jnp.float32),
    )(deg, x, W1)


def _tc_stats(S, hp, deg, b, gw, gb, gms):

    s_spec = pl.BlockSpec((NC, RB, H), lambda i: (0, i, 0))

    def body(s_ref, hp_ref, deg_ref, b_ref, gw_ref, gb_ref, gms_ref,
             out_ref, a_ref, c_ref, sum1, sum2):
        i = pl.program_id(0)

        @pl.when(i == 0)
        def _():
            sum1[...] = jnp.zeros_like(sum1)
            sum2[...] = jnp.zeros_like(sum2)

        dinv = _dinv_block(deg_ref)
        o = dinv * (s_ref[0] + s_ref[1] + hp_ref[...]) + b_ref[...]
        out_ref[...] = o
        sum1[...] += jnp.sum(o, axis=0, keepdims=True)
        sum2[...] += jnp.sum(o * o, axis=0, keepdims=True)

        @pl.when(i == NB - 1)
        def _():
            mean = sum1[...] * (1.0 / N)
            ex2 = sum2[...] * (1.0 / N)
            ms = gms_ref[...]
            var = ex2 - (2.0 * ms - ms * ms) * mean * mean
            a = gw_ref[...] / jnp.sqrt(var + EPS)
            a_ref[...] = a
            c_ref[...] = gb_ref[...] - a * ms * mean

    return pl.pallas_call(
        body,
        grid=(NB,),
        in_specs=[s_spec, _ROW_SPEC, _DEG_SPEC, _VEC_SPEC, _VEC_SPEC,
                  _VEC_SPEC, _VEC_SPEC],
        out_specs=[_ROW_SPEC, _VEC_SPEC, _VEC_SPEC],
        out_shape=[
            jax.ShapeDtypeStruct((N, H), jnp.float32),
            jax.ShapeDtypeStruct((1, H), jnp.float32),
            jax.ShapeDtypeStruct((1, H), jnp.float32),
        ],
        scratch_shapes=[pltpu.VMEM((1, H), jnp.float32),
                        pltpu.VMEM((1, H), jnp.float32)],
    )(S, hp, deg, b, gw, gb, gms)


def _tc_ad1(out1, a1, c1, deg, W2):

    def body(o_ref, a_ref, c_ref, deg_ref, w_ref, y_ref, hp_ref):
        y = jnp.maximum(a_ref[...] * o_ref[...] + c_ref[...], 0.0)
        y_ref[...] = y
        hp_ref[...] = _mm(y, w_ref[...]) * _dinv_block(deg_ref)

    return pl.pallas_call(
        body,
        grid=(NB,),
        in_specs=[_ROW_SPEC, _VEC_SPEC, _VEC_SPEC, _DEG_SPEC, _FULL_W],
        out_specs=[_ROW_SPEC, _ROW_SPEC],
        out_shape=[jax.ShapeDtypeStruct((N, H), jnp.float32),
                   jax.ShapeDtypeStruct((N, H), jnp.float32)],
    )(out1, a1, c1, deg, W2)


def _tc_ad2(out2, a2, c2, y1, deg, W3):

    def body(o_ref, a_ref, c_ref, y1_ref, deg_ref, w_ref, zmax_ref, hp_ref):
        y1 = y1_ref[...]
        y2 = jnp.maximum(a_ref[...] * o_ref[...] + c_ref[...], 0.0)
        zmax_ref[...] = jnp.maximum(y1, y2)
        hp_ref[...] = _mm(y2 + y1, w_ref[...]) * _dinv_block(deg_ref)

    return pl.pallas_call(
        body,
        grid=(NB,),
        in_specs=[_ROW_SPEC, _VEC_SPEC, _VEC_SPEC, _ROW_SPEC, _DEG_SPEC,
                  _FULL_W],
        out_specs=[_ROW_SPEC, _ROW_SPEC],
        out_shape=[jax.ShapeDtypeStruct((N, H), jnp.float32),
                   jax.ShapeDtypeStruct((N, H), jnp.float32)],
    )(out2, a2, c2, y1, deg, W3)


def _tc_final(out3, a3, c3, zmax, lin1_W, lin1_b, lin2_W, lin2_b):

    def body(o_ref, a_ref, c_ref, zm_ref, w1_ref, b1_ref, w2_ref, b2_ref,
             out_ref):
        y3 = jnp.maximum(a_ref[...] * o_ref[...] + c_ref[...], 0.0)
        z = jnp.maximum(zm_ref[...], y3)
        t = jnp.maximum(_mm(z, w1_ref[...]) + b1_ref[...], 0.0)
        for p in range(3):
            out_ref[:, p, :] = (_mm(t, w2_ref[:, p, :])
                                + b2_ref[:, p, :][0])

    return pl.pallas_call(
        body,
        grid=(NB,),
        in_specs=[
            _ROW_SPEC, _VEC_SPEC, _VEC_SPEC, _ROW_SPEC, _FULL_W, _VEC_SPEC,
            pl.BlockSpec((H, 3, FOUT // 3), lambda i: (0, 0, 0)),
            pl.BlockSpec((1, 3, FOUT // 3), lambda i: (0, 0, 0)),
        ],
        out_specs=pl.BlockSpec((RB, 3, FOUT // 3), lambda i: (i, 0, 0)),
        out_shape=jax.ShapeDtypeStruct((N, 3, FOUT // 3), jnp.float32),
    )(out3, a3, c3, zmax, lin1_W, lin1_b,
      lin2_W.reshape(H, 3, FOUT // 3), lin2_b.reshape(1, 3, FOUT // 3))



def kernel(x, edge_index, conv_W1, conv_b1, gn_w1, gn_b1, gn_ms1,
           conv_W2, conv_b2, gn_w2, gn_b2, gn_ms2,
           conv_W3, conv_b3, gn_w3, gn_b3, gn_ms3,
           lin1_W, lin1_b, lin2_W, lin2_b):
    src1 = edge_index[0]
    dst1 = edge_index[1]
    r = lambda v: v.reshape(1, -1)

    deg = _sc_degree(dst1)
    hp1 = _tc_first(deg, x, conv_W1)
    S1 = _sc_aggregate(hp1, src1, dst1)
    out1, a1, c1 = _tc_stats(S1, hp1, deg, r(conv_b1), r(gn_w1), r(gn_b1),
                             r(gn_ms1))
    y1, hp2 = _tc_ad1(out1, a1, c1, deg, conv_W2)
    S2 = _sc_aggregate(hp2, src1, dst1)
    out2, a2, c2 = _tc_stats(S2, hp2, deg, r(conv_b2), r(gn_w2), r(gn_b2),
                             r(gn_ms2))
    zmax2, hp3 = _tc_ad2(out2, a2, c2, y1, deg, conv_W3)
    S3 = _sc_aggregate(hp3, src1, dst1)
    out3, a3, c3 = _tc_stats(S3, hp3, deg, r(conv_b3), r(gn_w3), r(gn_b3),
                             r(gn_ms3))
    return _tc_final(out3, a3, c3, zmax2, lin1_W, r(lin1_b), lin2_W, lin2_b)

# --- scband reference (transcript-rebuilt; emitter-appended) ---
"""Pipeline reference for scband-improved-gcn-43782896615863 (READ-ONLY COPY).

The authoritative reference and input builder live on the scoring server;
editing this copy changes nothing except your own understanding.
"""

import jax, jax.numpy as jnp
import numpy as np

N = 10000
E = 320000
D = 128
H = 128
OUT_SHAPE = (10000, 3, 256)


def _gcn_conv(x, src, dst, W, b):
    n = x.shape[0]
    loop = jnp.arange(n, dtype=src.dtype)
    src_f = jnp.concatenate([src, loop])
    dst_f = jnp.concatenate([dst, loop])
    deg = jax.ops.segment_sum(jnp.ones(src_f.shape[0], dtype=x.dtype), dst_f, num_segments=n)
    dinv = jnp.where(deg > 0, deg ** -0.5, 0.0)
    norm = dinv[src_f] * dinv[dst_f]
    h = x @ W
    msg = h[src_f] * norm[:, None]
    return jax.ops.segment_sum(msg, dst_f, num_segments=n) + b


def _graph_norm(x, weight, bias, mean_scale, eps=1e-5):
    mean = jnp.mean(x, axis=0, keepdims=True)
    out = x - mean_scale * mean
    var = jnp.mean(out * out, axis=0, keepdims=True)
    return weight * out / jnp.sqrt(var + eps) + bias


def setup_inputs(seed: int = 0) -> dict:
    key = jax.random.key(seed)
    ks = jax.random.split(key, 24)
    inp = {}
    inp["x"] = jax.random.normal(ks[0], (N, D), dtype=jnp.float32)
    inp["edge_index"] = jax.random.randint(ks[1], (2, E), 0, N, dtype=jnp.int32)
    dims = [(D, H), (H, H), (H, H)]
    for i, (di, do) in enumerate(dims, start=1):
        inp["conv_W%d" % i] = jax.random.normal(ks[2 * i], (di, do), dtype=jnp.float32) * (1.0 / np.sqrt(di))
        inp["conv_b%d" % i] = jnp.zeros((do,), dtype=jnp.float32)
        inp["gn_w%d" % i] = jnp.ones((do,), dtype=jnp.float32)
        inp["gn_b%d" % i] = jnp.zeros((do,), dtype=jnp.float32)
        inp["gn_ms%d" % i] = jnp.ones((do,), dtype=jnp.float32)
    fout = OUT_SHAPE[1] * OUT_SHAPE[2]
    inp["lin1_W"] = jax.random.normal(ks[10], (H, H), dtype=jnp.float32) * (1.0 / np.sqrt(H))
    inp["lin1_b"] = jnp.zeros((H,), dtype=jnp.float32)
    inp["lin2_W"] = jax.random.normal(ks[11], (H, fout), dtype=jnp.float32) * (1.0 / np.sqrt(H))
    inp["lin2_b"] = jnp.zeros((fout,), dtype=jnp.float32)
    return inp


def reference(x, edge_index, conv_W1, conv_b1, gn_w1, gn_b1, gn_ms1, conv_W2, conv_b2, gn_w2, gn_b2, gn_ms2, conv_W3, conv_b3, gn_w3, gn_b3, gn_ms3, lin1_W, lin1_b, lin2_W, lin2_b):
    src, dst = edge_index[0], edge_index[1]
    layers = [
        (conv_W1, conv_b1, gn_w1, gn_b1, gn_ms1),
        (conv_W2, conv_b2, gn_w2, gn_b2, gn_ms2),
        (conv_W3, conv_b3, gn_w3, gn_b3, gn_ms3),
    ]
    outs = []
    h = x
    for i, (W, b, gw, gb, gms) in enumerate(layers):
        h = _gcn_conv(h, src, dst, W, b)
        h = _graph_norm(h, gw, gb, gms)
        h = jax.nn.relu(h)
        outs.append(h)
        if i > 0:
            h = h + outs[i - 1]
    z = jnp.max(jnp.stack(outs, axis=0), axis=0)
    z = jax.nn.relu(z @ lin1_W + lin1_b)
    z = z @ lin2_W + lin2_b
    return z.reshape(OUT_SHAPE)

if __name__ == "__main__":
    import jax
    _d = setup_inputs()
    print(jax.jit(kernel)(*tuple(_d.values())))

</pallas_src>

<mosaic_0001>
#map = affine_map<(d0, d1) -> (0, 0)>
#map1 = affine_map<(d0, d1) -> (0)>
#map2 = affine_map<(d0, d1) -> (0, 0, 0)>
module attributes {stable_mosaic.version = 14 : i64} {
  func.func @k(%arg0: i32, %arg1: i32, %arg2: memref<10000x128xf32, #tpu.memory_space<hbm>>, %arg3: memref<320000xi32, #tpu.memory_space<hbm>>, %arg4: memref<320000xi32, #tpu.memory_space<hbm>>, %arg5: memref<2x10240x128xf32, #tpu.memory_space<hbm>>, %arg6: memref<10000xi32, #tpu.memory_space<vmem>>, %arg7: memref<80xi32, #tpu.memory_space<vmem>>, %arg8: memref<80xi32, #tpu.memory_space<vmem>>, %arg9: memref<80x128xf32, #tpu.memory_space<vmem>>, %arg10: memref<128x128xf32, #tpu.memory_space<vmem>>, %arg11: memref<10240x128xf32, #tpu.memory_space<vmem_shared>>, %arg12: memref<!tpu.dma_semaphore, #tpu.memory_space<semaphore_mem>>, %arg13: memref<!tpu.dma_semaphore, #tpu.memory_space<semaphore_mem>>, %arg14: memref<!tpu.dma_semaphore, #tpu.memory_space<semaphore_mem>>) attributes {dimension_semantics = [#tpu.dimension_semantics<core_parallel>, #tpu.dimension_semantics<subcore_parallel>], iteration_bounds = array<i64: 2, 16>, scalar_prefetch = 0 : i64, scratch_operands = 9 : i64, tpu.core_type = #tpu.core_type<sc_vector_subcore>, window_params = [{transform_indices = #map}, {transform_indices = #map1}, {transform_indices = #map1}, {transform_indices = #map2}]} {
    %mul3A = arith.constant 2 : i32
    %mul3A_0 = arith.muli %arg1, %mul3A : i32
    %add3A = arith.addi %mul3A_0, %arg0 : i32
    %mul3A_1 = arith.constant 10000 : i32
    %mul3A_2 = arith.muli %add3A, %mul3A_1 : i32
    %dma_start3A = tpu.memref_slice %arg3[%mul3A_2] : memref<320000xi32, #tpu.memory_space<hbm>> -> memref<10000xi32, #tpu.memory_space<hbm>>
    %dma_start3A_3 = tpu.memref_slice %arg3[%mul3A_2] : memref<320000xi32, #tpu.memory_space<hbm>> -> memref<10000xi32, #tpu.memory_space<hbm>>
    tpu.enqueue_dma source(%dma_start3A_3 : memref<10000xi32, #tpu.memory_space<hbm>>) target(%arg6 : memref<10000xi32, #tpu.memory_space<vmem>>) target_semaphore(%arg14 : memref<!tpu.dma_semaphore, #tpu.memory_space<semaphore_mem>>)
    %scan3A = arith.constant 0 : i32
    %scan3A_4 = arith.constant 0 : i32
    %scan3A_5 = arith.constant 128 : i32
    %scan3A_6 = arith.addi %scan3A_4, %scan3A_5 : i32
    %scan3A_7 = arith.constant 1 : i32
    %scan3A_8 = scf.for %scan3A_45 = %scan3A_4 to %scan3A_6 step %scan3A_7 iter_args(%scan3A_46 = %scan3A) -> (i32)  : i32 {
      %broadcast_in_dim3A = arith.constant 0.000000e+00 : f32
      %broadcast_in_dim3A_47 = vector.broadcast %broadcast_in_dim3A : f32 to vector<16xf32>
      %swap3A = arith.index_cast %scan3A_45 : i32 to index
      %swap3A_48 = arith.constant 0 : index
      %swap3A_49 = tpu.vector_load %arg10[%swap3A, %swap3A_48] {strides = array<i32>} : memref<128x128xf32, #tpu.memory_space<vmem>>, vector<1x16xf32>,
      %swap3A_50 = vector.shape_cast %swap3A_49 : vector<1x16xf32> to vector<16xf32>
      %swap3A_51 = vector.shape_cast %broadcast_in_dim3A_47 : vector<16xf32> to vector<1x16xf32>
      tpu.vector_store %arg10[%swap3A, %swap3A_48], %swap3A_51 {strides = array<i32>} : memref<128x128xf32, #tpu.memory_space<vmem>>, vector<1x16xf32>,
      %swap3A_52 = arith.index_cast %scan3A_45 : i32 to index
      %swap3A_53 = arith.constant 16 : index
      %swap3A_54 = tpu.vector_load %arg10[%swap3A_52, %swap3A_53] {strides = array<i32>} : memref<128x128xf32, #tpu.memory_space<vmem>>, vector<1x16xf32>,
      %swap3A_55 = vector.shape_cast %swap3A_54 : vector<1x16xf32> to vector<16xf32>
      %swap3A_56 = vector.shape_cast %broadcast_in_dim3A_47 : vector<16xf32> to vector<1x16xf32>
      tpu.vector_store %arg10[%swap3A_52, %swap3A_53], %swap3A_56 {strides = array<i32>} : memref<128x128xf32, #tpu.memory_space<vmem>>, vector<1x16xf32>,
      %swap3A_57 = arith.index_cast %scan3A_45 : i32 to index
      %swap3A_58 = arith.constant 32 : index
      %swap3A_59 = tpu.vector_load %arg10[%swap3A_57, %swap3A_58] {strides = array<i32>} : memref<128x128xf32, #tpu.memory_space<vmem>>, vector<1x16xf32>,
      %swap3A_60 = vector.shape_cast %swap3A_59 : vector<1x16xf32> to vector<16xf32>
      %swap3A_61 = vector.shape_cast %broadcast_in_dim3A_47 : vector<16xf32> to vector<1x16xf32>
      tpu.vector_store %arg10[%swap3A_57, %swap3A_58], %swap3A_61 {strides = array<i32>} : memref<128x128xf32, #tpu.memory_space<vmem>>, vector<1x16xf32>,
      %swap3A_62 = arith.index_cast %scan3A_45 : i32 to index
      %swap3A_63 = arith.constant 48 : index
      %swap3A_64 = tpu.vector_load %arg10[%swap3A_62, %swap3A_63] {strides = array<i32>} : memref<128x128xf32, #tpu.memory_space<vmem>>, vector<1x16xf32>,
      %swap3A_65 = vector.shape_cast %swap3A_64 : vector<1x16xf32> to vector<16xf32>
      %swap3A_66 = vector.shape_cast %broadcast_in_dim3A_47 : vector<16xf32> to vector<1x16xf32>
      tpu.vector_store %arg10[%swap3A_62, %swap3A_63], %swap3A_66 {strides = array<i32>} : memref<128x128xf32, #tpu.memory_space<vmem>>, vector<1x16xf32>,
      %swap3A_67 = arith.index_cast %scan3A_45 : i32 to index
      %swap3A_68 = arith.constant 64 : index
      %swap3A_69 = tpu.vector_load %arg10[%swap3A_67, %swap3A_68] {strides = array<i32>} : memref<128x128xf32, #tpu.memory_space<vmem>>, vector<1x16xf32>,
      %swap3A_70 = vector.shape_cast %swap3A_69 : vector<1x16xf32> to vector<16xf32>
      %swap3A_71 = vector.shape_cast %broadcast_in_dim3A_47 : vector<16xf32> to vector<1x16xf32>
      tpu.vector_store %arg10[%swap3A_67, %swap3A_68], %swap3A_71 {strides = array<i32>} : memref<128x128xf32, #tpu.memory_space<vmem>>, vector<1x16xf32>,
      %swap3A_72 = arith.index_cast %scan3A_45 : i32 to index
      %swap3A_73 = arith.constant 80 : index
      %swap3A_74 = tpu.vector_load %arg10[%swap3A_72, %swap3A_73] {strides = array<i32>} : memref<128x128xf32, #tpu.memory_space<vmem>>, vector<1x16xf32>,
      %swap3A_75 = vector.shape_cast %swap3A_74 : vector<1x16xf32> to vector<16xf32>
      %swap3A_76 = vector.shape_cast %broadcast_in_dim3A_47 : vector<16xf32> to vector<1x16xf32>
      tpu.vector_store %arg10[%swap3A_72, %swap3A_73], %swap3A_76 {strides = array<i32>} : memref<128x128xf32, #tpu.memory_space<vmem>>, vector<1x16xf32>,
      %swap3A_77 = arith.index_cast %scan3A_45 : i32 to index
      %swap3A_78 = arith.constant 96 : index
      %swap3A_79 = tpu.vector_load %arg10[%swap3A_77, %swap3A_78] {strides = array<i32>} : memref<128x128xf32, #tpu.memory_space<vmem>>, vector<1x16xf32>,
      %swap3A_80 = vector.shape_cast %swap3A_79 : vector<1x16xf32> to vector<16xf32>
      %swap3A_81 = vector.shape_cast %broadcast_in_dim3A_47 : vector<16xf32> to vector<1x16xf32>
      tpu.vector_store %arg10[%swap3A_77, %swap3A_78], %swap3A_81 {strides = array<i32>} : memref<128x128xf32, #tpu.memory_space<vmem>>, vector<1x16xf32>,
      %swap3A_82 = arith.index_cast %scan3A_45 : i32 to index
      %swap3A_83 = arith.constant 112 : index
      %swap3A_84 = tpu.vector_load %arg10[%swap3A_82, %swap3A_83] {strides = array<i32>} : memref<128x128xf32, #tpu.memory_space<vmem>>, vector<1x16xf32>,
      %swap3A_85 = vector.shape_cast %swap3A_84 : vector<1x16xf32> to vector<16xf32>
      %swap3A_86 = vector.shape_cast %broadcast_in_dim3A_47 : vector<16xf32> to vector<1x16xf32>
      tpu.vector_store %arg10[%swap3A_82, %swap3A_83], %swap3A_86 {strides = array<i32>} : memref<128x128xf32, #tpu.memory_space<vmem>>, vector<1x16xf32>,
      %scan3A_87 = arith.constant 0 : i32
      scf.yield %scan3A_87 : i32
    }
    %scan3A_9 = arith.constant 128 : i32
    %mul3A_10 = arith.constant 640 : i32
    %mul3A_11 = arith.muli %arg1, %mul3A_10 : i32
    %add3A_12 = arith.constant 0 : i32
    %add3A_13 = arith.addi %mul3A_11, %add3A_12 : i32
    "tpu.region"() ({
      %run_scoped3A = tpu.sem_alloc : memref<!tpu.dma_semaphore, #tpu.memory_space<semaphore_mem>>
      %dma_start3A_45 = arith.constant 0 : i32
      %dma_start3A_46 = tpu.memref_slice %arg11[%add3A_13, %dma_start3A_45] : memref<10240x128xf32, #tpu.memory_space<vmem_shared>> -> memref<128x128xf32, #tpu.memory_space<vmem_shared>>
      %dma_start3A_47 = arith.constant 0 : i32
      %dma_start3A_48 = tpu.memref_slice %arg11[%add3A_13, %dma_start3A_47] : memref<10240x128xf32, #tpu.memory_space<vmem_shared>> -> memref<128x128xf32, #tpu.memory_space<vmem_shared>>
      tpu.enqueue_dma source(%arg10 : memref<128x128xf32, #tpu.memory_space<vmem>>) target(%dma_start3A_48 : memref<128x128xf32, #tpu.memory_space<vmem_shared>>) target_semaphore(%run_scoped3A : memref<!tpu.dma_semaphore, #tpu.memory_space<semaphore_mem>>)
      %dma_wait3A_49 = arith.constant 0 : i32
      %dma_wait3A_50 = tpu.memref_slice %arg11[%add3A_13, %dma_wait3A_49] : memref<10240x128xf32, #tpu.memory_space<vmem_shared>> -> memref<128x128xf32, #tpu.memory_space<vmem_shared>>
      %dma_wait3A_51 = arith.constant 0 : i32
      %dma_wait3A_52 = tpu.memref_slice %arg11[%add3A_13, %dma_wait3A_51] : memref<10240x128xf32, #tpu.memory_space<vmem_shared>> -> memref<128x128xf32, #tpu.memory_space<vmem_shared>>
      tpu.wait_dma2 semaphore(%run_scoped3A : memref<!tpu.dma_semaphore, #tpu.memory_space<semaphore_mem>>) src(%arg10 : memref<128x128xf32, #tpu.memory_space<vmem>>) dst(%dma_wait3A_52 : memref<128x128xf32, #tpu.memory_space<vmem_shared>>)
      tpu.yield
    }) : () -> ()
    %mul3A_14 = arith.constant 640 : i32
    %mul3A_15 = arith.muli %arg1, %mul3A_14 : i32
    %add3A_16 = arith.constant 128 : i32
    %add3A_17 = arith.addi %mul3A_15, %add3A_16 : i32
    "tpu.region"() ({
      %run_scoped3A = tpu.sem_alloc : memref<!tpu.dma_semaphore, #tpu.memory_space<semaphore_mem>>
      %dma_start3A_45 = arith.constant 0 : i32
      %dma_start3A_46 = tpu.memref_slice %arg11[%add3A_17, %dma_start3A_45] : memref<10240x128xf32, #tpu.memory_space<vmem_shared>> -> memref<128x128xf32, #tpu.memory_space<vmem_shared>>
      %dma_start3A_47 = arith.constant 0 : i32
      %dma_start3A_48 = tpu.memref_slice %arg11[%add3A_17, %dma_start3A_47] : memref<10240x128xf32, #tpu.memory_space<vmem_shared>> -> memref<128x128xf32, #tpu.memory_space<vmem_shared>>
      tpu.enqueue_dma source(%arg10 : memref<128x128xf32, #tpu.memory_space<vmem>>) target(%dma_start3A_48 : memref<128x128xf32, #tpu.memory_space<vmem_shared>>) target_semaphore(%run_scoped3A : memref<!tpu.dma_semaphore, #tpu.memory_space<semaphore_mem>>)
      %dma_wait3A_49 = arith.constant 0 : i32
      %dma_wait3A_50 = tpu.memref_slice %arg11[%add3A_17, %dma_wait3A_49] : memref<10240x128xf32, #tpu.memory_space<vmem_shared>> -> memref<128x128xf32, #tpu.memory_space<vmem_shared>>
      %dma_wait3A_51 = arith.constant 0 : i32
      %dma_wait3A_52 = tpu.memref_slice %arg11[%add3A_17, %dma_wait3A_51] : memref<10240x128xf32, #tpu.memory_space<vmem_shared>> -> memref<128x128xf32, #tpu.memory_space<vmem_shared>>
      tpu.wait_dma2 semaphore(%run_scoped3A : memref<!tpu.dma_semaphore, #tpu.memory_space<semaphore_mem>>) src(%arg10 : memref<128x128xf32, #tpu.memory_space<vmem>>) dst(%dma_wait3A_52 : memref<128x128xf32, #tpu.memory_space<vmem_shared>>)
      tpu.yield
    }) : () -> ()
    %mul3A_18 = arith.constant 640 : i32
    %mul3A_19 = arith.muli %arg1, %mul3A_18 : i32
    %add3A_20 = arith.constant 256 : i32
    %add3A_21 = arith.addi %mul3A_19, %add3A_20 : i32
    "tpu.region"() ({
      %run_scoped3A = tpu.sem_alloc : memref<!tpu.dma_semaphore, #tpu.memory_space<semaphore_mem>>
      %dma_start3A_45 = arith.constant 0 : i32
      %dma_start3A_46 = tpu.memref_slice %arg11[%add3A_21, %dma_start3A_45] : memref<10240x128xf32, #tpu.memory_space<vmem_shared>> -> memref<128x128xf32, #tpu.memory_space<vmem_shared>>
      %dma_start3A_47 = arith.constant 0 : i32
      %dma_start3A_48 = tpu.memref_slice %arg11[%add3A_21, %dma_start3A_47] : memref<10240x128xf32, #tpu.memory_space<vmem_shared>> -> memref<128x128xf32, #tpu.memory_space<vmem_shared>>
      tpu.enqueue_dma source(%arg10 : memref<128x128xf32, #tpu.memory_space<vmem>>) target(%dma_start3A_48 : memref<128x128xf32, #tpu.memory_space<vmem_shared>>) target_semaphore(%run_scoped3A : memref<!tpu.dma_semaphore, #tpu.memory_space<semaphore_mem>>)
      %dma_wait3A_49 = arith.constant 0 : i32
      %dma_wait3A_50 = tpu.memref_slice %arg11[%add3A_21, %dma_wait3A_49] : memref<10240x128xf32, #tpu.memory_space<vmem_shared>> -> memref<128x128xf32, #tpu.memory_space<vmem_shared>>
      %dma_wait3A_51 = arith.constant 0 : i32
      %dma_wait3A_52 = tpu.memref_slice %arg11[%add3A_21, %dma_wait3A_51] : memref<10240x128xf32, #tpu.memory_space<vmem_shared>> -> memref<128x128xf32, #tpu.memory_space<vmem_shared>>
      tpu.wait_dma2 semaphore(%run_scoped3A : memref<!tpu.dma_semaphore, #tpu.memory_space<semaphore_mem>>) src(%arg10 : memref<128x128xf32, #tpu.memory_space<vmem>>) dst(%dma_wait3A_52 : memref<128x128xf32, #tpu.memory_space<vmem_shared>>)
      tpu.yield
    }) : () -> ()
    %mul3A_22 = arith.constant 640 : i32
    %mul3A_23 = arith.muli %arg1, %mul3A_22 : i32
    %add3A_24 = arith.constant 384 : i32
    %add3A_25 = arith.addi %mul3A_23, %add3A_24 : i32
    "tpu.region"() ({
      %run_scoped3A = tpu.sem_alloc : memref<!tpu.dma_semaphore, #tpu.memory_space<semaphore_mem>>
      %dma_start3A_45 = arith.constant 0 : i32
      %dma_start3A_46 = tpu.memref_slice %arg11[%add3A_25, %dma_start3A_45] : memref<10240x128xf32, #tpu.memory_space<vmem_shared>> -> memref<128x128xf32, #tpu.memory_space<vmem_shared>>
      %dma_start3A_47 = arith.constant 0 : i32
      %dma_start3A_48 = tpu.memref_slice %arg11[%add3A_25, %dma_start3A_47] : memref<10240x128xf32, #tpu.memory_space<vmem_shared>> -> memref<128x128xf32, #tpu.memory_space<vmem_shared>>
      tpu.enqueue_dma source(%arg10 : memref<128x128xf32, #tpu.memory_space<vmem>>) target(%dma_start3A_48 : memref<128x128xf32, #tpu.memory_space<vmem_shared>>) target_semaphore(%run_scoped3A : memref<!tpu.dma_semaphore, #tpu.memory_space<semaphore_mem>>)
      %dma_wait3A_49 = arith.constant 0 : i32
      %dma_wait3A_50 = tpu.memref_slice %arg11[%add3A_25, %dma_wait3A_49] : memref<10240x128xf32, #tpu.memory_space<vmem_shared>> -> memref<128x128xf32, #tpu.memory_space<vmem_shared>>
      %dma_wait3A_51 = arith.constant 0 : i32
      %dma_wait3A_52 = tpu.memref_slice %arg11[%add3A_25, %dma_wait3A_51] : memref<10240x128xf32, #tpu.memory_space<vmem_shared>> -> memref<128x128xf32, #tpu.memory_space<vmem_shared>>
      tpu.wait_dma2 semaphore(%run_scoped3A : memref<!tpu.dma_semaphore, #tpu.memory_space<semaphore_mem>>) src(%arg10 : memref<128x128xf32, #tpu.memory_space<vmem>>) dst(%dma_wait3A_52 : memref<128x128xf32, #tpu.memory_space<vmem_shared>>)
      tpu.yield
    }) : () -> ()
    %mul3A_26 = arith.constant 640 : i32
    %mul3A_27 = arith.muli %arg1, %mul3A_26 : i32
    %add3A_28 = arith.constant 512 : i32
    %add3A_29 = arith.addi %mul3A_27, %add3A_28 : i32
    "tpu.region"() ({
      %run_scoped3A = tpu.sem_alloc : memref<!tpu.dma_semaphore, #tpu.memory_space<semaphore_mem>>
      %dma_start3A_45 = arith.constant 0 : i32
      %dma_start3A_46 = tpu.memref_slice %arg11[%add3A_29, %dma_start3A_45] : memref<10240x128xf32, #tpu.memory_space<vmem_shared>> -> memref<128x128xf32, #tpu.memory_space<vmem_shared>>
      %dma_start3A_47 = arith.constant 0 : i32
      %dma_start3A_48 = tpu.memref_slice %arg11[%add3A_29, %dma_start3A_47] : memref<10240x128xf32, #tpu.memory_space<vmem_shared>> -> memref<128x128xf32, #tpu.memory_space<vmem_shared>>
      tpu.enqueue_dma source(%arg10 : memref<128x128xf32, #tpu.memory_space<vmem>>) target(%dma_start3A_48 : memref<128x128xf32, #tpu.memory_space<vmem_shared>>) target_semaphore(%run_scoped3A : memref<!tpu.dma_semaphore, #tpu.memory_space<semaphore_mem>>)
      %dma_wait3A_49 = arith.constant 0 : i32
      %dma_wait3A_50 = tpu.memref_slice %arg11[%add3A_29, %dma_wait3A_49] : memref<10240x128xf32, #tpu.memory_space<vmem_shared>> -> memref<128x128xf32, #tpu.memory_space<vmem_shared>>
      %dma_wait3A_51 = arith.constant 0 : i32
      %dma_wait3A_52 = tpu.memref_slice %arg11[%add3A_29, %dma_wait3A_51] : memref<10240x128xf32, #tpu.memory_space<vmem_shared>> -> memref<128x128xf32, #tpu.memory_space<vmem_shared>>
      tpu.wait_dma2 semaphore(%run_scoped3A : memref<!tpu.dma_semaphore, #tpu.memory_space<semaphore_mem>>) src(%arg10 : memref<128x128xf32, #tpu.memory_space<vmem>>) dst(%dma_wait3A_52 : memref<128x128xf32, #tpu.memory_space<vmem_shared>>)
      tpu.yield
    }) : () -> ()
    %dma_wait3A = arith.constant 0 : i32
    %dma_wait3A_30 = tpu.memref_slice %arg3[%dma_wait3A] : memref<320000xi32, #tpu.memory_space<hbm>> -> memref<10000xi32, #tpu.memory_space<hbm>>
    %dma_wait3A_31 = arith.constant 0 : i32
    %dma_wait3A_32 = tpu.memref_slice %arg3[%dma_wait3A_31] : memref<320000xi32, #tpu.memory_space<hbm>> -> memref<10000xi32, #tpu.memory_space<hbm>>
    tpu.wait_dma2 semaphore(%arg14 : memref<!tpu.dma_semaphore, #tpu.memory_space<semaphore_mem>>) src(%dma_wait3A_32 : memref<10000xi32, #tpu.memory_space<hbm>>) dst(%arg6 : memref<10000xi32, #tpu.memory_space<vmem>>)
    %barrier3A = arith.constant 0 : index
    tpu.barrier barrier_id(%barrier3A)
    %scan3A_33 = arith.constant 0 : i32
    %scan3A_34 = arith.constant 0 : i32
    %scan3A_35 = arith.constant 125 : i32
    %scan3A_36 = arith.addi %scan3A_34, %scan3A_35 : i32
    %scan3A_37 = arith.constant 1 : i32
    %scan3A_38 = scf.for %scan3A_45 = %scan3A_34 to %scan3A_36 step %scan3A_37 iter_args(%scan3A_46 = %scan3A_33) -> (i32)  : i32 {
      %mul3A_47 = arith.constant 10000 : i32
      %mul3A_48 = arith.muli %add3A, %mul3A_47 : i32
      %mul3A_49 = arith.constant 80 : i32
      %mul3A_50 = arith.muli %scan3A_45, %mul3A_49 : i32
      %add3A_51 = arith.addi %mul3A_48, %mul3A_50 : i32
      %dma_start3A_52 = tpu.memref_slice %arg4[%add3A_51] : memref<320000xi32, #tpu.memory_space<hbm>> -> memref<80xi32, #tpu.memory_space<hbm>>
      %dma_start3A_53 = tpu.memref_slice %arg4[%add3A_51] : memref<320000xi32, #tpu.memory_space<hbm>> -> memref<80xi32, #tpu.memory_space<hbm>>
      tpu.enqueue_dma source(%dma_start3A_53 : memref<80xi32, #tpu.memory_space<hbm>>) target(%arg8 : memref<80xi32, #tpu.memory_space<vmem>>) target_semaphore(%arg13 : memref<!tpu.dma_semaphore, #tpu.memory_space<semaphore_mem>>)
      %mul3A_54 = arith.constant 80 : i32
      %mul3A_55 = arith.muli %scan3A_45, %mul3A_54 : i32
      %add3A_56 = arith.constant 0 : i32
      %add3A_57 = arith.addi %mul3A_55, %add3A_56 : i32
      %get3A = arith.index_cast %add3A_57 : i32 to index
      %get3A_58 = tpu.vector_load %arg6[%get3A] {strides = array<i32>} : memref<10000xi32, #tpu.memory_space<vmem>>, vector<16xi32>,
      %get3A_59 = vector.shape_cast %get3A_58 : vector<16xi32> to vector<16xi32>
      %swap3A = arith.constant 0 : index
      %swap3A_60 = tpu.vector_load %arg7[%swap3A] {strides = array<i32>} : memref<80xi32, #tpu.memory_space<vmem>>, vector<16xi32>,
      %swap3A_61 = vector.shape_cast %swap3A_60 : vector<16xi32> to vector<16xi32>
      %swap3A_62 = vector.shape_cast %get3A_59 : vector<16xi32> to vector<16xi32>
      tpu.vector_store %arg7[%swap3A], %swap3A_62 {strides = array<i32>} : memref<80xi32, #tpu.memory_space<vmem>>, vector<16xi32>,
      %mul3A_63 = arith.constant 80 : i32
      %mul3A_64 = arith.muli %scan3A_45, %mul3A_63 : i32
      %add3A_65 = arith.constant 16 : i32
      %add3A_66 = arith.addi %mul3A_64, %add3A_65 : i32
      %get3A_67 = arith.index_cast %add3A_66 : i32 to index
      %get3A_68 = tpu.vector_load %arg6[%get3A_67] {strides = array<i32>} : memref<10000xi32, #tpu.memory_space<vmem>>, vector<16xi32>,
      %get3A_69 = vector.shape_cast %get3A_68 : vector<16xi32> to vector<16xi32>
      %swap3A_70 = arith.constant 16 : index
      %swap3A_71 = tpu.vector_load %arg7[%swap3A_70] {strides = array<i32>} : memref<80xi32, #tpu.memory_space<vmem>>, vector<16xi32>,
      %swap3A_72 = vector.shape_cast %swap3A_71 : vector<16xi32> to vector<16xi32>
      %swap3A_73 = vector.shape_cast %get3A_69 : vector<16xi32> to vector<16xi32>
      tpu.vector_store %arg7[%swap3A_70], %swap3A_73 {strides = array<i32>} : memref<80xi32, #tpu.memory_space<vmem>>, vector<16xi32>,
      %mul3A_74 = arith.constant 80 : i32
      %mul3A_75 = arith.muli %scan3A_45, %mul3A_74 : i32
      %add3A_76 = arith.constant 32 : i32
      %add3A_77 = arith.addi %mul3A_75, %add3A_76 : i32
      %get3A_78 = arith.index_cast %add3A_77 : i32 to index
      %get3A_79 = tpu.vector_load %arg6[%get3A_78] {strides = array<i32>} : memref<10000xi32, #tpu.memory_space<vmem>>, vector<16xi32>,
      %get3A_80 = vector.shape_cast %get3A_79 : vector<16xi32> to vector<16xi32>
      %swap3A_81 = arith.constant 32 : index
      %swap3A_82 = tpu.vector_load %arg7[%swap3A_81] {strides = array<i32>} : memref<80xi32, #tpu.memory_space<vmem>>, vector<16xi32>,
      %swap3A_83 = vector.shape_cast %swap3A_82 : vector<16xi32> to vector<16xi32>
      %swap3A_84 = vector.shape_cast %get3A_80 : vector<16xi32> to vector<16xi32>
      tpu.vector_store %arg7[%swap3A_81], %swap3A_84 {strides = array<i32>} : memref<80xi32, #tpu.memory_space<vmem>>, vector<16xi32>,
      %mul3A_85 = arith.constant 80 : i32
      %mul3A_86 = arith.muli %scan3A_45, %mul3A_85 : i32
      %add3A_87 = arith.constant 48 : i32
      %add3A_88 = arith.addi %mul3A_86, %add3A_87 : i32
      %get3A_89 = arith.index_cast %add3A_88 : i32 to index
      %get3A_90 = tpu.vector_load %arg6[%get3A_89] {strides = array<i32>} : memref<10000xi32, #tpu.memory_space<vmem>>, vector<16xi32>,
      %get3A_91 = vector.shape_cast %get3A_90 : vector<16xi32> to vector<16xi32>
      %swap3A_92 = arith.constant 48 : index
      %swap3A_93 = tpu.vector_load %arg7[%swap3A_92] {strides = array<i32>} : memref<80xi32, #tpu.memory_space<vmem>>, vector<16xi32>,
      %swap3A_94 = vector.shape_cast %swap3A_93 : vector<16xi32> to vector<16xi32>
      %swap3A_95 = vector.shape_cast %get3A_91 : vector<16xi32> to vector<16xi32>
      tpu.vector_store %arg7[%swap3A_92], %swap3A_95 {strides = array<i32>} : memref<80xi32, #tpu.memory_space<vmem>>, vector<16xi32>,
      %mul3A_96 = arith.constant 80 : i32
      %mul3A_97 = arith.muli %scan3A_45, %mul3A_96 : i32
      %add3A_98 = arith.constant 64 : i32
      %add3A_99 = arith.addi %mul3A_97, %add3A_98 : i32
      %get3A_100 = arith.index_cast %add3A_99 : i32 to index
      %get3A_101 = tpu.vector_load %arg6[%get3A_100] {strides = array<i32>} : memref<10000xi32, #tpu.memory_space<vmem>>, vector<16xi32>,
      %get3A_102 = vector.shape_cast %get3A_101 : vector<16xi32> to vector<16xi32>
      %swap3A_103 = arith.constant 64 : index
      %swap3A_104 = tpu.vector_load %arg7[%swap3A_103] {strides = array<i32>} : memref<80xi32, #tpu.memory_space<vmem>>, vector<16xi32>,
      %swap3A_105 = vector.shape_cast %swap3A_104 : vector<16xi32> to vector<16xi32>
      %swap3A_106 = vector.shape_cast %get3A_102 : vector<16xi32> to vector<16xi32>
      tpu.vector_store %arg7[%swap3A_103], %swap3A_106 {strides = array<i32>} : memref<80xi32, #tpu.memory_space<vmem>>, vector<16xi32>,
      %dma_start3A_107 = arith.constant 0 : i32
      %dma_start3A_108 = arith.constant 0 : i32
      %dma_start3A_109 = tpu.memref_slice %arg2[%dma_start3A_107, %dma_start3A_108] : memref<10000x128xf32, #tpu.memory_space<hbm>> -> memref<10000x128xf32, #tpu.memory_space<hbm>>
      tpu.enqueue_indirect_dma source(%dma_start3A_109 : memref<10000x128xf32, #tpu.memory_space<hbm>>) target(%arg9 : memref<80x128xf32, #tpu.memory_space<vmem>>) offsets(%arg7 : memref<80xi32, #tpu.memory_space<vmem>>) semaphore(%arg12 : memref<!tpu.dma_semaphore, #tpu.memory_space<semaphore_mem>>)
      %dma_wait3A_110 = arith.constant 0 : i32
      %dma_wait3A_111 = arith.constant 0 : i32
      %dma_wait3A_112 = tpu.memref_slice %arg2[%dma_wait3A_110, %dma_wait3A_111] : memref<10000x128xf32, #tpu.memory_space<hbm>> -> memref<10000x128xf32, #tpu.memory_space<hbm>>
      tpu.wait_indirect_dma semaphore(%arg12 : memref<!tpu.dma_semaphore, #tpu.memory_space<semaphore_mem>>) src(%dma_wait3A_112 : memref<10000x128xf32, #tpu.memory_space<hbm>>) dst(%arg9 : memref<80x128xf32, #tpu.memory_space<vmem>>)
      %dma_wait3A_113 = arith.constant 0 : i32
      %dma_wait3A_114 = tpu.memref_slice %arg4[%dma_wait3A_113] : memref<320000xi32, #tpu.memory_space<hbm>> -> memref<80xi32, #tpu.memory_space<hbm>>
      %dma_wait3A_115 = arith.constant 0 : i32
      %dma_wait3A_116 = tpu.memref_slice %arg4[%dma_wait3A_115] : memref<320000xi32, #tpu.memory_space<hbm>> -> memref<80xi32, #tpu.memory_space<hbm>>
      tpu.wait_dma2 semaphore(%arg13 : memref<!tpu.dma_semaphore, #tpu.memory_space<semaphore_mem>>) src(%dma_wait3A_116 : memref<80xi32, #tpu.memory_space<hbm>>) dst(%arg8 : memref<80xi32, #tpu.memory_space<vmem>>)
      "tpu.region"() ({
        %run_scoped3A = tpu.sem_alloc : memref<!tpu.dma_semaphore, #tpu.memory_space<semaphore_mem>>
        %dma_start3A_118 = arith.constant 0 : i32
        %dma_start3A_119 = arith.constant 0 : i32
        %dma_start3A_120 = tpu.memref_slice %arg11[%dma_start3A_118, %dma_start3A_119] : memref<10240x128xf32, #tpu.memory_space<vmem_shared>> -> memref<10240x128xf32, #tpu.memory_space<vmem_shared>>
        tpu.enqueue_indirect_dma source(%arg9 : memref<80x128xf32, #tpu.memory_space<vmem>>) target(%dma_start3A_120 : memref<10240x128xf32, #tpu.memory_space<vmem_shared>>) offsets(%arg8 : memref<80xi32, #tpu.memory_space<vmem>>) semaphore(%run_scoped3A : memref<!tpu.dma_semaphore, #tpu.memory_space<semaphore_mem>>) {add = true}
        %dma_wait3A_121 = arith.constant 0 : i32
        %dma_wait3A_122 = arith.constant 0 : i32
        %dma_wait3A_123 = tpu.memref_slice %arg11[%dma_wait3A_121, %dma_wait3A_122] : memref<10240x128xf32, #tpu.memory_space<vmem_shared>> -> memref<10240x128xf32, #tpu.memory_space<vmem_shared>>
        tpu.wait_indirect_dma semaphore(%run_scoped3A : memref<!tpu.dma_semaphore, #tpu.memory_space<semaphore_mem>>) src(%arg9 : memref<80x128xf32, #tpu.memory_space<vmem>>) dst(%dma_wait3A_123 : memref<10240x128xf32, #tpu.memory_space<vmem_shared>>)
        tpu.yield
      }) : () -> ()
      %scan3A_117 = arith.constant 0 : i32
      scf.yield %scan3A_117 : i32
    }
    %scan3A_39 = arith.constant 125 : i32
    %barrier3A_40 = arith.constant 0 : index
    tpu.barrier barrier_id(%barrier3A_40)
    %mul3A_41 = arith.constant 640 : i32
    %mul3A_42 = arith.muli %arg1, %mul3A_41 : i32
    %mul3A_43 = arith.constant 640 : i32
    %mul3A_44 = arith.muli %arg1, %mul3A_43 : i32
    "tpu.region"() ({
      %run_scoped3A = tpu.sem_alloc : memref<!tpu.dma_semaphore, #tpu.memory_space<semaphore_mem>>
      %dma_start3A_45 = arith.constant 0 : i32
      %dma_start3A_46 = tpu.memref_slice %arg5[%arg0, %mul3A_44, %dma_start3A_45] : memref<2x10240x128xf32, #tpu.memory_space<hbm>> -> memref<1x640x128xf32, #tpu.memory_space<hbm>>
      %dma_start3A_47 = tpu.memref_squeeze %dma_start3A_46 : memref<1x640x128xf32, #tpu.memory_space<hbm>> -> memref<640x128xf32, #tpu.memory_space<hbm>>
      %dma_start3A_48 = arith.constant 0 : i32
      %dma_start3A_49 = tpu.memref_slice %arg11[%mul3A_42, %dma_start3A_48] : memref<10240x128xf32, #tpu.memory_space<vmem_shared>> -> memref<640x128xf32, #tpu.memory_space<vmem_shared>>
      tpu.enqueue_dma source(%dma_start3A_49 : memref<640x128xf32, #tpu.memory_space<vmem_shared>>) target(%dma_start3A_47 : memref<640x128xf32, #tpu.memory_space<hbm>>) target_semaphore(%run_scoped3A : memref<!tpu.dma_semaphore, #tpu.memory_space<semaphore_mem>>)
      %dma_wait3A_50 = arith.constant 0 : i32
      %dma_wait3A_51 = tpu.memref_slice %arg5[%arg0, %mul3A_44, %dma_wait3A_50] : memref<2x10240x128xf32, #tpu.memory_space<hbm>> -> memref<1x640x128xf32, #tpu.memory_space<hbm>>
      %dma_wait3A_52 = tpu.memref_squeeze %dma_wait3A_51 : memref<1x640x128xf32, #tpu.memory_space<hbm>> -> memref<640x128xf32, #tpu.memory_space<hbm>>
      %dma_wait3A_53 = arith.constant 0 : i32
      %dma_wait3A_54 = tpu.memref_slice %arg11[%mul3A_42, %dma_wait3A_53] : memref<10240x128xf32, #tpu.memory_space<vmem_shared>> -> memref<640x128xf32, #tpu.memory_space<vmem_shared>>
      tpu.wait_dma2 semaphore(%run_scoped3A : memref<!tpu.dma_semaphore, #tpu.memory_space<semaphore_mem>>) src(%dma_wait3A_54 : memref<640x128xf32, #tpu.memory_space<vmem_shared>>) dst(%dma_wait3A_52 : memref<640x128xf32, #tpu.memory_space<hbm>>)
      tpu.yield
    }) : () -> ()
    return
  }
}

#map = affine_map<(d0, d1) -> (0)>
#map1 = affine_map<(d0, d1) -> (0, 0, 0)>
module attributes {stable_mosaic.version = 14 : i64} {
  func.func @k(%arg0: i32, %arg1: i32, %arg2: memref<320000xi32, #tpu.memory_space<hbm>>, %arg3: memref<2x10240x16xf32, #tpu.memory_space<hbm>>, %arg4: memref<80xi32, #tpu.memory_space<vmem>>, %arg5: memref<80x16xf32, #tpu.memory_space<vmem>>, %arg6: memref<128x16xf32, #tpu.memory_space<vmem>>, %arg7: memref<10240x16xf32, #tpu.memory_space<vmem_shared>>, %arg8: memref<!tpu.dma_semaphore, #tpu.memory_space<semaphore_mem>>) attributes {dimension_semantics = [#tpu.dimension_semantics<core_parallel>, #tpu.dimension_semantics<subcore_parallel>], iteration_bounds = array<i64: 2, 16>, scalar_prefetch = 0 : i64, scratch_operands = 5 : i64, tpu.core_type = #tpu.core_type<sc_vector_subcore>, window_params = [{transform_indices = #map}, {transform_indices = #map1}]} {
    %mul3A = arith.constant 2 : i32
    %mul3A_0 = arith.muli %arg1, %mul3A : i32
    %add3A = arith.addi %mul3A_0, %arg0 : i32
    %scan3A = arith.constant 0 : i32
    %scan3A_1 = arith.constant 0 : i32
    %scan3A_2 = arith.constant 128 : i32
    %scan3A_3 = arith.addi %scan3A_1, %scan3A_2 : i32
    %scan3A_4 = arith.constant 1 : i32
    %scan3A_5 = scf.for %scan3A_39 = %scan3A_1 to %scan3A_3 step %scan3A_4 iter_args(%scan3A_40 = %scan3A) -> (i32)  : i32 {
      %broadcast_in_dim3A = arith.constant 0.000000e+00 : f32
      %broadcast_in_dim3A_41 = vector.broadcast %broadcast_in_dim3A : f32 to vector<16xf32>
      %broadcast_in_dim3A_42 = arith.constant 1.000000e+00 : f32
      %broadcast_in_dim3A_43 = vector.broadcast %broadcast_in_dim3A_42 : f32 to vector<16xf32>
      %swap3A = arith.index_cast %scan3A_39 : i32 to index
      %swap3A_44 = arith.constant 0 : index
      %swap3A_45 = tpu.vector_load %arg6[%swap3A, %swap3A_44] {strides = array<i32>} : memref<128x16xf32, #tpu.memory_space<vmem>>, vector<1x16xf32>,
      %swap3A_46 = vector.shape_cast %swap3A_45 : vector<1x16xf32> to vector<16xf32>
      %swap3A_47 = vector.shape_cast %broadcast_in_dim3A_41 : vector<16xf32> to vector<1x16xf32>
      tpu.vector_store %arg6[%swap3A, %swap3A_44], %swap3A_47 {strides = array<i32>} : memref<128x16xf32, #tpu.memory_space<vmem>>, vector<1x16xf32>,
      %lt3A = arith.constant 80 : i32
      %lt3A_48 = arith.cmpi slt, %scan3A_39, %lt3A : i32
      %convert_element_type3A = arith.extui %lt3A_48 : i1 to i32
      %cond3A = arith.constant 0 : i32
      %cond3A_49 = arith.cmpi ne, %convert_element_type3A, %cond3A : i32
      scf.if %cond3A_49 {
        %swap3A_51 = arith.index_cast %scan3A_39 : i32 to index
        %swap3A_52 = arith.constant 0 : index
        %swap3A_53 = tpu.vector_load %arg5[%swap3A_51, %swap3A_52] {strides = array<i32>} : memref<80x16xf32, #tpu.memory_space<vmem>>, vector<1x16xf32>,
        %swap3A_54 = vector.shape_cast %swap3A_53 : vector<1x16xf32> to vector<16xf32>
        %swap3A_55 = vector.shape_cast %broadcast_in_dim3A_43 : vector<16xf32> to vector<1x16xf32>
        tpu.vector_store %arg5[%swap3A_51, %swap3A_52], %swap3A_55 {strides = array<i32>} : memref<80x16xf32, #tpu.memory_space<vmem>>, vector<1x16xf32>,
      } else {
      }
      %scan3A_50 = arith.constant 0 : i32
      scf.yield %scan3A_50 : i32
    }
    %scan3A_6 = arith.constant 128 : i32
    %mul3A_7 = arith.constant 640 : i32
    %mul3A_8 = arith.muli %arg1, %mul3A_7 : i32
    %add3A_9 = arith.constant 0 : i32
    %add3A_10 = arith.addi %mul3A_8, %add3A_9 : i32
    "tpu.region"() ({
      %run_scoped3A = tpu.sem_alloc : memref<!tpu.dma_semaphore, #tpu.memory_space<semaphore_mem>>
      %dma_start3A = arith.constant 0 : i32
      %dma_start3A_39 = tpu.memref_slice %arg7[%add3A_10, %dma_start3A] : memref<10240x16xf32, #tpu.memory_space<vmem_shared>> -> memref<128x16xf32, #tpu.memory_space<vmem_shared>>
      %dma_start3A_40 = arith.constant 0 : i32
      %dma_start3A_41 = tpu.memref_slice %arg7[%add3A_10, %dma_start3A_40] : memref<10240x16xf32, #tpu.memory_space<vmem_shared>> -> memref<128x16xf32, #tpu.memory_space<vmem_shared>>
      tpu.enqueue_dma source(%arg6 : memref<128x16xf32, #tpu.memory_space<vmem>>) target(%dma_start3A_41 : memref<128x16xf32, #tpu.memory_space<vmem_shared>>) target_semaphore(%run_scoped3A : memref<!tpu.dma_semaphore, #tpu.memory_space<semaphore_mem>>)
      %dma_wait3A = arith.constant 0 : i32
      %dma_wait3A_42 = tpu.memref_slice %arg7[%add3A_10, %dma_wait3A] : memref<10240x16xf32, #tpu.memory_space<vmem_shared>> -> memref<128x16xf32, #tpu.memory_space<vmem_shared>>
      %dma_wait3A_43 = arith.constant 0 : i32
      %dma_wait3A_44 = tpu.memref_slice %arg7[%add3A_10, %dma_wait3A_43] : memref<10240x16xf32, #tpu.memory_space<vmem_shared>> -> memref<128x16xf32, #tpu.memory_space<vmem_shared>>
      tpu.wait_dma2 semaphore(%run_scoped3A : memref<!tpu.dma_semaphore, #tpu.memory_space<semaphore_mem>>) src(%arg6 : memref<128x16xf32, #tpu.memory_space<vmem>>) dst(%dma_wait3A_44 : memref<128x16xf32, #tpu.memory_space<vmem_shared>>)
      tpu.yield
    }) : () -> ()
    %mul3A_11 = arith.constant 640 : i32
    %mul3A_12 = arith.muli %arg1, %mul3A_11 : i32
    %add3A_13 = arith.constant 128 : i32
    %add3A_14 = arith.addi %mul3A_12, %add3A_13 : i32
    "tpu.region"() ({
      %run_scoped3A = tpu.sem_alloc : memref<!tpu.dma_semaphore, #tpu.memory_space<semaphore_mem>>
      %dma_start3A = arith.constant 0 : i32
      %dma_start3A_39 = tpu.memref_slice %arg7[%add3A_14, %dma_start3A] : memref<10240x16xf32, #tpu.memory_space<vmem_shared>> -> memref<128x16xf32, #tpu.memory_space<vmem_shared>>
      %dma_start3A_40 = arith.constant 0 : i32
      %dma_start3A_41 = tpu.memref_slice %arg7[%add3A_14, %dma_start3A_40] : memref<10240x16xf32, #tpu.memory_space<vmem_shared>> -> memref<128x16xf32, #tpu.memory_space<vmem_shared>>
      tpu.enqueue_dma source(%arg6 : memref<128x16xf32, #tpu.memory_space<vmem>>) target(%dma_start3A_41 : memref<128x16xf32, #tpu.memory_space<vmem_shared>>) target_semaphore(%run_scoped3A : memref<!tpu.dma_semaphore, #tpu.memory_space<semaphore_mem>>)
      %dma_wait3A = arith.constant 0 : i32
      %dma_wait3A_42 = tpu.memref_slice %arg7[%add3A_14, %dma_wait3A] : memref<10240x16xf32, #tpu.memory_space<vmem_shared>> -> memref<128x16xf32, #tpu.memory_space<vmem_shared>>
      %dma_wait3A_43 = arith.constant 0 : i32
      %dma_wait3A_44 = tpu.memref_slice %arg7[%add3A_14, %dma_wait3A_43] : memref<10240x16xf32, #tpu.memory_space<vmem_shared>> -> memref<128x16xf32, #tpu.memory_space<vmem_shared>>
      tpu.wait_dma2 semaphore(%run_scoped3A : memref<!tpu.dma_semaphore, #tpu.memory_space<semaphore_mem>>) src(%arg6 : memref<128x16xf32, #tpu.memory_space<vmem>>) dst(%dma_wait3A_44 : memref<128x16xf32, #tpu.memory_space<vmem_shared>>)
      tpu.yield
    }) : () -> ()
    %mul3A_15 = arith.constant 640 : i32
    %mul3A_16 = arith.muli %arg1, %mul3A_15 : i32
    %add3A_17 = arith.constant 256 : i32
    %add3A_18 = arith.addi %mul3A_16, %add3A_17 : i32
    "tpu.region"() ({
      %run_scoped3A = tpu.sem_alloc : memref<!tpu.dma_semaphore, #tpu.memory_space<semaphore_mem>>
      %dma_start3A = arith.constant 0 : i32
      %dma_start3A_39 = tpu.memref_slice %arg7[%add3A_18, %dma_start3A] : memref<10240x16xf32, #tpu.memory_space<vmem_shared>> -> memref<128x16xf32, #tpu.memory_space<vmem_shared>>
      %dma_start3A_40 = arith.constant 0 : i32
      %dma_start3A_41 = tpu.memref_slice %arg7[%add3A_18, %dma_start3A_40] : memref<10240x16xf32, #tpu.memory_space<vmem_shared>> -> memref<128x16xf32, #tpu.memory_space<vmem_shared>>
      tpu.enqueue_dma source(%arg6 : memref<128x16xf32, #tpu.memory_space<vmem>>) target(%dma_start3A_41 : memref<128x16xf32, #tpu.memory_space<vmem_shared>>) target_semaphore(%run_scoped3A : memref<!tpu.dma_semaphore, #tpu.memory_space<semaphore_mem>>)
      %dma_wait3A = arith.constant 0 : i32
      %dma_wait3A_42 = tpu.memref_slice %arg7[%add3A_18, %dma_wait3A] : memref<10240x16xf32, #tpu.memory_space<vmem_shared>> -> memref<128x16xf32, #tpu.memory_space<vmem_shared>>
      %dma_wait3A_43 = arith.constant 0 : i32
      %dma_wait3A_44 = tpu.memref_slice %arg7[%add3A_18, %dma_wait3A_43] : memref<10240x16xf32, #tpu.memory_space<vmem_shared>> -> memref<128x16xf32, #tpu.memory_space<vmem_shared>>
      tpu.wait_dma2 semaphore(%run_scoped3A : memref<!tpu.dma_semaphore, #tpu.memory_space<semaphore_mem>>) src(%arg6 : memref<128x16xf32, #tpu.memory_space<vmem>>) dst(%dma_wait3A_44 : memref<128x16xf32, #tpu.memory_space<vmem_shared>>)
      tpu.yield
    }) : () -> ()
    %mul3A_19 = arith.constant 640 : i32
    %mul3A_20 = arith.muli %arg1, %mul3A_19 : i32
    %add3A_21 = arith.constant 384 : i32
    %add3A_22 = arith.addi %mul3A_20, %add3A_21 : i32
    "tpu.region"() ({
      %run_scoped3A = tpu.sem_alloc : memref<!tpu.dma_semaphore, #tpu.memory_space<semaphore_mem>>
      %dma_start3A = arith.constant 0 : i32
      %dma_start3A_39 = tpu.memref_slice %arg7[%add3A_22, %dma_start3A] : memref<10240x16xf32, #tpu.memory_space<vmem_shared>> -> memref<128x16xf32, #tpu.memory_space<vmem_shared>>
      %dma_start3A_40 = arith.constant 0 : i32
      %dma_start3A_41 = tpu.memref_slice %arg7[%add3A_22, %dma_start3A_40] : memref<10240x16xf32, #tpu.memory_space<vmem_shared>> -> memref<128x16xf32, #tpu.memory_space<vmem_shared>>
      tpu.enqueue_dma source(%arg6 : memref<128x16xf32, #tpu.memory_space<vmem>>) target(%dma_start3A_41 : memref<128x16xf32, #tpu.memory_space<vmem_shared>>) target_semaphore(%run_scoped3A : memref<!tpu.dma_semaphore, #tpu.memory_space<semaphore_mem>>)
      %dma_wait3A = arith.constant 0 : i32
      %dma_wait3A_42 = tpu.memref_slice %arg7[%add3A_22, %dma_wait3A] : memref<10240x16xf32, #tpu.memory_space<vmem_shared>> -> memref<128x16xf32, #tpu.memory_space<vmem_shared>>
      %dma_wait3A_43 = arith.constant 0 : i32
      %dma_wait3A_44 = tpu.memref_slice %arg7[%add3A_22, %dma_wait3A_43] : memref<10240x16xf32, #tpu.memory_space<vmem_shared>> -> memref<128x16xf32, #tpu.memory_space<vmem_shared>>
      tpu.wait_dma2 semaphore(%run_scoped3A : memref<!tpu.dma_semaphore, #tpu.memory_space<semaphore_mem>>) src(%arg6 : memref<128x16xf32, #tpu.memory_space<vmem>>) dst(%dma_wait3A_44 : memref<128x16xf32, #tpu.memory_space<vmem_shared>>)
      tpu.yield
    }) : () -> ()
    %mul3A_23 = arith.constant 640 : i32
    %mul3A_24 = arith.muli %arg1, %mul3A_23 : i32
    %add3A_25 = arith.constant 512 : i32
    %add3A_26 = arith.addi %mul3A_24, %add3A_25 : i32
    "tpu.region"() ({
      %run_scoped3A = tpu.sem_alloc : memref<!tpu.dma_semaphore, #tpu.memory_space<semaphore_mem>>
      %dma_start3A = arith.constant 0 : i32
      %dma_start3A_39 = tpu.memref_slice %arg7[%add3A_26, %dma_start3A] : memref<10240x16xf32, #tpu.memory_space<vmem_shared>> -> memref<128x16xf32, #tpu.memory_space<vmem_shared>>
      %dma_start3A_40 = arith.constant 0 : i32
      %dma_start3A_41 = tpu.memref_slice %arg7[%add3A_26, %dma_start3A_40] : memref<10240x16xf32, #tpu.memory_space<vmem_shared>> -> memref<128x16xf32, #tpu.memory_space<vmem_shared>>
      tpu.enqueue_dma source(%arg6 : memref<128x16xf32, #tpu.memory_space<vmem>>) target(%dma_start3A_41 : memref<128x16xf32, #tpu.memory_space<vmem_shared>>) target_semaphore(%run_scoped3A : memref<!tpu.dma_semaphore, #tpu.memory_space<semaphore_mem>>)
      %dma_wait3A = arith.constant 0 : i32
      %dma_wait3A_42 = tpu.memref_slice %arg7[%add3A_26, %dma_wait3A] : memref<10240x16xf32, #tpu.memory_space<vmem_shared>> -> memref<128x16xf32, #tpu.memory_space<vmem_shared>>
      %dma_wait3A_43 = arith.constant 0 : i32
      %dma_wait3A_44 = tpu.memref_slice %arg7[%add3A_26, %dma_wait3A_43] : memref<10240x16xf32, #tpu.memory_space<vmem_shared>> -> memref<128x16xf32, #tpu.memory_space<vmem_shared>>
      tpu.wait_dma2 semaphore(%run_scoped3A : memref<!tpu.dma_semaphore, #tpu.memory_space<semaphore_mem>>) src(%arg6 : memref<128x16xf32, #tpu.memory_space<vmem>>) dst(%dma_wait3A_44 : memref<128x16xf32, #tpu.memory_space<vmem_shared>>)
      tpu.yield
    }) : () -> ()
    %barrier3A = arith.constant 0 : index
    tpu.barrier barrier_id(%barrier3A)
    %scan3A_27 = arith.constant 0 : i32
    %scan3A_28 = arith.constant 0 : i32
    %scan3A_29 = arith.constant 125 : i32
    %scan3A_30 = arith.addi %scan3A_28, %scan3A_29 : i32
    %scan3A_31 = arith.constant 1 : i32
    %scan3A_32 = scf.for %scan3A_39 = %scan3A_28 to %scan3A_30 step %scan3A_31 iter_args(%scan3A_40 = %scan3A_27) -> (i32)  : i32 {
      %mul3A_41 = arith.constant 10000 : i32
      %mul3A_42 = arith.muli %add3A, %mul3A_41 : i32
      %mul3A_43 = arith.constant 80 : i32
      %mul3A_44 = arith.muli %scan3A_39, %mul3A_43 : i32
      %add3A_45 = arith.addi %mul3A_42, %mul3A_44 : i32
      %dma_start3A = tpu.memref_slice %arg2[%add3A_45] : memref<320000xi32, #tpu.memory_space<hbm>> -> memref<80xi32, #tpu.memory_space<hbm>>
      %dma_start3A_46 = tpu.memref_slice %arg2[%add3A_45] : memref<320000xi32, #tpu.memory_space<hbm>> -> memref<80xi32, #tpu.memory_space<hbm>>
      tpu.enqueue_dma source(%dma_start3A_46 : memref<80xi32, #tpu.memory_space<hbm>>) target(%arg4 : memref<80xi32, #tpu.memory_space<vmem>>) target_semaphore(%arg8 : memref<!tpu.dma_semaphore, #tpu.memory_space<semaphore_mem>>)
      %dma_wait3A = arith.constant 0 : i32
      %dma_wait3A_47 = tpu.memref_slice %arg2[%dma_wait3A] : memref<320000xi32, #tpu.memory_space<hbm>> -> memref<80xi32, #tpu.memory_space<hbm>>
      %dma_wait3A_48 = arith.constant 0 : i32
      %dma_wait3A_49 = tpu.memref_slice %arg2[%dma_wait3A_48] : memref<320000xi32, #tpu.memory_space<hbm>> -> memref<80xi32, #tpu.memory_space<hbm>>
      tpu.wait_dma2 semaphore(%arg8 : memref<!tpu.dma_semaphore, #tpu.memory_space<semaphore_mem>>) src(%dma_wait3A_49 : memref<80xi32, #tpu.memory_space<hbm>>) dst(%arg4 : memref<80xi32, #tpu.memory_space<vmem>>)
      "tpu.region"() ({
        %run_scoped3A = tpu.sem_alloc : memref<!tpu.dma_semaphore, #tpu.memory_space<semaphore_mem>>
        %dma_start3A_51 = arith.constant 0 : i32
        %dma_start3A_52 = arith.constant 0 : i32
        %dma_start3A_53 = tpu.memref_slice %arg7[%dma_start3A_51, %dma_start3A_52] : memref<10240x16xf32, #tpu.memory_space<vmem_shared>> -> memref<10240x16xf32, #tpu.memory_space<vmem_shared>>
        tpu.enqueue_indirect_dma source(%arg5 : memref<80x16xf32, #tpu.memory_space<vmem>>) target(%dma_start3A_53 : memref<10240x16xf32, #tpu.memory_space<vmem_shared>>) offsets(%arg4 : memref<80xi32, #tpu.memory_space<vmem>>) semaphore(%run_scoped3A : memref<!tpu.dma_semaphore, #tpu.memory_space<semaphore_mem>>) {add = true}
        %dma_wait3A_54 = arith.constant 0 : i32
        %dma_wait3A_55 = arith.constant 0 : i32
        %dma_wait3A_56 = tpu.memref_slice %arg7[%dma_wait3A_54, %dma_wait3A_55] : memref<10240x16xf32, #tpu.memory_space<vmem_shared>> -> memref<10240x16xf32, #tpu.memory_space<vmem_shared>>
        tpu.wait_indirect_dma semaphore(%run_scoped3A : memref<!tpu.dma_semaphore, #tpu.memory_space<semaphore_mem>>) src(%arg5 : memref<80x16xf32, #tpu.memory_space<vmem>>) dst(%dma_wait3A_56 : memref<10240x16xf32, #tpu.memory_space<vmem_shared>>)
        tpu.yield
      }) : () -> ()
      %scan3A_50 = arith.constant 0 : i32
      scf.yield %scan3A_50 : i32
    }
    %scan3A_33 = arith.constant 125 : i32
    %barrier3A_34 = arith.constant 0 : index
    tpu.barrier barrier_id(%barrier3A_34)
    %mul3A_35 = arith.constant 640 : i32
    %mul3A_36 = arith.muli %arg1, %mul3A_35 : i32
    %mul3A_37 = arith.constant 640 : i32
    %mul3A_38 = arith.muli %arg1, %mul3A_37 : i32
    "tpu.region"() ({
      %run_scoped3A = tpu.sem_alloc : memref<!tpu.dma_semaphore, #tpu.memory_space<semaphore_mem>>
      %dma_start3A = arith.constant 0 : i32
      %dma_start3A_39 = tpu.memref_slice %arg3[%arg0, %mul3A_38, %dma_start3A] : memref<2x10240x16xf32, #tpu.memory_space<hbm>> -> memref<1x640x16xf32, #tpu.memory_space<hbm>>
      %dma_start3A_40 = tpu.memref_squeeze %dma_start3A_39 : memref<1x640x16xf32, #tpu.memory_space<hbm>> -> memref<640x16xf32, #tpu.memory_space<hbm>>
      %dma_start3A_41 = arith.constant 0 : i32
      %dma_start3A_42 = tpu.memref_slice %arg7[%mul3A_36, %dma_start3A_41] : memref<10240x16xf32, #tpu.memory_space<vmem_shared>> -> memref<640x16xf32, #tpu.memory_space<vmem_shared>>
      tpu.enqueue_dma source(%dma_start3A_42 : memref<640x16xf32, #tpu.memory_space<vmem_shared>>) target(%dma_start3A_40 : memref<640x16xf32, #tpu.memory_space<hbm>>) target_semaphore(%run_scoped3A : memref<!tpu.dma_semaphore, #tpu.memory_space<semaphore_mem>>)
      %dma_wait3A = arith.constant 0 : i32
      %dma_wait3A_43 = tpu.memref_slice %arg3[%arg0, %mul3A_38, %dma_wait3A] : memref<2x10240x16xf32, #tpu.memory_space<hbm>> -> memref<1x640x16xf32, #tpu.memory_space<hbm>>
      %dma_wait3A_44 = tpu.memref_squeeze %dma_wait3A_43 : memref<1x640x16xf32, #tpu.memory_space<hbm>> -> memref<640x16xf32, #tpu.memory_space<hbm>>
      %dma_wait3A_45 = arith.constant 0 : i32
      %dma_wait3A_46 = tpu.memref_slice %arg7[%mul3A_36, %dma_wait3A_45] : memref<10240x16xf32, #tpu.memory_space<vmem_shared>> -> memref<640x16xf32, #tpu.memory_space<vmem_shared>>
      tpu.wait_dma2 semaphore(%run_scoped3A : memref<!tpu.dma_semaphore, #tpu.memory_space<semaphore_mem>>) src(%dma_wait3A_46 : memref<640x16xf32, #tpu.memory_space<vmem_shared>>) dst(%dma_wait3A_44 : memref<640x16xf32, #tpu.memory_space<hbm>>)
      tpu.yield
    }) : () -> ()
    return
  }
}

#map = affine_map<(d0, d1) -> (0, 0)>
#map1 = affine_map<(d0, d1) -> (0)>
#map2 = affine_map<(d0, d1) -> (0, 0, 0)>
module attributes {stable_mosaic.version = 14 : i64} {
  func.func @k(%arg0: i32, %arg1: i32, %arg2: memref<10000x128xf32, #tpu.memory_space<hbm>>, %arg3: memref<320000xi32, #tpu.memory_space<hbm>>, %arg4: memref<320000xi32, #tpu.memory_space<hbm>>, %arg5: memref<2x10240x128xf32, #tpu.memory_space<hbm>>, %arg6: memref<10000xi32, #tpu.memory_space<vmem>>, %arg7: memref<80xi32, #tpu.memory_space<vmem>>, %arg8: memref<80xi32, #tpu.memory_space<vmem>>, %arg9: memref<80x128xf32, #tpu.memory_space<vmem>>, %arg10: memref<128x128xf32, #tpu.memory_space<vmem>>, %arg11: memref<10240x128xf32, #tpu.memory_space<vmem_shared>>, %arg12: memref<!tpu.dma_semaphore, #tpu.memory_space<semaphore_mem>>, %arg13: memref<!tpu.dma_semaphore, #tpu.memory_space<semaphore_mem>>, %arg14: memref<!tpu.dma_semaphore, #tpu.memory_space<semaphore_mem>>) attributes {dimension_semantics = [#tpu.dimension_semantics<core_parallel>, #tpu.dimension_semantics<subcore_parallel>], iteration_bounds = array<i64: 2, 16>, scalar_prefetch = 0 : i64, scratch_operands = 9 : i64, tpu.core_type = #tpu.core_type<sc_vector_subcore>, window_params = [{transform_indices = #map}, {transform_indices = #map1}, {transform_indices = #map1}, {transform_indices = #map2}]} {
    %mul3A = arith.constant 2 : i32
    %mul3A_0 = arith.muli %arg1, %mul3A : i32
    %add3A = arith.addi %mul3A_0, %arg0 : i32
    %mul3A_1 = arith.constant 10000 : i32
    %mul3A_2 = arith.muli %add3A, %mul3A_1 : i32
    %dma_start3A = tpu.memref_slice %arg3[%mul3A_2] : memref<320000xi32, #tpu.memory_space<hbm>> -> memref<10000xi32, #tpu.memory_space<hbm>>
    %dma_start3A_3 = tpu.memref_slice %arg3[%mul3A_2] : memref<320000xi32, #tpu.memory_space<hbm>> -> memref<10000xi32, #tpu.memory_space<hbm>>
    tpu.enqueue_dma source(%dma_start3A_3 : memref<10000xi32, #tpu.memory_space<hbm>>) target(%arg6 : memref<10000xi32, #tpu.memory_space<vmem>>) target_semaphore(%arg14 : memref<!tpu.dma_semaphore, #tpu.memory_space<semaphore_mem>>)
    %scan3A = arith.constant 0 : i32
    %scan3A_4 = arith.constant 0 : i32
    %scan3A_5 = arith.constant 128 : i32
    %scan3A_6 = arith.addi %scan3A_4, %scan3A_5 : i32
    %scan3A_7 = arith.constant 1 : i32
    %scan3A_8 = scf.for %scan3A_45 = %scan3A_4 to %scan3A_6 step %scan3A_7 iter_args(%scan3A_46 = %scan3A) -> (i32)  : i32 {
      %broadcast_in_dim3A = arith.constant 0.000000e+00 : f32
      %broadcast_in_dim3A_47 = vector.broadcast %broadcast_in_dim3A : f32 to vector<16xf32>
      %swap3A = arith.index_cast %scan3A_45 : i32 to index
      %swap3A_48 = arith.constant 0 : index
      %swap3A_49 = tpu.vector_load %arg10[%swap3A, %swap3A_48] {strides = array<i32>} : memref<128x128xf32, #tpu.memory_space<vmem>>, vector<1x16xf32>,
      %swap3A_50 = vector.shape_cast %swap3A_49 : vector<1x16xf32> to vector<16xf32>
      %swap3A_51 = vector.shape_cast %broadcast_in_dim3A_47 : vector<16xf32> to vector<1x16xf32>
      tpu.vector_store %arg10[%swap3A, %swap3A_48], %swap3A_51 {strides = array<i32>} : memref<128x128xf32, #tpu.memory_space<vmem>>, vector<1x16xf32>,
      %swap3A_52 = arith.index_cast %scan3A_45 : i32 to index
      %swap3A_53 = arith.constant 16 : index
      %swap3A_54 = tpu.vector_load %arg10[%swap3A_52, %swap3A_53] {strides = array<i32>} : memref<128x128xf32, #tpu.memory_space<vmem>>, vector<1x16xf32>,
      %swap3A_55 = vector.shape_cast %swap3A_54 : vector<1x16xf32> to vector<16xf32>
      %swap3A_56 = vector.shape_cast %broadcast_in_dim3A_47 : vector<16xf32> to vector<1x16xf32>
      tpu.vector_store %arg10[%swap3A_52, %swap3A_53], %swap3A_56 {strides = array<i32>} : memref<128x128xf32, #tpu.memory_space<vmem>>, vector<1x16xf32>,
      %swap3A_57 = arith.index_cast %scan3A_45 : i32 to index
      %swap3A_58 = arith.constant 32 : index
      %swap3A_59 = tpu.vector_load %arg10[%swap3A_57, %swap3A_58] {strides = array<i32>} : memref<128x128xf32, #tpu.memory_space<vmem>>, vector<1x16xf32>,
      %swap3A_60 = vector.shape_cast %swap3A_59 : vector<1x16xf32> to vector<16xf32>
      %swap3A_61 = vector.shape_cast %broadcast_in_dim3A_47 : vector<16xf32> to vector<1x16xf32>
      tpu.vector_store %arg10[%swap3A_57, %swap3A_58], %swap3A_61 {strides = array<i32>} : memref<128x128xf32, #tpu.memory_space<vmem>>, vector<1x16xf32>,
      %swap3A_62 = arith.index_cast %scan3A_45 : i32 to index
      %swap3A_63 = arith.constant 48 : index
      %swap3A_64 = tpu.vector_load %arg10[%swap3A_62, %swap3A_63] {strides = array<i32>} : memref<128x128xf32, #tpu.memory_space<vmem>>, vector<1x16xf32>,
      %swap3A_65 = vector.shape_cast %swap3A_64 : vector<1x16xf32> to vector<16xf32>
      %swap3A_66 = vector.shape_cast %broadcast_in_dim3A_47 : vector<16xf32> to vector<1x16xf32>
      tpu.vector_store %arg10[%swap3A_62, %swap3A_63], %swap3A_66 {strides = array<i32>} : memref<128x128xf32, #tpu.memory_space<vmem>>, vector<1x16xf32>,
      %swap3A_67 = arith.index_cast %scan3A_45 : i32 to index
      %swap3A_68 = arith.constant 64 : index
      %swap3A_69 = tpu.vector_load %arg10[%swap3A_67, %swap3A_68] {strides = array<i32>} : memref<128x128xf32, #tpu.memory_space<vmem>>, vector<1x16xf32>,
      %swap3A_70 = vector.shape_cast %swap3A_69 : vector<1x16xf32> to vector<16xf32>
      %swap3A_71 = vector.shape_cast %broadcast_in_dim3A_47 : vector<16xf32> to vector<1x16xf32>
      tpu.vector_store %arg10[%swap3A_67, %swap3A_68], %swap3A_71 {strides = array<i32>} : memref<128x128xf32, #tpu.memory_space<vmem>>, vector<1x16xf32>,
      %swap3A_72 = arith.index_cast %scan3A_45 : i32 to index
      %swap3A_73 = arith.constant 80 : index
      %swap3A_74 = tpu.vector_load %arg10[%swap3A_72, %swap3A_73] {strides = array<i32>} : memref<128x128xf32, #tpu.memory_space<vmem>>, vector<1x16xf32>,
      %swap3A_75 = vector.shape_cast %swap3A_74 : vector<1x16xf32> to vector<16xf32>
      %swap3A_76 = vector.shape_cast %broadcast_in_dim3A_47 : vector<16xf32> to vector<1x16xf32>
      tpu.vector_store %arg10[%swap3A_72, %swap3A_73], %swap3A_76 {strides = array<i32>} : memref<128x128xf32, #tpu.memory_space<vmem>>, vector<1x16xf32>,
      %swap3A_77 = arith.index_cast %scan3A_45 : i32 to index
      %swap3A_78 = arith.constant 96 : index
      %swap3A_79 = tpu.vector_load %arg10[%swap3A_77, %swap3A_78] {strides = array<i32>} : memref<128x128xf32, #tpu.memory_space<vmem>>, vector<1x16xf32>,
      %swap3A_80 = vector.shape_cast %swap3A_79 : vector<1x16xf32> to vector<16xf32>
      %swap3A_81 = vector.shape_cast %broadcast_in_dim3A_47 : vector<16xf32> to vector<1x16xf32>
      tpu.vector_store %arg10[%swap3A_77, %swap3A_78], %swap3A_81 {strides = array<i32>} : memref<128x128xf32, #tpu.memory_space<vmem>>, vector<1x16xf32>,
      %swap3A_82 = arith.index_cast %scan3A_45 : i32 to index
      %swap3A_83 = arith.constant 112 : index
      %swap3A_84 = tpu.vector_load %arg10[%swap3A_82, %swap3A_83] {strides = array<i32>} : memref<128x128xf32, #tpu.memory_space<vmem>>, vector<1x16xf32>,
      %swap3A_85 = vector.shape_cast %swap3A_84 : vector<1x16xf32> to vector<16xf32>
      %swap3A_86 = vector.shape_cast %broadcast_in_dim3A_47 : vector<16xf32> to vector<1x16xf32>
      tpu.vector_store %arg10[%swap3A_82, %swap3A_83], %swap3A_86 {strides = array<i32>} : memref<128x128xf32, #tpu.memory_space<vmem>>, vector<1x16xf32>,
      %scan3A_87 = arith.constant 0 : i32
      scf.yield %scan3A_87 : i32
    }
    %scan3A_9 = arith.constant 128 : i32
    %mul3A_10 = arith.constant 640 : i32
    %mul3A_11 = arith.muli %arg1, %mul3A_10 : i32
    %add3A_12 = arith.constant 0 : i32
    %add3A_13 = arith.addi %mul3A_11, %add3A_12 : i32
    "tpu.region"() ({
      %run_scoped3A = tpu.sem_alloc : memref<!tpu.dma_semaphore, #tpu.memory_space<semaphore_mem>>
      %dma_start3A_45 = arith.constant 0 : i32
      %dma_start3A_46 = tpu.memref_slice %arg11[%add3A_13, %dma_start3A_45] : memref<10240x128xf32, #tpu.memory_space<vmem_shared>> -> memref<128x128xf32, #tpu.memory_space<vmem_shared>>
      %dma_start3A_47 = arith.constant 0 : i32
      %dma_start3A_48 = tpu.memref_slice %arg11[%add3A_13, %dma_start3A_47] : memref<10240x128xf32, #tpu.memory_space<vmem_shared>> -> memref<128x128xf32, #tpu.memory_space<vmem_shared>>
      tpu.enqueue_dma source(%arg10 : memref<128x128xf32, #tpu.memory_space<vmem>>) target(%dma_start3A_48 : memref<128x128xf32, #tpu.memory_space<vmem_shared>>) target_semaphore(%run_scoped3A : memref<!tpu.dma_semaphore, #tpu.memory_space<semaphore_mem>>)
      %dma_wait3A_49 = arith.constant 0 : i32
      %dma_wait3A_50 = tpu.memref_slice %arg11[%add3A_13, %dma_wait3A_49] : memref<10240x128xf32, #tpu.memory_space<vmem_shared>> -> memref<128x128xf32, #tpu.memory_space<vmem_shared>>
      %dma_wait3A_51 = arith.constant 0 : i32
      %dma_wait3A_52 = tpu.memref_slice %arg11[%add3A_13, %dma_wait3A_51] : memref<10240x128xf32, #tpu.memory_space<vmem_shared>> -> memref<128x128xf32, #tpu.memory_space<vmem_shared>>
      tpu.wait_dma2 semaphore(%run_scoped3A : memref<!tpu.dma_semaphore, #tpu.memory_space<semaphore_mem>>) src(%arg10 : memref<128x128xf32, #tpu.memory_space<vmem>>) dst(%dma_wait3A_52 : memref<128x128xf32, #tpu.memory_space<vmem_shared>>)
      tpu.yield
    }) : () -> ()
    %mul3A_14 = arith.constant 640 : i32
    %mul3A_15 = arith.muli %arg1, %mul3A_14 : i32
    %add3A_16 = arith.constant 128 : i32
    %add3A_17 = arith.addi %mul3A_15, %add3A_16 : i32
    "tpu.region"() ({
      %run_scoped3A = tpu.sem_alloc : memref<!tpu.dma_semaphore, #tpu.memory_space<semaphore_mem>>
      %dma_start3A_45 = arith.constant 0 : i32
      %dma_start3A_46 = tpu.memref_slice %arg11[%add3A_17, %dma_start3A_45] : memref<10240x128xf32, #tpu.memory_space<vmem_shared>> -> memref<128x128xf32, #tpu.memory_space<vmem_shared>>
      %dma_start3A_47 = arith.constant 0 : i32
      %dma_start3A_48 = tpu.memref_slice %arg11[%add3A_17, %dma_start3A_47] : memref<10240x128xf32, #tpu.memory_space<vmem_shared>> -> memref<128x128xf32, #tpu.memory_space<vmem_shared>>
      tpu.enqueue_dma source(%arg10 : memref<128x128xf32, #tpu.memory_space<vmem>>) target(%dma_start3A_48 : memref<128x128xf32, #tpu.memory_space<vmem_shared>>) target_semaphore(%run_scoped3A : memref<!tpu.dma_semaphore, #tpu.memory_space<semaphore_mem>>)
      %dma_wait3A_49 = arith.constant 0 : i32
      %dma_wait3A_50 = tpu.memref_slice %arg11[%add3A_17, %dma_wait3A_49] : memref<10240x128xf32, #tpu.memory_space<vmem_shared>> -> memref<128x128xf32, #tpu.memory_space<vmem_shared>>
      %dma_wait3A_51 = arith.constant 0 : i32
      %dma_wait3A_52 = tpu.memref_slice %arg11[%add3A_17, %dma_wait3A_51] : memref<10240x128xf32, #tpu.memory_space<vmem_shared>> -> memref<128x128xf32, #tpu.memory_space<vmem_shared>>
      tpu.wait_dma2 semaphore(%run_scoped3A : memref<!tpu.dma_semaphore, #tpu.memory_space<semaphore_mem>>) src(%arg10 : memref<128x128xf32, #tpu.memory_space<vmem>>) dst(%dma_wait3A_52 : memref<128x128xf32, #tpu.memory_space<vmem_shared>>)
      tpu.yield
    }) : () -> ()
    %mul3A_18 = arith.constant 640 : i32
    %mul3A_19 = arith.muli %arg1, %mul3A_18 : i32
    %add3A_20 = arith.constant 256 : i32
    %add3A_21 = arith.addi %mul3A_19, %add3A_20 : i32
    "tpu.region"() ({
      %run_scoped3A = tpu.sem_alloc : memref<!tpu.dma_semaphore, #tpu.memory_space<semaphore_mem>>
      %dma_start3A_45 = arith.constant 0 : i32
      %dma_start3A_46 = tpu.memref_slice %arg11[%add3A_21, %dma_start3A_45] : memref<10240x128xf32, #tpu.memory_space<vmem_shared>> -> memref<128x128xf32, #tpu.memory_space<vmem_shared>>
      %dma_start3A_47 = arith.constant 0 : i32
      %dma_start3A_48 = tpu.memref_slice %arg11[%add3A_21, %dma_start3A_47] : memref<10240x128xf32, #tpu.memory_space<vmem_shared>> -> memref<128x128xf32, #tpu.memory_space<vmem_shared>>
      tpu.enqueue_dma source(%arg10 : memref<128x128xf32, #tpu.memory_space<vmem>>) target(%dma_start3A_48 : memref<128x128xf32, #tpu.memory_space<vmem_shared>>) target_semaphore(%run_scoped3A : memref<!tpu.dma_semaphore, #tpu.memory_space<semaphore_mem>>)
      %dma_wait3A_49 = arith.constant 0 : i32
      %dma_wait3A_50 = tpu.memref_slice %arg11[%add3A_21, %dma_wait3A_49] : memref<10240x128xf32, #tpu.memory_space<vmem_shared>> -> memref<128x128xf32, #tpu.memory_space<vmem_shared>>
      %dma_wait3A_51 = arith.constant 0 : i32
      %dma_wait3A_52 = tpu.memref_slice %arg11[%add3A_21, %dma_wait3A_51] : memref<10240x128xf32, #tpu.memory_space<vmem_shared>> -> memref<128x128xf32, #tpu.memory_space<vmem_shared>>
      tpu.wait_dma2 semaphore(%run_scoped3A : memref<!tpu.dma_semaphore, #tpu.memory_space<semaphore_mem>>) src(%arg10 : memref<128x128xf32, #tpu.memory_space<vmem>>) dst(%dma_wait3A_52 : memref<128x128xf32, #tpu.memory_space<vmem_shared>>)
      tpu.yield
    }) : () -> ()
    %mul3A_22 = arith.constant 640 : i32
    %mul3A_23 = arith.muli %arg1, %mul3A_22 : i32
    %add3A_24 = arith.constant 384 : i32
    %add3A_25 = arith.addi %mul3A_23, %add3A_24 : i32
    "tpu.region"() ({
      %run_scoped3A = tpu.sem_alloc : memref<!tpu.dma_semaphore, #tpu.memory_space<semaphore_mem>>
      %dma_start3A_45 = arith.constant 0 : i32
      %dma_start3A_46 = tpu.memref_slice %arg11[%add3A_25, %dma_start3A_45] : memref<10240x128xf32, #tpu.memory_space<vmem_shared>> -> memref<128x128xf32, #tpu.memory_space<vmem_shared>>
      %dma_start3A_47 = arith.constant 0 : i32
      %dma_start3A_48 = tpu.memref_slice %arg11[%add3A_25, %dma_start3A_47] : memref<10240x128xf32, #tpu.memory_space<vmem_shared>> -> memref<128x128xf32, #tpu.memory_space<vmem_shared>>
      tpu.enqueue_dma source(%arg10 : memref<128x128xf32, #tpu.memory_space<vmem>>) target(%dma_start3A_48 : memref<128x128xf32, #tpu.memory_space<vmem_shared>>) target_semaphore(%run_scoped3A : memref<!tpu.dma_semaphore, #tpu.memory_space<semaphore_mem>>)
      %dma_wait3A_49 = arith.constant 0 : i32
      %dma_wait3A_50 = tpu.memref_slice %arg11[%add3A_25, %dma_wait3A_49] : memref<10240x128xf32, #tpu.memory_space<vmem_shared>> -> memref<128x128xf32, #tpu.memory_space<vmem_shared>>
      %dma_wait3A_51 = arith.constant 0 : i32
      %dma_wait3A_52 = tpu.memref_slice %arg11[%add3A_25, %dma_wait3A_51] : memref<10240x128xf32, #tpu.memory_space<vmem_shared>> -> memref<128x128xf32, #tpu.memory_space<vmem_shared>>
      tpu.wait_dma2 semaphore(%run_scoped3A : memref<!tpu.dma_semaphore, #tpu.memory_space<semaphore_mem>>) src(%arg10 : memref<128x128xf32, #tpu.memory_space<vmem>>) dst(%dma_wait3A_52 : memref<128x128xf32, #tpu.memory_space<vmem_shared>>)
      tpu.yield
    }) : () -> ()
    %mul3A_26 = arith.constant 640 : i32
    %mul3A_27 = arith.muli %arg1, %mul3A_26 : i32
    %add3A_28 = arith.constant 512 : i32
    %add3A_29 = arith.addi %mul3A_27, %add3A_28 : i32
    "tpu.region"() ({
      %run_scoped3A = tpu.sem_alloc : memref<!tpu.dma_semaphore, #tpu.memory_space<semaphore_mem>>
      %dma_start3A_45 = arith.constant 0 : i32
      %dma_start3A_46 = tpu.memref_slice %arg11[%add3A_29, %dma_start3A_45] : memref<10240x128xf32, #tpu.memory_space<vmem_shared>> -> memref<128x128xf32, #tpu.memory_space<vmem_shared>>
      %dma_start3A_47 = arith.constant 0 : i32
      %dma_start3A_48 = tpu.memref_slice %arg11[%add3A_29, %dma_start3A_47] : memref<10240x128xf32, #tpu.memory_space<vmem_shared>> -> memref<128x128xf32, #tpu.memory_space<vmem_shared>>
      tpu.enqueue_dma source(%arg10 : memref<128x128xf32, #tpu.memory_space<vmem>>) target(%dma_start3A_48 : memref<128x128xf32, #tpu.memory_space<vmem_shared>>) target_semaphore(%run_scoped3A : memref<!tpu.dma_semaphore, #tpu.memory_space<semaphore_mem>>)
      %dma_wait3A_49 = arith.constant 0 : i32
      %dma_wait3A_50 = tpu.memref_slice %arg11[%add3A_29, %dma_wait3A_49] : memref<10240x128xf32, #tpu.memory_space<vmem_shared>> -> memref<128x128xf32, #tpu.memory_space<vmem_shared>>
      %dma_wait3A_51 = arith.constant 0 : i32
      %dma_wait3A_52 = tpu.memref_slice %arg11[%add3A_29, %dma_wait3A_51] : memref<10240x128xf32, #tpu.memory_space<vmem_shared>> -> memref<128x128xf32, #tpu.memory_space<vmem_shared>>
      tpu.wait_dma2 semaphore(%run_scoped3A : memref<!tpu.dma_semaphore, #tpu.memory_space<semaphore_mem>>) src(%arg10 : memref<128x128xf32, #tpu.memory_space<vmem>>) dst(%dma_wait3A_52 : memref<128x128xf32, #tpu.memory_space<vmem_shared>>)
      tpu.yield
    }) : () -> ()
    %dma_wait3A = arith.constant 0 : i32
    %dma_wait3A_30 = tpu.memref_slice %arg3[%dma_wait3A] : memref<320000xi32, #tpu.memory_space<hbm>> -> memref<10000xi32, #tpu.memory_space<hbm>>
    %dma_wait3A_31 = arith.constant 0 : i32
    %dma_wait3A_32 = tpu.memref_slice %arg3[%dma_wait3A_31] : memref<320000xi32, #tpu.memory_space<hbm>> -> memref<10000xi32, #tpu.memory_space<hbm>>
    tpu.wait_dma2 semaphore(%arg14 : memref<!tpu.dma_semaphore, #tpu.memory_space<semaphore_mem>>) src(%dma_wait3A_32 : memref<10000xi32, #tpu.memory_space<hbm>>) dst(%arg6 : memref<10000xi32, #tpu.memory_space<vmem>>)
    %barrier3A = arith.constant 0 : index
    tpu.barrier barrier_id(%barrier3A)
    %scan3A_33 = arith.constant 0 : i32
    %scan3A_34 = arith.constant 0 : i32
    %scan3A_35 = arith.constant 125 : i32
    %scan3A_36 = arith.addi %scan3A_34, %scan3A_35 : i32
    %scan3A_37 = arith.constant 1 : i32
    %scan3A_38 = scf.for %scan3A_45 = %scan3A_34 to %scan3A_36 step %scan3A_37 iter_args(%scan3A_46 = %scan3A_33) -> (i32)  : i32 {
      %mul3A_47 = arith.constant 10000 : i32
      %mul3A_48 = arith.muli %add3A, %mul3A_47 : i32
      %mul3A_49 = arith.constant 80 : i32
      %mul3A_50 = arith.muli %scan3A_45, %mul3A_49 : i32
      %add3A_51 = arith.addi %mul3A_48, %mul3A_50 : i32
      %dma_start3A_52 = tpu.memref_slice %arg4[%add3A_51] : memref<320000xi32, #tpu.memory_space<hbm>> -> memref<80xi32, #tpu.memory_space<hbm>>
      %dma_start3A_53 = tpu.memref_slice %arg4[%add3A_51] : memref<320000xi32, #tpu.memory_space<hbm>> -> memref<80xi32, #tpu.memory_space<hbm>>
      tpu.enqueue_dma source(%dma_start3A_53 : memref<80xi32, #tpu.memory_space<hbm>>) target(%arg8 : memref<80xi32, #tpu.memory_space<vmem>>) target_semaphore(%arg13 : memref<!tpu.dma_semaphore, #tpu.memory_space<semaphore_mem>>)
      %mul3A_54 = arith.constant 80 : i32
      %mul3A_55 = arith.muli %scan3A_45, %mul3A_54 : i32
      %add3A_56 = arith.constant 0 : i32
      %add3A_57 = arith.addi %mul3A_55, %add3A_56 : i32
      %get3A = arith.index_cast %add3A_57 : i32 to index
      %get3A_58 = tpu.vector_load %arg6[%get3A] {strides = array<i32>} : memref<10000xi32, #tpu.memory_space<vmem>>, vector<16xi32>,
      %get3A_59 = vector.shape_cast %get3A_58 : vector<16xi32> to vector<16xi32>
      %swap3A = arith.constant 0 : index
      %swap3A_60 = tpu.vector_load %arg7[%swap3A] {strides = array<i32>} : memref<80xi32, #tpu.memory_space<vmem>>, vector<16xi32>,
      %swap3A_61 = vector.shape_cast %swap3A_60 : vector<16xi32> to vector<16xi32>
      %swap3A_62 = vector.shape_cast %get3A_59 : vector<16xi32> to vector<16xi32>
      tpu.vector_store %arg7[%swap3A], %swap3A_62 {strides = array<i32>} : memref<80xi32, #tpu.memory_space<vmem>>, vector<16xi32>,
      %mul3A_63 = arith.constant 80 : i32
      %mul3A_64 = arith.muli %scan3A_45, %mul3A_63 : i32
      %add3A_65 = arith.constant 16 : i32
      %add3A_66 = arith.addi %mul3A_64, %add3A_65 : i32
      %get3A_67 = arith.index_cast %add3A_66 : i32 to index
      %get3A_68 = tpu.vector_load %arg6[%get3A_67] {strides = array<i32>} : memref<10000xi32, #tpu.memory_space<vmem>>, vector<16xi32>,
      %get3A_69 = vector.shape_cast %get3A_68 : vector<16xi32> to vector<16xi32>
      %swap3A_70 = arith.constant 16 : index
      %swap3A_71 = tpu.vector_load %arg7[%swap3A_70] {strides = array<i32>} : memref<80xi32, #tpu.memory_space<vmem>>, vector<16xi32>,
      %swap3A_72 = vector.shape_cast %swap3A_71 : vector<16xi32> to vector<16xi32>
      %swap3A_73 = vector.shape_cast %get3A_69 : vector<16xi32> to vector<16xi32>
      tpu.vector_store %arg7[%swap3A_70], %swap3A_73 {strides = array<i32>} : memref<80xi32, #tpu.memory_space<vmem>>, vector<16xi32>,
      %mul3A_74 = arith.constant 80 : i32
      %mul3A_75 = arith.muli %scan3A_45, %mul3A_74 : i32
      %add3A_76 = arith.constant 32 : i32
      %add3A_77 = arith.addi %mul3A_75, %add3A_76 : i32
      %get3A_78 = arith.index_cast %add3A_77 : i32 to index
      %get3A_79 = tpu.vector_load %arg6[%get3A_78] {strides = array<i32>} : memref<10000xi32, #tpu.memory_space<vmem>>, vector<16xi32>,
      %get3A_80 = vector.shape_cast %get3A_79 : vector<16xi32> to vector<16xi32>
      %swap3A_81 = arith.constant 32 : index
      %swap3A_82 = tpu.vector_load %arg7[%swap3A_81] {strides = array<i32>} : memref<80xi32, #tpu.memory_space<vmem>>, vector<16xi32>,
      %swap3A_83 = vector.shape_cast %swap3A_82 : vector<16xi32> to vector<16xi32>
      %swap3A_84 = vector.shape_cast %get3A_80 : vector<16xi32> to vector<16xi32>
      tpu.vector_store %arg7[%swap3A_81], %swap3A_84 {strides = array<i32>} : memref<80xi32, #tpu.memory_space<vmem>>, vector<16xi32>,
      %mul3A_85 = arith.constant 80 : i32
      %mul3A_86 = arith.muli %scan3A_45, %mul3A_85 : i32
      %add3A_87 = arith.constant 48 : i32
      %add3A_88 = arith.addi %mul3A_86, %add3A_87 : i32
      %get3A_89 = arith.index_cast %add3A_88 : i32 to index
      %get3A_90 = tpu.vector_load %arg6[%get3A_89] {strides = array<i32>} : memref<10000xi32, #tpu.memory_space<vmem>>, vector<16xi32>,
      %get3A_91 = vector.shape_cast %get3A_90 : vector<16xi32> to vector<16xi32>
      %swap3A_92 = arith.constant 48 : index
      %swap3A_93 = tpu.vector_load %arg7[%swap3A_92] {strides = array<i32>} : memref<80xi32, #tpu.memory_space<vmem>>, vector<16xi32>,
      %swap3A_94 = vector.shape_cast %swap3A_93 : vector<16xi32> to vector<16xi32>
      %swap3A_95 = vector.shape_cast %get3A_91 : vector<16xi32> to vector<16xi32>
      tpu.vector_store %arg7[%swap3A_92], %swap3A_95 {strides = array<i32>} : memref<80xi32, #tpu.memory_space<vmem>>, vector<16xi32>,
      %mul3A_96 = arith.constant 80 : i32
      %mul3A_97 = arith.muli %scan3A_45, %mul3A_96 : i32
      %add3A_98 = arith.constant 64 : i32
      %add3A_99 = arith.addi %mul3A_97, %add3A_98 : i32
      %get3A_100 = arith.index_cast %add3A_99 : i32 to index
      %get3A_101 = tpu.vector_load %arg6[%get3A_100] {strides = array<i32>} : memref<10000xi32, #tpu.memory_space<vmem>>, vector<16xi32>,
      %get3A_102 = vector.shape_cast %get3A_101 : vector<16xi32> to vector<16xi32>
      %swap3A_103 = arith.constant 64 : index
      %swap3A_104 = tpu.vector_load %arg7[%swap3A_103] {strides = array<i32>} : memref<80xi32, #tpu.memory_space<vmem>>, vector<16xi32>,
      %swap3A_105 = vector.shape_cast %swap3A_104 : vector<16xi32> to vector<16xi32>
      %swap3A_106 = vector.shape_cast %get3A_102 : vector<16xi32> to vector<16xi32>
      tpu.vector_store %arg7[%swap3A_103], %swap3A_106 {strides = array<i32>} : memref<80xi32, #tpu.memory_space<vmem>>, vector<16xi32>,
      %dma_start3A_107 = arith.constant 0 : i32
      %dma_start3A_108 = arith.constant 0 : i32
      %dma_start3A_109 = tpu.memref_slice %arg2[%dma_start3A_107, %dma_start3A_108] : memref<10000x128xf32, #tpu.memory_space<hbm>> -> memref<10000x128xf32, #tpu.memory_space<hbm>>
      tpu.enqueue_indirect_dma source(%dma_start3A_109 : memref<10000x128xf32, #tpu.memory_space<hbm>>) target(%arg9 : memref<80x128xf32, #tpu.memory_space<vmem>>) offsets(%arg7 : memref<80xi32, #tpu.memory_space<vmem>>) semaphore(%arg12 : memref<!tpu.dma_semaphore, #tpu.memory_space<semaphore_mem>>)
      %dma_wait3A_110 = arith.constant 0 : i32
      %dma_wait3A_111 = arith.constant 0 : i32
      %dma_wait3A_112 = tpu.memref_slice %arg2[%dma_wait3A_110, %dma_wait3A_111] : memref<10000x128xf32, #tpu.memory_space<hbm>> -> memref<10000x128xf32, #tpu.memory_space<hbm>>
      tpu.wait_indirect_dma semaphore(%arg12 : memref<!tpu.dma_semaphore, #tpu.memory_space<semaphore_mem>>) src(%dma_wait3A_112 : memref<10000x128xf32, #tpu.memory_space<hbm>>) dst(%arg9 : memref<80x128xf32, #tpu.memory_space<vmem>>)
      %dma_wait3A_113 = arith.constant 0 : i32
      %dma_wait3A_114 = tpu.memref_slice %arg4[%dma_wait3A_113] : memref<320000xi32, #tpu.memory_space<hbm>> -> memref<80xi32, #tpu.memory_space<hbm>>
      %dma_wait3A_115 = arith.constant 0 : i32
      %dma_wait3A_116 = tpu.memref_slice %arg4[%dma_wait3A_115] : memref<320000xi32, #tpu.memory_space<hbm>> -> memref<80xi32, #tpu.memory_space<hbm>>
      tpu.wait_dma2 semaphore(%arg13 : memref<!tpu.dma_semaphore, #tpu.memory_space<semaphore_mem>>) src(%dma_wait3A_116 : memref<80xi32, #tpu.memory_space<hbm>>) dst(%arg8 : memref<80xi32, #tpu.memory_space<vmem>>)
      "tpu.region"() ({
        %run_scoped3A = tpu.sem_alloc : memref<!tpu.dma_semaphore, #tpu.memory_space<semaphore_mem>>
        %dma_start3A_118 = arith.constant 0 : i32
        %dma_start3A_119 = arith.constant 0 : i32
        %dma_start3A_120 = tpu.memref_slice %arg11[%dma_start3A_118, %dma_start3A_119] : memref<10240x128xf32, #tpu.memory_space<vmem_shared>> -> memref<10240x128xf32, #tpu.memory_space<vmem_shared>>
        tpu.enqueue_indirect_dma source(%arg9 : memref<80x128xf32, #tpu.memory_space<vmem>>) target(%dma_start3A_120 : memref<10240x128xf32, #tpu.memory_space<vmem_shared>>) offsets(%arg8 : memref<80xi32, #tpu.memory_space<vmem>>) semaphore(%run_scoped3A : memref<!tpu.dma_semaphore, #tpu.memory_space<semaphore_mem>>) {add = true}
        %dma_wait3A_121 = arith.constant 0 : i32
        %dma_wait3A_122 = arith.constant 0 : i32
        %dma_wait3A_123 = tpu.memref_slice %arg11[%dma_wait3A_121, %dma_wait3A_122] : memref<10240x128xf32, #tpu.memory_space<vmem_shared>> -> memref<10240x128xf32, #tpu.memory_space<vmem_shared>>
        tpu.wait_indirect_dma semaphore(%run_scoped3A : memref<!tpu.dma_semaphore, #tpu.memory_space<semaphore_mem>>) src(%arg9 : memref<80x128xf32, #tpu.memory_space<vmem>>) dst(%dma_wait3A_123 : memref<10240x128xf32, #tpu.memory_space<vmem_shared>>)
        tpu.yield
      }) : () -> ()
      %scan3A_117 = arith.constant 0 : i32
      scf.yield %scan3A_117 : i32
    }
    %scan3A_39 = arith.constant 125 : i32
    %barrier3A_40 = arith.constant 0 : index
    tpu.barrier barrier_id(%barrier3A_40)
    %mul3A_41 = arith.constant 640 : i32
    %mul3A_42 = arith.muli %arg1, %mul3A_41 : i32
    %mul3A_43 = arith.constant 640 : i32
    %mul3A_44 = arith.muli %arg1, %mul3A_43 : i32
    "tpu.region"() ({
      %run_scoped3A = tpu.sem_alloc : memref<!tpu.dma_semaphore, #tpu.memory_space<semaphore_mem>>
      %dma_start3A_45 = arith.constant 0 : i32
      %dma_start3A_46 = tpu.memref_slice %arg5[%arg0, %mul3A_44, %dma_start3A_45] : memref<2x10240x128xf32, #tpu.memory_space<hbm>> -> memref<1x640x128xf32, #tpu.memory_space<hbm>>
      %dma_start3A_47 = tpu.memref_squeeze %dma_start3A_46 : memref<1x640x128xf32, #tpu.memory_space<hbm>> -> memref<640x128xf32, #tpu.memory_space<hbm>>
      %dma_start3A_48 = arith.constant 0 : i32
      %dma_start3A_49 = tpu.memref_slice %arg11[%mul3A_42, %dma_start3A_48] : memref<10240x128xf32, #tpu.memory_space<vmem_shared>> -> memref<640x128xf32, #tpu.memory_space<vmem_shared>>
      tpu.enqueue_dma source(%dma_start3A_49 : memref<640x128xf32, #tpu.memory_space<vmem_shared>>) target(%dma_start3A_47 : memref<640x128xf32, #tpu.memory_space<hbm>>) target_semaphore(%run_scoped3A : memref<!tpu.dma_semaphore, #tpu.memory_space<semaphore_mem>>)
      %dma_wait3A_50 = arith.constant 0 : i32
      %dma_wait3A_51 = tpu.memref_slice %arg5[%arg0, %mul3A_44, %dma_wait3A_50] : memref<2x10240x128xf32, #tpu.memory_space<hbm>> -> memref<1x640x128xf32, #tpu.memory_space<hbm>>
      %dma_wait3A_52 = tpu.memref_squeeze %dma_wait3A_51 : memref<1x640x128xf32, #tpu.memory_space<hbm>> -> memref<640x128xf32, #tpu.memory_space<hbm>>
      %dma_wait3A_53 = arith.constant 0 : i32
      %dma_wait3A_54 = tpu.memref_slice %arg11[%mul3A_42, %dma_wait3A_53] : memref<10240x128xf32, #tpu.memory_space<vmem_shared>> -> memref<640x128xf32, #tpu.memory_space<vmem_shared>>
      tpu.wait_dma2 semaphore(%run_scoped3A : memref<!tpu.dma_semaphore, #tpu.memory_space<semaphore_mem>>) src(%dma_wait3A_54 : memref<640x128xf32, #tpu.memory_space<vmem_shared>>) dst(%dma_wait3A_52 : memref<640x128xf32, #tpu.memory_space<hbm>>)
      tpu.yield
    }) : () -> ()
    return
  }
}

#map = affine_map<(d0, d1) -> (0, 0)>
#map1 = affine_map<(d0, d1) -> (0)>
#map2 = affine_map<(d0, d1) -> (0, 0, 0)>
module attributes {stable_mosaic.version = 14 : i64} {
  func.func @k(%arg0: i32, %arg1: i32, %arg2: memref<10000x128xf32, #tpu.memory_space<hbm>>, %arg3: memref<320000xi32, #tpu.memory_space<hbm>>, %arg4: memref<320000xi32, #tpu.memory_space<hbm>>, %arg5: memref<2x10240x128xf32, #tpu.memory_space<hbm>>, %arg6: memref<10000xi32, #tpu.memory_space<vmem>>, %arg7: memref<80xi32, #tpu.memory_space<vmem>>, %arg8: memref<80xi32, #tpu.memory_space<vmem>>, %arg9: memref<80x128xf32, #tpu.memory_space<vmem>>, %arg10: memref<128x128xf32, #tpu.memory_space<vmem>>, %arg11: memref<10240x128xf32, #tpu.memory_space<vmem_shared>>, %arg12: memref<!tpu.dma_semaphore, #tpu.memory_space<semaphore_mem>>, %arg13: memref<!tpu.dma_semaphore, #tpu.memory_space<semaphore_mem>>, %arg14: memref<!tpu.dma_semaphore, #tpu.memory_space<semaphore_mem>>) attributes {dimension_semantics = [#tpu.dimension_semantics<core_parallel>, #tpu.dimension_semantics<subcore_parallel>], iteration_bounds = array<i64: 2, 16>, scalar_prefetch = 0 : i64, scratch_operands = 9 : i64, tpu.core_type = #tpu.core_type<sc_vector_subcore>, window_params = [{transform_indices = #map}, {transform_indices = #map1}, {transform_indices = #map1}, {transform_indices = #map2}]} {
    %mul3A = arith.constant 2 : i32
    %mul3A_0 = arith.muli %arg1, %mul3A : i32
    %add3A = arith.addi %mul3A_0, %arg0 : i32
    %mul3A_1 = arith.constant 10000 : i32
    %mul3A_2 = arith.muli %add3A, %mul3A_1 : i32
    %dma_start3A = tpu.memref_slice %arg3[%mul3A_2] : memref<320000xi32, #tpu.memory_space<hbm>> -> memref<10000xi32, #tpu.memory_space<hbm>>
    %dma_start3A_3 = tpu.memref_slice %arg3[%mul3A_2] : memref<320000xi32, #tpu.memory_space<hbm>> -> memref<10000xi32, #tpu.memory_space<hbm>>
    tpu.enqueue_dma source(%dma_start3A_3 : memref<10000xi32, #tpu.memory_space<hbm>>) target(%arg6 : memref<10000xi32, #tpu.memory_space<vmem>>) target_semaphore(%arg14 : memref<!tpu.dma_semaphore, #tpu.memory_space<semaphore_mem>>)
    %scan3A = arith.constant 0 : i32
    %scan3A_4 = arith.constant 0 : i32
    %scan3A_5 = arith.constant 128 : i32
    %scan3A_6 = arith.addi %scan3A_4, %scan3A_5 : i32
    %scan3A_7 = arith.constant 1 : i32
    %scan3A_8 = scf.for %scan3A_45 = %scan3A_4 to %scan3A_6 step %scan3A_7 iter_args(%scan3A_46 = %scan3A) -> (i32)  : i32 {
      %broadcast_in_dim3A = arith.constant 0.000000e+00 : f32
      %broadcast_in_dim3A_47 = vector.broadcast %broadcast_in_dim3A : f32 to vector<16xf32>
      %swap3A = arith.index_cast %scan3A_45 : i32 to index
      %swap3A_48 = arith.constant 0 : index
      %swap3A_49 = tpu.vector_load %arg10[%swap3A, %swap3A_48] {strides = array<i32>} : memref<128x128xf32, #tpu.memory_space<vmem>>, vector<1x16xf32>,
      %swap3A_50 = vector.shape_cast %swap3A_49 : vector<1x16xf32> to vector<16xf32>
      %swap3A_51 = vector.shape_cast %broadcast_in_dim3A_47 : vector<16xf32> to vector<1x16xf32>
      tpu.vector_store %arg10[%swap3A, %swap3A_48], %swap3A_51 {strides = array<i32>} : memref<128x128xf32, #tpu.memory_space<vmem>>, vector<1x16xf32>,
      %swap3A_52 = arith.index_cast %scan3A_45 : i32 to index
      %swap3A_53 = arith.constant 16 : index
      %swap3A_54 = tpu.vector_load %arg10[%swap3A_52, %swap3A_53] {strides = array<i32>} : memref<128x128xf32, #tpu.memory_space<vmem>>, vector<1x16xf32>,
      %swap3A_55 = vector.shape_cast %swap3A_54 : vector<1x16xf32> to vector<16xf32>
      %swap3A_56 = vector.shape_cast %broadcast_in_dim3A_47 : vector<16xf32> to vector<1x16xf32>
      tpu.vector_store %arg10[%swap3A_52, %swap3A_53], %swap3A_56 {strides = array<i32>} : memref<128x128xf32, #tpu.memory_space<vmem>>, vector<1x16xf32>,
      %swap3A_57 = arith.index_cast %scan3A_45 : i32 to index
      %swap3A_58 = arith.constant 32 : index
      %swap3A_59 = tpu.vector_load %arg10[%swap3A_57, %swap3A_58] {strides = array<i32>} : memref<128x128xf32, #tpu.memory_space<vmem>>, vector<1x16xf32>,
      %swap3A_60 = vector.shape_cast %swap3A_59 : vector<1x16xf32> to vector<16xf32>
      %swap3A_61 = vector.shape_cast %broadcast_in_dim3A_47 : vector<16xf32> to vector<1x16xf32>
      tpu.vector_store %arg10[%swap3A_57, %swap3A_58], %swap3A_61 {strides = array<i32>} : memref<128x128xf32, #tpu.memory_space<vmem>>, vector<1x16xf32>,
      %swap3A_62 = arith.index_cast %scan3A_45 : i32 to index
      %swap3A_63 = arith.constant 48 : index
      %swap3A_64 = tpu.vector_load %arg10[%swap3A_62, %swap3A_63] {strides = array<i32>} : memref<128x128xf32, #tpu.memory_space<vmem>>, vector<1x16xf32>,
      %swap3A_65 = vector.shape_cast %swap3A_64 : vector<1x16xf32> to vector<16xf32>
      %swap3A_66 = vector.shape_cast %broadcast_in_dim3A_47 : vector<16xf32> to vector<1x16xf32>
      tpu.vector_store %arg10[%swap3A_62, %swap3A_63], %swap3A_66 {strides = array<i32>} : memref<128x128xf32, #tpu.memory_space<vmem>>, vector<1x16xf32>,
      %swap3A_67 = arith.index_cast %scan3A_45 : i32 to index
      %swap3A_68 = arith.constant 64 : index
      %swap3A_69 = tpu.vector_load %arg10[%swap3A_67, %swap3A_68] {strides = array<i32>} : memref<128x128xf32, #tpu.memory_space<vmem>>, vector<1x16xf32>,
      %swap3A_70 = vector.shape_cast %swap3A_69 : vector<1x16xf32> to vector<16xf32>
      %swap3A_71 = vector.shape_cast %broadcast_in_dim3A_47 : vector<16xf32> to vector<1x16xf32>
      tpu.vector_store %arg10[%swap3A_67, %swap3A_68], %swap3A_71 {strides = array<i32>} : memref<128x128xf32, #tpu.memory_space<vmem>>, vector<1x16xf32>,
      %swap3A_72 = arith.index_cast %scan3A_45 : i32 to index
      %swap3A_73 = arith.constant 80 : index
      %swap3A_74 = tpu.vector_load %arg10[%swap3A_72, %swap3A_73] {strides = array<i32>} : memref<128x128xf32, #tpu.memory_space<vmem>>, vector<1x16xf32>,
      %swap3A_75 = vector.shape_cast %swap3A_74 : vector<1x16xf32> to vector<16xf32>
      %swap3A_76 = vector.shape_cast %broadcast_in_dim3A_47 : vector<16xf32> to vector<1x16xf32>
      tpu.vector_store %arg10[%swap3A_72, %swap3A_73], %swap3A_76 {strides = array<i32>} : memref<128x128xf32, #tpu.memory_space<vmem>>, vector<1x16xf32>,
      %swap3A_77 = arith.index_cast %scan3A_45 : i32 to index
      %swap3A_78 = arith.constant 96 : index
      %swap3A_79 = tpu.vector_load %arg10[%swap3A_77, %swap3A_78] {strides = array<i32>} : memref<128x128xf32, #tpu.memory_space<vmem>>, vector<1x16xf32>,
      %swap3A_80 = vector.shape_cast %swap3A_79 : vector<1x16xf32> to vector<16xf32>
      %swap3A_81 = vector.shape_cast %broadcast_in_dim3A_47 : vector<16xf32> to vector<1x16xf32>
      tpu.vector_store %arg10[%swap3A_77, %swap3A_78], %swap3A_81 {strides = array<i32>} : memref<128x128xf32, #tpu.memory_space<vmem>>, vector<1x16xf32>,
      %swap3A_82 = arith.index_cast %scan3A_45 : i32 to index
      %swap3A_83 = arith.constant 112 : index
      %swap3A_84 = tpu.vector_load %arg10[%swap3A_82, %swap3A_83] {strides = array<i32>} : memref<128x128xf32, #tpu.memory_space<vmem>>, vector<1x16xf32>,
      %swap3A_85 = vector.shape_cast %swap3A_84 : vector<1x16xf32> to vector<16xf32>
      %swap3A_86 = vector.shape_cast %broadcast_in_dim3A_47 : vector<16xf32> to vector<1x16xf32>
      tpu.vector_store %arg10[%swap3A_82, %swap3A_83], %swap3A_86 {strides = array<i32>} : memref<128x128xf32, #tpu.memory_space<vmem>>, vector<1x16xf32>,
      %scan3A_87 = arith.constant 0 : i32
      scf.yield %scan3A_87 : i32
    }
    %scan3A_9 = arith.constant 128 : i32
    %mul3A_10 = arith.constant 640 : i32
    %mul3A_11 = arith.muli %arg1, %mul3A_10 : i32
    %add3A_12 = arith.constant 0 : i32
    %add3A_13 = arith.addi %mul3A_11, %add3A_12 : i32
    "tpu.region"() ({
      %run_scoped3A = tpu.sem_alloc : memref<!tpu.dma_semaphore, #tpu.memory_space<semaphore_mem>>
      %dma_start3A_45 = arith.constant 0 : i32
      %dma_start3A_46 = tpu.memref_slice %arg11[%add3A_13, %dma_start3A_45] : memref<10240x128xf32, #tpu.memory_space<vmem_shared>> -> memref<128x128xf32, #tpu.memory_space<vmem_shared>>
      %dma_start3A_47 = arith.constant 0 : i32
      %dma_start3A_48 = tpu.memref_slice %arg11[%add3A_13, %dma_start3A_47] : memref<10240x128xf32, #tpu.memory_space<vmem_shared>> -> memref<128x128xf32, #tpu.memory_space<vmem_shared>>
      tpu.enqueue_dma source(%arg10 : memref<128x128xf32, #tpu.memory_space<vmem>>) target(%dma_start3A_48 : memref<128x128xf32, #tpu.memory_space<vmem_shared>>) target_semaphore(%run_scoped3A : memref<!tpu.dma_semaphore, #tpu.memory_space<semaphore_mem>>)
      %dma_wait3A_49 = arith.constant 0 : i32
      %dma_wait3A_50 = tpu.memref_slice %arg11[%add3A_13, %dma_wait3A_49] : memref<10240x128xf32, #tpu.memory_space<vmem_shared>> -> memref<128x128xf32, #tpu.memory_space<vmem_shared>>
      %dma_wait3A_51 = arith.constant 0 : i32
      %dma_wait3A_52 = tpu.memref_slice %arg11[%add3A_13, %dma_wait3A_51] : memref<10240x128xf32, #tpu.memory_space<vmem_shared>> -> memref<128x128xf32, #tpu.memory_space<vmem_shared>>
      tpu.wait_dma2 semaphore(%run_scoped3A : memref<!tpu.dma_semaphore, #tpu.memory_space<semaphore_mem>>) src(%arg10 : memref<128x128xf32, #tpu.memory_space<vmem>>) dst(%dma_wait3A_52 : memref<128x128xf32, #tpu.memory_space<vmem_shared>>)
      tpu.yield
    }) : () -> ()
    %mul3A_14 = arith.constant 640 : i32
    %mul3A_15 = arith.muli %arg1, %mul3A_14 : i32
    %add3A_16 = arith.constant 128 : i32
    %add3A_17 = arith.addi %mul3A_15, %add3A_16 : i32
    "tpu.region"() ({
      %run_scoped3A = tpu.sem_alloc : memref<!tpu.dma_semaphore, #tpu.memory_space<semaphore_mem>>
      %dma_start3A_45 = arith.constant 0 : i32
      %dma_start3A_46 = tpu.memref_slice %arg11[%add3A_17, %dma_start3A_45] : memref<10240x128xf32, #tpu.memory_space<vmem_shared>> -> memref<128x128xf32, #tpu.memory_space<vmem_shared>>
      %dma_start3A_47 = arith.constant 0 : i32
      %dma_start3A_48 = tpu.memref_slice %arg11[%add3A_17, %dma_start3A_47] : memref<10240x128xf32, #tpu.memory_space<vmem_shared>> -> memref<128x128xf32, #tpu.memory_space<vmem_shared>>
      tpu.enqueue_dma source(%arg10 : memref<128x128xf32, #tpu.memory_space<vmem>>) target(%dma_start3A_48 : memref<128x128xf32, #tpu.memory_space<vmem_shared>>) target_semaphore(%run_scoped3A : memref<!tpu.dma_semaphore, #tpu.memory_space<semaphore_mem>>)
      %dma_wait3A_49 = arith.constant 0 : i32
      %dma_wait3A_50 = tpu.memref_slice %arg11[%add3A_17, %dma_wait3A_49] : memref<10240x128xf32, #tpu.memory_space<vmem_shared>> -> memref<128x128xf32, #tpu.memory_space<vmem_shared>>
      %dma_wait3A_51 = arith.constant 0 : i32
      %dma_wait3A_52 = tpu.memref_slice %arg11[%add3A_17, %dma_wait3A_51] : memref<10240x128xf32, #tpu.memory_space<vmem_shared>> -> memref<128x128xf32, #tpu.memory_space<vmem_shared>>
      tpu.wait_dma2 semaphore(%run_scoped3A : memref<!tpu.dma_semaphore, #tpu.memory_space<semaphore_mem>>) src(%arg10 : memref<128x128xf32, #tpu.memory_space<vmem>>) dst(%dma_wait3A_52 : memref<128x128xf32, #tpu.memory_space<vmem_shared>>)
      tpu.yield
    }) : () -> ()
    %mul3A_18 = arith.constant 640 : i32
    %mul3A_19 = arith.muli %arg1, %mul3A_18 : i32
    %add3A_20 = arith.constant 256 : i32
    %add3A_21 = arith.addi %mul3A_19, %add3A_20 : i32
    "tpu.region"() ({
      %run_scoped3A = tpu.sem_alloc : memref<!tpu.dma_semaphore, #tpu.memory_space<semaphore_mem>>
      %dma_start3A_45 = arith.constant 0 : i32
      %dma_start3A_46 = tpu.memref_slice %arg11[%add3A_21, %dma_start3A_45] : memref<10240x128xf32, #tpu.memory_space<vmem_shared>> -> memref<128x128xf32, #tpu.memory_space<vmem_shared>>
      %dma_start3A_47 = arith.constant 0 : i32
      %dma_start3A_48 = tpu.memref_slice %arg11[%add3A_21, %dma_start3A_47] : memref<10240x128xf32, #tpu.memory_space<vmem_shared>> -> memref<128x128xf32, #tpu.memory_space<vmem_shared>>
      tpu.enqueue_dma source(%arg10 : memref<128x128xf32, #tpu.memory_space<vmem>>) target(%dma_start3A_48 : memref<128x128xf32, #tpu.memory_space<vmem_shared>>) target_semaphore(%run_scoped3A : memref<!tpu.dma_semaphore, #tpu.memory_space<semaphore_mem>>)
      %dma_wait3A_49 = arith.constant 0 : i32
      %dma_wait3A_50 = tpu.memref_slice %arg11[%add3A_21, %dma_wait3A_49] : memref<10240x128xf32, #tpu.memory_space<vmem_shared>> -> memref<128x128xf32, #tpu.memory_space<vmem_shared>>
      %dma_wait3A_51 = arith.constant 0 : i32
      %dma_wait3A_52 = tpu.memref_slice %arg11[%add3A_21, %dma_wait3A_51] : memref<10240x128xf32, #tpu.memory_space<vmem_shared>> -> memref<128x128xf32, #tpu.memory_space<vmem_shared>>
      tpu.wait_dma2 semaphore(%run_scoped3A : memref<!tpu.dma_semaphore, #tpu.memory_space<semaphore_mem>>) src(%arg10 : memref<128x128xf32, #tpu.memory_space<vmem>>) dst(%dma_wait3A_52 : memref<128x128xf32, #tpu.memory_space<vmem_shared>>)
      tpu.yield
    }) : () -> ()
    %mul3A_22 = arith.constant 640 : i32
    %mul3A_23 = arith.muli %arg1, %mul3A_22 : i32
    %add3A_24 = arith.constant 384 : i32
    %add3A_25 = arith.addi %mul3A_23, %add3A_24 : i32
    "tpu.region"() ({
      %run_scoped3A = tpu.sem_alloc : memref<!tpu.dma_semaphore, #tpu.memory_space<semaphore_mem>>
      %dma_start3A_45 = arith.constant 0 : i32
      %dma_start3A_46 = tpu.memref_slice %arg11[%add3A_25, %dma_start3A_45] : memref<10240x128xf32, #tpu.memory_space<vmem_shared>> -> memref<128x128xf32, #tpu.memory_space<vmem_shared>>
      %dma_start3A_47 = arith.constant 0 : i32
      %dma_start3A_48 = tpu.memref_slice %arg11[%add3A_25, %dma_start3A_47] : memref<10240x128xf32, #tpu.memory_space<vmem_shared>> -> memref<128x128xf32, #tpu.memory_space<vmem_shared>>
      tpu.enqueue_dma source(%arg10 : memref<128x128xf32, #tpu.memory_space<vmem>>) target(%dma_start3A_48 : memref<128x128xf32, #tpu.memory_space<vmem_shared>>) target_semaphore(%run_scoped3A : memref<!tpu.dma_semaphore, #tpu.memory_space<semaphore_mem>>)
      %dma_wait3A_49 = arith.constant 0 : i32
      %dma_wait3A_50 = tpu.memref_slice %arg11[%add3A_25, %dma_wait3A_49] : memref<10240x128xf32, #tpu.memory_space<vmem_shared>> -> memref<128x128xf32, #tpu.memory_space<vmem_shared>>
      %dma_wait3A_51 = arith.constant 0 : i32
      %dma_wait3A_52 = tpu.memref_slice %arg11[%add3A_25, %dma_wait3A_51] : memref<10240x128xf32, #tpu.memory_space<vmem_shared>> -> memref<128x128xf32, #tpu.memory_space<vmem_shared>>
      tpu.wait_dma2 semaphore(%run_scoped3A : memref<!tpu.dma_semaphore, #tpu.memory_space<semaphore_mem>>) src(%arg10 : memref<128x128xf32, #tpu.memory_space<vmem>>) dst(%dma_wait3A_52 : memref<128x128xf32, #tpu.memory_space<vmem_shared>>)
      tpu.yield
    }) : () -> ()
    %mul3A_26 = arith.constant 640 : i32
    %mul3A_27 = arith.muli %arg1, %mul3A_26 : i32
    %add3A_28 = arith.constant 512 : i32
    %add3A_29 = arith.addi %mul3A_27, %add3A_28 : i32
    "tpu.region"() ({
      %run_scoped3A = tpu.sem_alloc : memref<!tpu.dma_semaphore, #tpu.memory_space<semaphore_mem>>
      %dma_start3A_45 = arith.constant 0 : i32
      %dma_start3A_46 = tpu.memref_slice %arg11[%add3A_29, %dma_start3A_45] : memref<10240x128xf32, #tpu.memory_space<vmem_shared>> -> memref<128x128xf32, #tpu.memory_space<vmem_shared>>
      %dma_start3A_47 = arith.constant 0 : i32
      %dma_start3A_48 = tpu.memref_slice %arg11[%add3A_29, %dma_start3A_47] : memref<10240x128xf32, #tpu.memory_space<vmem_shared>> -> memref<128x128xf32, #tpu.memory_space<vmem_shared>>
      tpu.enqueue_dma source(%arg10 : memref<128x128xf32, #tpu.memory_space<vmem>>) target(%dma_start3A_48 : memref<128x128xf32, #tpu.memory_space<vmem_shared>>) target_semaphore(%run_scoped3A : memref<!tpu.dma_semaphore, #tpu.memory_space<semaphore_mem>>)
      %dma_wait3A_49 = arith.constant 0 : i32
      %dma_wait3A_50 = tpu.memref_slice %arg11[%add3A_29, %dma_wait3A_49] : memref<10240x128xf32, #tpu.memory_space<vmem_shared>> -> memref<128x128xf32, #tpu.memory_space<vmem_shared>>
      %dma_wait3A_51 = arith.constant 0 : i32
      %dma_wait3A_52 = tpu.memref_slice %arg11[%add3A_29, %dma_wait3A_51] : memref<10240x128xf32, #tpu.memory_space<vmem_shared>> -> memref<128x128xf32, #tpu.memory_space<vmem_shared>>
      tpu.wait_dma2 semaphore(%run_scoped3A : memref<!tpu.dma_semaphore, #tpu.memory_space<semaphore_mem>>) src(%arg10 : memref<128x128xf32, #tpu.memory_space<vmem>>) dst(%dma_wait3A_52 : memref<128x128xf32, #tpu.memory_space<vmem_shared>>)
      tpu.yield
    }) : () -> ()
    %dma_wait3A = arith.constant 0 : i32
    %dma_wait3A_30 = tpu.memref_slice %arg3[%dma_wait3A] : memref<320000xi32, #tpu.memory_space<hbm>> -> memref<10000xi32, #tpu.memory_space<hbm>>
    %dma_wait3A_31 = arith.constant 0 : i32
    %dma_wait3A_32 = tpu.memref_slice %arg3[%dma_wait3A_31] : memref<320000xi32, #tpu.memory_space<hbm>> -> memref<10000xi32, #tpu.memory_space<hbm>>
    tpu.wait_dma2 semaphore(%arg14 : memref<!tpu.dma_semaphore, #tpu.memory_space<semaphore_mem>>) src(%dma_wait3A_32 : memref<10000xi32, #tpu.memory_space<hbm>>) dst(%arg6 : memref<10000xi32, #tpu.memory_space<vmem>>)
    %barrier3A = arith.constant 0 : index
    tpu.barrier barrier_id(%barrier3A)
    %scan3A_33 = arith.constant 0 : i32
    %scan3A_34 = arith.constant 0 : i32
    %scan3A_35 = arith.constant 125 : i32
    %scan3A_36 = arith.addi %scan3A_34, %scan3A_35 : i32
    %scan3A_37 = arith.constant 1 : i32
    %scan3A_38 = scf.for %scan3A_45 = %scan3A_34 to %scan3A_36 step %scan3A_37 iter_args(%scan3A_46 = %scan3A_33) -> (i32)  : i32 {
      %mul3A_47 = arith.constant 10000 : i32
      %mul3A_48 = arith.muli %add3A, %mul3A_47 : i32
      %mul3A_49 = arith.constant 80 : i32
      %mul3A_50 = arith.muli %scan3A_45, %mul3A_49 : i32
      %add3A_51 = arith.addi %mul3A_48, %mul3A_50 : i32
      %dma_start3A_52 = tpu.memref_slice %arg4[%add3A_51] : memref<320000xi32, #tpu.memory_space<hbm>> -> memref<80xi32, #tpu.memory_space<hbm>>
      %dma_start3A_53 = tpu.memref_slice %arg4[%add3A_51] : memref<320000xi32, #tpu.memory_space<hbm>> -> memref<80xi32, #tpu.memory_space<hbm>>
      tpu.enqueue_dma source(%dma_start3A_53 : memref<80xi32, #tpu.memory_space<hbm>>) target(%arg8 : memref<80xi32, #tpu.memory_space<vmem>>) target_semaphore(%arg13 : memref<!tpu.dma_semaphore, #tpu.memory_space<semaphore_mem>>)
      %mul3A_54 = arith.constant 80 : i32
      %mul3A_55 = arith.muli %scan3A_45, %mul3A_54 : i32
      %add3A_56 = arith.constant 0 : i32
      %add3A_57 = arith.addi %mul3A_55, %add3A_56 : i32
      %get3A = arith.index_cast %add3A_57 : i32 to index
      %get3A_58 = tpu.vector_load %arg6[%get3A] {strides = array<i32>} : memref<10000xi32, #tpu.memory_space<vmem>>, vector<16xi32>,
      %get3A_59 = vector.shape_cast %get3A_58 : vector<16xi32> to vector<16xi32>
      %swap3A = arith.constant 0 : index
      %swap3A_60 = tpu.vector_load %arg7[%swap3A] {strides = array<i32>} : memref<80xi32, #tpu.memory_space<vmem>>, vector<16xi32>,
      %swap3A_61 = vector.shape_cast %swap3A_60 : vector<16xi32> to vector<16xi32>
      %swap3A_62 = vector.shape_cast %get3A_59 : vector<16xi32> to vector<16xi32>
      tpu.vector_store %arg7[%swap3A], %swap3A_62 {strides = array<i32>} : memref<80xi32, #tpu.memory_space<vmem>>, vector<16xi32>,
      %mul3A_63 = arith.constant 80 : i32
      %mul3A_64 = arith.muli %scan3A_45, %mul3A_63 : i32
      %add3A_65 = arith.constant 16 : i32
      %add3A_66 = arith.addi %mul3A_64, %add3A_65 : i32
      %get3A_67 = arith.index_cast %add3A_66 : i32 to index
      %get3A_68 = tpu.vector_load %arg6[%get3A_67] {strides = array<i32>} : memref<10000xi32, #tpu.memory_space<vmem>>, vector<16xi32>,
      %get3A_69 = vector.shape_cast %get3A_68 : vector<16xi32> to vector<16xi32>
      %swap3A_70 = arith.constant 16 : index
      %swap3A_71 = tpu.vector_load %arg7[%swap3A_70] {strides = array<i32>} : memref<80xi32, #tpu.memory_space<vmem>>, vector<16xi32>,
      %swap3A_72 = vector.shape_cast %swap3A_71 : vector<16xi32> to vector<16xi32>
      %swap3A_73 = vector.shape_cast %get3A_69 : vector<16xi32> to vector<16xi32>
      tpu.vector_store %arg7[%swap3A_70], %swap3A_73 {strides = array<i32>} : memref<80xi32, #tpu.memory_space<vmem>>, vector<16xi32>,
      %mul3A_74 = arith.constant 80 : i32
      %mul3A_75 = arith.muli %scan3A_45, %mul3A_74 : i32
      %add3A_76 = arith.constant 32 : i32
      %add3A_77 = arith.addi %mul3A_75, %add3A_76 : i32
      %get3A_78 = arith.index_cast %add3A_77 : i32 to index
      %get3A_79 = tpu.vector_load %arg6[%get3A_78] {strides = array<i32>} : memref<10000xi32, #tpu.memory_space<vmem>>, vector<16xi32>,
      %get3A_80 = vector.shape_cast %get3A_79 : vector<16xi32> to vector<16xi32>
      %swap3A_81 = arith.constant 32 : index
      %swap3A_82 = tpu.vector_load %arg7[%swap3A_81] {strides = array<i32>} : memref<80xi32, #tpu.memory_space<vmem>>, vector<16xi32>,
      %swap3A_83 = vector.shape_cast %swap3A_82 : vector<16xi32> to vector<16xi32>
      %swap3A_84 = vector.shape_cast %get3A_80 : vector<16xi32> to vector<16xi32>
      tpu.vector_store %arg7[%swap3A_81], %swap3A_84 {strides = array<i32>} : memref<80xi32, #tpu.memory_space<vmem>>, vector<16xi32>,
      %mul3A_85 = arith.constant 80 : i32
      %mul3A_86 = arith.muli %scan3A_45, %mul3A_85 : i32
      %add3A_87 = arith.constant 48 : i32
      %add3A_88 = arith.addi %mul3A_86, %add3A_87 : i32
      %get3A_89 = arith.index_cast %add3A_88 : i32 to index
      %get3A_90 = tpu.vector_load %arg6[%get3A_89] {strides = array<i32>} : memref<10000xi32, #tpu.memory_space<vmem>>, vector<16xi32>,
      %get3A_91 = vector.shape_cast %get3A_90 : vector<16xi32> to vector<16xi32>
      %swap3A_92 = arith.constant 48 : index
      %swap3A_93 = tpu.vector_load %arg7[%swap3A_92] {strides = array<i32>} : memref<80xi32, #tpu.memory_space<vmem>>, vector<16xi32>,
      %swap3A_94 = vector.shape_cast %swap3A_93 : vector<16xi32> to vector<16xi32>
      %swap3A_95 = vector.shape_cast %get3A_91 : vector<16xi32> to vector<16xi32>
      tpu.vector_store %arg7[%swap3A_92], %swap3A_95 {strides = array<i32>} : memref<80xi32, #tpu.memory_space<vmem>>, vector<16xi32>,
      %mul3A_96 = arith.constant 80 : i32
      %mul3A_97 = arith.muli %scan3A_45, %mul3A_96 : i32
      %add3A_98 = arith.constant 64 : i32
      %add3A_99 = arith.addi %mul3A_97, %add3A_98 : i32
      %get3A_100 = arith.index_cast %add3A_99 : i32 to index
      %get3A_101 = tpu.vector_load %arg6[%get3A_100] {strides = array<i32>} : memref<10000xi32, #tpu.memory_space<vmem>>, vector<16xi32>,
      %get3A_102 = vector.shape_cast %get3A_101 : vector<16xi32> to vector<16xi32>
      %swap3A_103 = arith.constant 64 : index
      %swap3A_104 = tpu.vector_load %arg7[%swap3A_103] {strides = array<i32>} : memref<80xi32, #tpu.memory_space<vmem>>, vector<16xi32>,
      %swap3A_105 = vector.shape_cast %swap3A_104 : vector<16xi32> to vector<16xi32>
      %swap3A_106 = vector.shape_cast %get3A_102 : vector<16xi32> to vector<16xi32>
      tpu.vector_store %arg7[%swap3A_103], %swap3A_106 {strides = array<i32>} : memref<80xi32, #tpu.memory_space<vmem>>, vector<16xi32>,
      %dma_start3A_107 = arith.constant 0 : i32
      %dma_start3A_108 = arith.constant 0 : i32
      %dma_start3A_109 = tpu.memref_slice %arg2[%dma_start3A_107, %dma_start3A_108] : memref<10000x128xf32, #tpu.memory_space<hbm>> -> memref<10000x128xf32, #tpu.memory_space<hbm>>
      tpu.enqueue_indirect_dma source(%dma_start3A_109 : memref<10000x128xf32, #tpu.memory_space<hbm>>) target(%arg9 : memref<80x128xf32, #tpu.memory_space<vmem>>) offsets(%arg7 : memref<80xi32, #tpu.memory_space<vmem>>) semaphore(%arg12 : memref<!tpu.dma_semaphore, #tpu.memory_space<semaphore_mem>>)
      %dma_wait3A_110 = arith.constant 0 : i32
      %dma_wait3A_111 = arith.constant 0 : i32
      %dma_wait3A_112 = tpu.memref_slice %arg2[%dma_wait3A_110, %dma_wait3A_111] : memref<10000x128xf32, #tpu.memory_space<hbm>> -> memref<10000x128xf32, #tpu.memory_space<hbm>>
      tpu.wait_indirect_dma semaphore(%arg12 : memref<!tpu.dma_semaphore, #tpu.memory_space<semaphore_mem>>) src(%dma_wait3A_112 : memref<10000x128xf32, #tpu.memory_space<hbm>>) dst(%arg9 : memref<80x128xf32, #tpu.memory_space<vmem>>)
      %dma_wait3A_113 = arith.constant 0 : i32
      %dma_wait3A_114 = tpu.memref_slice %arg4[%dma_wait3A_113] : memref<320000xi32, #tpu.memory_space<hbm>> -> memref<80xi32, #tpu.memory_space<hbm>>
      %dma_wait3A_115 = arith.constant 0 : i32
      %dma_wait3A_116 = tpu.memref_slice %arg4[%dma_wait3A_115] : memref<320000xi32, #tpu.memory_space<hbm>> -> memref<80xi32, #tpu.memory_space<hbm>>
      tpu.wait_dma2 semaphore(%arg13 : memref<!tpu.dma_semaphore, #tpu.memory_space<semaphore_mem>>) src(%dma_wait3A_116 : memref<80xi32, #tpu.memory_space<hbm>>) dst(%arg8 : memref<80xi32, #tpu.memory_space<vmem>>)
      "tpu.region"() ({
        %run_scoped3A = tpu.sem_alloc : memref<!tpu.dma_semaphore, #tpu.memory_space<semaphore_mem>>
        %dma_start3A_118 = arith.constant 0 : i32
        %dma_start3A_119 = arith.constant 0 : i32
        %dma_start3A_120 = tpu.memref_slice %arg11[%dma_start3A_118, %dma_start3A_119] : memref<10240x128xf32, #tpu.memory_space<vmem_shared>> -> memref<10240x128xf32, #tpu.memory_space<vmem_shared>>
        tpu.enqueue_indirect_dma source(%arg9 : memref<80x128xf32, #tpu.memory_space<vmem>>) target(%dma_start3A_120 : memref<10240x128xf32, #tpu.memory_space<vmem_shared>>) offsets(%arg8 : memref<80xi32, #tpu.memory_space<vmem>>) semaphore(%run_scoped3A : memref<!tpu.dma_semaphore, #tpu.memory_space<semaphore_mem>>) {add = true}
        %dma_wait3A_121 = arith.constant 0 : i32
        %dma_wait3A_122 = arith.constant 0 : i32
        %dma_wait3A_123 = tpu.memref_slice %arg11[%dma_wait3A_121, %dma_wait3A_122] : memref<10240x128xf32, #tpu.memory_space<vmem_shared>> -> memref<10240x128xf32, #tpu.memory_space<vmem_shared>>
        tpu.wait_indirect_dma semaphore(%run_scoped3A : memref<!tpu.dma_semaphore, #tpu.memory_space<semaphore_mem>>) src(%arg9 : memref<80x128xf32, #tpu.memory_space<vmem>>) dst(%dma_wait3A_123 : memref<10240x128xf32, #tpu.memory_space<vmem_shared>>)
        tpu.yield
      }) : () -> ()
      %scan3A_117 = arith.constant 0 : i32
      scf.yield %scan3A_117 : i32
    }
    %scan3A_39 = arith.constant 125 : i32
    %barrier3A_40 = arith.constant 0 : index
    tpu.barrier barrier_id(%barrier3A_40)
    %mul3A_41 = arith.constant 640 : i32
    %mul3A_42 = arith.muli %arg1, %mul3A_41 : i32
    %mul3A_43 = arith.constant 640 : i32
    %mul3A_44 = arith.muli %arg1, %mul3A_43 : i32
    "tpu.region"() ({
      %run_scoped3A = tpu.sem_alloc : memref<!tpu.dma_semaphore, #tpu.memory_space<semaphore_mem>>
      %dma_start3A_45 = arith.constant 0 : i32
      %dma_start3A_46 = tpu.memref_slice %arg5[%arg0, %mul3A_44, %dma_start3A_45] : memref<2x10240x128xf32, #tpu.memory_space<hbm>> -> memref<1x640x128xf32, #tpu.memory_space<hbm>>
      %dma_start3A_47 = tpu.memref_squeeze %dma_start3A_46 : memref<1x640x128xf32, #tpu.memory_space<hbm>> -> memref<640x128xf32, #tpu.memory_space<hbm>>
      %dma_start3A_48 = arith.constant 0 : i32
      %dma_start3A_49 = tpu.memref_slice %arg11[%mul3A_42, %dma_start3A_48] : memref<10240x128xf32, #tpu.memory_space<vmem_shared>> -> memref<640x128xf32, #tpu.memory_space<vmem_shared>>
      tpu.enqueue_dma source(%dma_start3A_49 : memref<640x128xf32, #tpu.memory_space<vmem_shared>>) target(%dma_start3A_47 : memref<640x128xf32, #tpu.memory_space<hbm>>) target_semaphore(%run_scoped3A : memref<!tpu.dma_semaphore, #tpu.memory_space<semaphore_mem>>)
      %dma_wait3A_50 = arith.constant 0 : i32
      %dma_wait3A_51 = tpu.memref_slice %arg5[%arg0, %mul3A_44, %dma_wait3A_50] : memref<2x10240x128xf32, #tpu.memory_space<hbm>> -> memref<1x640x128xf32, #tpu.memory_space<hbm>>
      %dma_wait3A_52 = tpu.memref_squeeze %dma_wait3A_51 : memref<1x640x128xf32, #tpu.memory_space<hbm>> -> memref<640x128xf32, #tpu.memory_space<hbm>>
      %dma_wait3A_53 = arith.constant 0 : i32
      %dma_wait3A_54 = tpu.memref_slice %arg11[%mul3A_42, %dma_wait3A_53] : memref<10240x128xf32, #tpu.memory_space<vmem_shared>> -> memref<640x128xf32, #tpu.memory_space<vmem_shared>>
      tpu.wait_dma2 semaphore(%run_scoped3A : memref<!tpu.dma_semaphore, #tpu.memory_space<semaphore_mem>>) src(%dma_wait3A_54 : memref<640x128xf32, #tpu.memory_space<vmem_shared>>) dst(%dma_wait3A_52 : memref<640x128xf32, #tpu.memory_space<hbm>>)
      tpu.yield
    }) : () -> ()
    return
  }
}

module attributes {stable_mosaic.version = 14 : i64} {
  func.func @body(%arg0: i32, %arg1: memref<2x1000x16xf32, #tpu.memory_space<vmem>>, %arg2: memref<1000x128xf32, #tpu.memory_space<vmem>>, %arg3: memref<128x128xf32, #tpu.memory_space<vmem>>, %arg4: memref<1000x128xf32, #tpu.memory_space<vmem>>) attributes {dimension_semantics = [#tpu.dimension_semantics<arbitrary>], iteration_bounds = array<i64: 10>, scalar_prefetch = 0 : i64, scratch_operands = 0 : i64, tpu.core_type = #tpu.core_type<tc>, window_params = [{transform_indices = @transform_0, window_bounds = array<i64: 2, 1000, 16>}, {transform_indices = @transform_1, window_bounds = array<i64: 1000, 128>}, {pipeline_mode = #tpu.pipeline_mode<synchronous>, transform_indices = @transform_2, window_bounds = array<i64: 128, 128>}, {transform_indices = @transform_3, window_bounds = array<i64: 1000, 128>}]} {
    %get3A = arith.constant 0 : index
    %get3A_0 = arith.constant 0 : index
    %get3A_1 = vector.load %arg2[%get3A, %get3A_0] : memref<1000x128xf32, #tpu.memory_space<vmem>>, vector<1000x128xf32>
    %get3A_2 = arith.constant 0 : index
    %get3A_3 = arith.constant 0 : index
    %get3A_4 = vector.load %arg3[%get3A_2, %get3A_3] : memref<128x128xf32, #tpu.memory_space<vmem>>, vector<128x128xf32>
    %dot_general3A = arith.constant dense<0.000000e+00> : vector<1000x128xf32>
    %dot_general3A_5 = tpu.matmul %get3A_1, %get3A_4, %dot_general3A {dimension_numbers = #tpu.dot_dimension_numbers<[1], [0], [0], [1], [0, 0, 1, 1], [], []>, precision = #tpu.contract_precision<fp32>, transpose_lhs_hint = false} : vector<1000x128xf32>, vector<128x128xf32>, vector<1000x128xf32> -> vector<1000x128xf32>
    %get3A_6 = arith.constant 0 : index
    %get3A_7 = arith.constant 0 : index
    %get3A_8 = arith.constant 0 : index
    %get3A_9 = vector.load %arg1[%get3A_6, %get3A_7, %get3A_8] : memref<2x1000x16xf32, #tpu.memory_space<vmem>>, vector<1x1000x1xf32>
    %get3A_10 = vector.shape_cast %get3A_9 : vector<1x1000x1xf32> to vector<1000x1xf32>
    %get3A_11 = arith.constant 1 : index
    %get3A_12 = arith.constant 0 : index
    %get3A_13 = arith.constant 0 : index
    %get3A_14 = vector.load %arg1[%get3A_11, %get3A_12, %get3A_13] : memref<2x1000x16xf32, #tpu.memory_space<vmem>>, vector<1x1000x1xf32>
    %get3A_15 = vector.shape_cast %get3A_14 : vector<1x1000x1xf32> to vector<1000x1xf32>
    %add3A = arith.addf %get3A_10, %get3A_15 : vector<1000x1xf32>
    %add3A_16 = arith.constant 1.000000e+00 : f32
    %add3A_17 = vector.broadcast %add3A_16 : f32 to vector<1000x1xf32>
    %add3A_18 = arith.addf %add3A, %add3A_17 : vector<1000x1xf32>
    %rsqrt3A = math.rsqrt %add3A_18 : vector<1000x1xf32>
    %mul3A = vector.broadcast %rsqrt3A : vector<1000x1xf32> to vector<1000x128xf32>
    %mul3A_19 = arith.mulf %dot_general3A_5, %mul3A : vector<1000x128xf32>
    %swap3A = arith.constant 0 : index
    %swap3A_20 = arith.constant 0 : index
    %swap3A_21 = vector.load %arg4[%swap3A, %swap3A_20] : memref<1000x128xf32, #tpu.memory_space<vmem>>, vector<1000x128xf32>
    tpu.vector_store %arg4[%swap3A, %swap3A_20], %mul3A_19 {strides = array<i32>} : memref<1000x128xf32, #tpu.memory_space<vmem>>, vector<1000x128xf32>,
    return
  }
  func.func @transform_0(%arg0: i32) -> (i32, i32, i32) {
    %c0_i32 = arith.constant 0 : i32
    %c0_i32_0 = arith.constant 0 : i32
    %c0_i32_1 = arith.constant 0 : i32
    return %c0_i32, %arg0, %c0_i32_0 : i32, i32, i32
  }
  func.func @transform_1(%arg0: i32) -> (i32, i32) {
    %c0_i32 = arith.constant 0 : i32
    %c0_i32_0 = arith.constant 0 : i32
    return %arg0, %c0_i32 : i32, i32
  }
  func.func @transform_2(%arg0: i32) -> (i32, i32) {
    %c0_i32 = arith.constant 0 : i32
    %c0_i32_0 = arith.constant 0 : i32
    %c0_i32_1 = arith.constant 0 : i32
    return %c0_i32, %c0_i32_0 : i32, i32
  }
  func.func @transform_3(%arg0: i32) -> (i32, i32) {
    %c0_i32 = arith.constant 0 : i32
    %c0_i32_0 = arith.constant 0 : i32
    return %arg0, %c0_i32 : i32, i32
  }
}

module attributes {stable_mosaic.version = 14 : i64} {
  func.func @body(%arg0: i32, %arg1: memref<2x1000x128xf32, #tpu.memory_space<vmem>>, %arg2: memref<1000x128xf32, #tpu.memory_space<vmem>>, %arg3: memref<2x1000x16xf32, #tpu.memory_space<vmem>>, %arg4: memref<1x128xf32, #tpu.memory_space<vmem>>, %arg5: memref<1x128xf32, #tpu.memory_space<vmem>>, %arg6: memref<1x128xf32, #tpu.memory_space<vmem>>, %arg7: memref<1x128xf32, #tpu.memory_space<vmem>>, %arg8: memref<1000x128xf32, #tpu.memory_space<vmem>>, %arg9: memref<1x128xf32, #tpu.memory_space<vmem>>, %arg10: memref<1x128xf32, #tpu.memory_space<vmem>>, %arg11: memref<1x128xf32, #tpu.memory_space<vmem>>, %arg12: memref<1x128xf32, #tpu.memory_space<vmem>>) attributes {dimension_semantics = [#tpu.dimension_semantics<arbitrary>], iteration_bounds = array<i64: 10>, scalar_prefetch = 0 : i64, scratch_operands = 2 : i64, tpu.core_type = #tpu.core_type<tc>, window_params = [{transform_indices = @transform_0, window_bounds = array<i64: 2, 1000, 128>}, {transform_indices = @transform_1, window_bounds = array<i64: 1000, 128>}, {transform_indices = @transform_2, window_bounds = array<i64: 2, 1000, 16>}, {pipeline_mode = #tpu.pipeline_mode<synchronous>, transform_indices = @transform_3, window_bounds = array<i64: 1, 128>}, {pipeline_mode = #tpu.pipeline_mode<synchronous>, transform_indices = @transform_4, window_bounds = array<i64: 1, 128>}, {pipeline_mode = #tpu.pipeline_mode<synchronous>, transform_indices = @transform_5, window_bounds = array<i64: 1, 128>}, {pipeline_mode = #tpu.pipeline_mode<synchronous>, transform_indices = @transform_6, window_bounds = array<i64: 1, 128>}, {transform_indices = @transform_7, window_bounds = array<i64: 1000, 128>}, {pipeline_mode = #tpu.pipeline_mode<synchronous>, transform_indices = @transform_8, window_bounds = array<i64: 1, 128>}, {pipeline_mode = #tpu.pipeline_mode<synchronous>, transform_indices = @transform_9, window_bounds = array<i64: 1, 128>}]} {
    %eq3A = arith.constant 0 : i32
    %eq3A_0 = arith.cmpi eq, %arg0, %eq3A : i32
    %convert_element_type3A = arith.extui %eq3A_0 : i1 to i32
    %cond3A = arith.constant 0 : i32
    %cond3A_1 = arith.cmpi ne, %convert_element_type3A, %cond3A : i32
    scf.if %cond3A_1 {
      %broadcast_in_dim3A_61 = arith.constant 0.000000e+00 : f32
      %broadcast_in_dim3A_62 = vector.broadcast %broadcast_in_dim3A_61 : f32 to vector<1x128xf32>
      %swap3A_63 = arith.constant 0 : index
      %swap3A_64 = arith.constant 0 : index
      %swap3A_65 = vector.load %arg11[%swap3A_63, %swap3A_64] : memref<1x128xf32, #tpu.memory_space<vmem>>, vector<1x128xf32>
      tpu.vector_store %arg11[%swap3A_63, %swap3A_64], %broadcast_in_dim3A_62 {strides = array<i32>} : memref<1x128xf32, #tpu.memory_space<vmem>>, vector<1x128xf32>,
      %broadcast_in_dim3A_66 = arith.constant 0.000000e+00 : f32
      %broadcast_in_dim3A_67 = vector.broadcast %broadcast_in_dim3A_66 : f32 to vector<1x128xf32>
      %swap3A_68 = arith.constant 0 : index
      %swap3A_69 = arith.constant 0 : index
      %swap3A_70 = vector.load %arg12[%swap3A_68, %swap3A_69] : memref<1x128xf32, #tpu.memory_space<vmem>>, vector<1x128xf32>
      tpu.vector_store %arg12[%swap3A_68, %swap3A_69], %broadcast_in_dim3A_67 {strides = array<i32>} : memref<1x128xf32, #tpu.memory_space<vmem>>, vector<1x128xf32>,
    } else {
    }
    %get3A = arith.constant 0 : index
    %get3A_2 = arith.constant 0 : index
    %get3A_3 = arith.constant 0 : index
    %get3A_4 = vector.load %arg3[%get3A, %get3A_2, %get3A_3] : memref<2x1000x16xf32, #tpu.memory_space<vmem>>, vector<1x1000x1xf32>
    %get3A_5 = vector.shape_cast %get3A_4 : vector<1x1000x1xf32> to vector<1000x1xf32>
    %get3A_6 = arith.constant 1 : index
    %get3A_7 = arith.constant 0 : index
    %get3A_8 = arith.constant 0 : index
    %get3A_9 = vector.load %arg3[%get3A_6, %get3A_7, %get3A_8] : memref<2x1000x16xf32, #tpu.memory_space<vmem>>, vector<1x1000x1xf32>
    %get3A_10 = vector.shape_cast %get3A_9 : vector<1x1000x1xf32> to vector<1000x1xf32>
    %add3A = arith.addf %get3A_5, %get3A_10 : vector<1000x1xf32>
    %add3A_11 = arith.constant 1.000000e+00 : f32
    %add3A_12 = vector.broadcast %add3A_11 : f32 to vector<1000x1xf32>
    %add3A_13 = arith.addf %add3A, %add3A_12 : vector<1000x1xf32>
    %rsqrt3A = math.rsqrt %add3A_13 : vector<1000x1xf32>
    %get3A_14 = arith.constant 0 : index
    %get3A_15 = arith.constant 0 : index
    %get3A_16 = arith.constant 0 : index
    %get3A_17 = vector.load %arg1[%get3A_14, %get3A_15, %get3A_16] : memref<2x1000x128xf32, #tpu.memory_space<vmem>>, vector<1x1000x128xf32>
    %get3A_18 = vector.shape_cast %get3A_17 : vector<1x1000x128xf32> to vector<1000x128xf32>
    %get3A_19 = arith.constant 1 : index
    %get3A_20 = arith.constant 0 : index
    %get3A_21 = arith.constant 0 : index
    %get3A_22 = vector.load %arg1[%get3A_19, %get3A_20, %get3A_21] : memref<2x1000x128xf32, #tpu.memory_space<vmem>>, vector<1x1000x128xf32>
    %get3A_23 = vector.shape_cast %get3A_22 : vector<1x1000x128xf32> to vector<1000x128xf32>
    %add3A_24 = arith.addf %get3A_18, %get3A_23 : vector<1000x128xf32>
    %get3A_25 = arith.constant 0 : index
    %get3A_26 = arith.constant 0 : index
    %get3A_27 = vector.load %arg2[%get3A_25, %get3A_26] : memref<1000x128xf32, #tpu.memory_space<vmem>>, vector<1000x128xf32>
    %add3A_28 = arith.addf %add3A_24, %get3A_27 : vector<1000x128xf32>
    %mul3A = vector.broadcast %rsqrt3A : vector<1000x1xf32> to vector<1000x128xf32>
    %mul3A_29 = arith.mulf %mul3A, %add3A_28 : vector<1000x128xf32>
    %get3A_30 = arith.constant 0 : index
    %get3A_31 = arith.constant 0 : index
    %get3A_32 = vector.load %arg4[%get3A_30, %get3A_31] : memref<1x128xf32, #tpu.memory_space<vmem>>, vector<1x128xf32>
    %add3A_33 = vector.broadcast %get3A_32 : vector<1x128xf32> to vector<1000x128xf32>
    %add3A_34 = arith.addf %mul3A_29, %add3A_33 : vector<1000x128xf32>
    %swap3A = arith.constant 0 : index
    %swap3A_35 = arith.constant 0 : index
    %swap3A_36 = vector.load %arg8[%swap3A, %swap3A_35] : memref<1000x128xf32, #tpu.memory_space<vmem>>, vector<1000x128xf32>
    tpu.vector_store %arg8[%swap3A, %swap3A_35], %add3A_34 {strides = array<i32>} : memref<1000x128xf32, #tpu.memory_space<vmem>>, vector<1000x128xf32>,
    %get3A_37 = arith.constant 0 : index
    %get3A_38 = arith.constant 0 : index
    %get3A_39 = vector.load %arg11[%get3A_37, %get3A_38] : memref<1x128xf32, #tpu.memory_space<vmem>>, vector<1x128xf32>
    %reduce_sum3A = arith.constant dense<0.000000e+00> : vector<128xf32>
    %reduce_sum3A_40 = vector.multi_reduction <add>, %add3A_34, %reduce_sum3A [0] : vector<1000x128xf32> to vector<128xf32>
    %broadcast_in_dim3A = vector.shape_cast %reduce_sum3A_40 : vector<128xf32> to vector<1x128xf32>
    %add3A_41 = arith.addf %get3A_39, %broadcast_in_dim3A : vector<1x128xf32>
    %swap3A_42 = arith.constant 0 : index
    %swap3A_43 = arith.constant 0 : index
    %swap3A_44 = vector.load %arg11[%swap3A_42, %swap3A_43] : memref<1x128xf32, #tpu.memory_space<vmem>>, vector<1x128xf32>
    tpu.vector_store %arg11[%swap3A_42, %swap3A_43], %add3A_41 {strides = array<i32>} : memref<1x128xf32, #tpu.memory_space<vmem>>, vector<1x128xf32>,
    %get3A_45 = arith.constant 0 : index
    %get3A_46 = arith.constant 0 : index
    %get3A_47 = vector.load %arg12[%get3A_45, %get3A_46] : memref<1x128xf32, #tpu.memory_space<vmem>>, vector<1x128xf32>
    %mul3A_48 = arith.mulf %add3A_34, %add3A_34 : vector<1000x128xf32>
    %reduce_sum3A_49 = arith.constant dense<0.000000e+00> : vector<128xf32>
    %reduce_sum3A_50 = vector.multi_reduction <add>, %mul3A_48, %reduce_sum3A_49 [0] : vector<1000x128xf32> to vector<128xf32>
    %broadcast_in_dim3A_51 = vector.shape_cast %reduce_sum3A_50 : vector<128xf32> to vector<1x128xf32>
    %add3A_52 = arith.addf %get3A_47, %broadcast_in_dim3A_51 : vector<1x128xf32>
    %swap3A_53 = arith.constant 0 : index
    %swap3A_54 = arith.constant 0 : index
    %swap3A_55 = vector.load %arg12[%swap3A_53, %swap3A_54] : memref<1x128xf32, #tpu.memory_space<vmem>>, vector<1x128xf32>
    tpu.vector_store %arg12[%swap3A_53, %swap3A_54], %add3A_52 {strides = array<i32>} : memref<1x128xf32, #tpu.memory_space<vmem>>, vector<1x128xf32>,
    %eq3A_56 = arith.constant 9 : i32
    %eq3A_57 = arith.cmpi eq, %arg0, %eq3A_56 : i32
    %convert_element_type3A_58 = arith.extui %eq3A_57 : i1 to i32
    %cond3A_59 = arith.constant 0 : i32
    %cond3A_60 = arith.cmpi ne, %convert_element_type3A_58, %cond3A_59 : i32
    scf.if %cond3A_60 {
      %get3A_61 = arith.constant 0 : index
      %get3A_62 = arith.constant 0 : index
      %get3A_63 = vector.load %arg11[%get3A_61, %get3A_62] : memref<1x128xf32, #tpu.memory_space<vmem>>, vector<1x128xf32>
      %mul3A_64 = arith.constant 9.99999974E-5 : f32
      %mul3A_65 = vector.broadcast %mul3A_64 : f32 to vector<1x128xf32>
      %mul3A_66 = arith.mulf %get3A_63, %mul3A_65 : vector<1x128xf32>
      %get3A_67 = arith.constant 0 : index
      %get3A_68 = arith.constant 0 : index
      %get3A_69 = vector.load %arg12[%get3A_67, %get3A_68] : memref<1x128xf32, #tpu.memory_space<vmem>>, vector<1x128xf32>
      %mul3A_70 = arith.constant 9.99999974E-5 : f32
      %mul3A_71 = vector.broadcast %mul3A_70 : f32 to vector<1x128xf32>
      %mul3A_72 = arith.mulf %get3A_69, %mul3A_71 : vector<1x128xf32>
      %get3A_73 = arith.constant 0 : index
      %get3A_74 = arith.constant 0 : index
      %get3A_75 = vector.load %arg7[%get3A_73, %get3A_74] : memref<1x128xf32, #tpu.memory_space<vmem>>, vector<1x128xf32>
      %mul3A_76 = arith.constant 2.000000e+00 : f32
      %mul3A_77 = vector.broadcast %mul3A_76 : f32 to vector<1x128xf32>
      %mul3A_78 = arith.mulf %mul3A_77, %get3A_75 : vector<1x128xf32>
      %mul3A_79 = arith.mulf %get3A_75, %get3A_75 : vector<1x128xf32>
      %sub3A = arith.subf %mul3A_78, %mul3A_79 : vector<1x128xf32>
      %mul3A_80 = arith.mulf %sub3A, %mul3A_66 : vector<1x128xf32>
      %mul3A_81 = arith.mulf %mul3A_80, %mul3A_66 : vector<1x128xf32>
      %sub3A_82 = arith.subf %mul3A_72, %mul3A_81 : vector<1x128xf32>
      %get3A_83 = arith.constant 0 : index
      %get3A_84 = arith.constant 0 : index
      %get3A_85 = vector.load %arg5[%get3A_83, %get3A_84] : memref<1x128xf32, #tpu.memory_space<vmem>>, vector<1x128xf32>
      %add3A_86 = arith.constant 9.99999974E-6 : f32
      %add3A_87 = vector.broadcast %add3A_86 : f32 to vector<1x128xf32>
      %add3A_88 = arith.addf %sub3A_82, %add3A_87 : vector<1x128xf32>
      %sqrt3A = math.sqrt %add3A_88 : vector<1x128xf32>
      %div3A = arith.divf %get3A_85, %sqrt3A : vector<1x128xf32>
      %swap3A_89 = arith.constant 0 : index
      %swap3A_90 = arith.constant 0 : index
      %swap3A_91 = vector.load %arg9[%swap3A_89, %swap3A_90] : memref<1x128xf32, #tpu.memory_space<vmem>>, vector<1x128xf32>
      tpu.vector_store %arg9[%swap3A_89, %swap3A_90], %div3A {strides = array<i32>} : memref<1x128xf32, #tpu.memory_space<vmem>>, vector<1x128xf32>,
      %get3A_92 = arith.constant 0 : index
      %get3A_93 = arith.constant 0 : index
      %get3A_94 = vector.load %arg6[%get3A_92, %get3A_93] : memref<1x128xf32, #tpu.memory_space<vmem>>, vector<1x128xf32>
      %mul3A_95 = arith.mulf %div3A, %get3A_75 : vector<1x128xf32>
      %mul3A_96 = arith.mulf %mul3A_95, %mul3A_66 : vector<1x128xf32>
      %sub3A_97 = arith.subf %get3A_94, %mul3A_96 : vector<1x128xf32>
      %swap3A_98 = arith.constant 0 : index
      %swap3A_99 = arith.constant 0 : index
      %swap3A_100 = vector.load %arg10[%swap3A_98, %swap3A_99] : memref<1x128xf32, #tpu.memory_space<vmem>>, vector<1x128xf32>
      tpu.vector_store %arg10[%swap3A_98, %swap3A_99], %sub3A_97 {strides = array<i32>} : memref<1x128xf32, #tpu.memory_space<vmem>>, vector<1x128xf32>,
    } else {
    }
    return
  }
  func.func @transform_0(%arg0: i32) -> (i32, i32, i32) {
    %c0_i32 = arith.constant 0 : i32
    %c0_i32_0 = arith.constant 0 : i32
    %c0_i32_1 = arith.constant 0 : i32
    return %c0_i32, %arg0, %c0_i32_0 : i32, i32, i32
  }
  func.func @transform_1(%arg0: i32) -> (i32, i32) {
    %c0_i32 = arith.constant 0 : i32
    %c0_i32_0 = arith.constant 0 : i32
    return %arg0, %c0_i32 : i32, i32
  }
  func.func @transform_2(%arg0: i32) -> (i32, i32, i32) {
    %c0_i32 = arith.constant 0 : i32
    %c0_i32_0 = arith.constant 0 : i32
    %c0_i32_1 = arith.constant 0 : i32
    return %c0_i32, %arg0, %c0_i32_0 : i32, i32, i32
  }
  func.func @transform_3(%arg0: i32) -> (i32, i32) {
    %c0_i32 = arith.constant 0 : i32
    %c0_i32_0 = arith.constant 0 : i32
    %c0_i32_1 = arith.constant 0 : i32
    return %c0_i32, %c0_i32_0 : i32, i32
  }
  func.func @transform_4(%arg0: i32) -> (i32, i32) {
    %c0_i32 = arith.constant 0 : i32
    %c0_i32_0 = arith.constant 0 : i32
    %c0_i32_1 = arith.constant 0 : i32
    return %c0_i32, %c0_i32_0 : i32, i32
  }
  func.func @transform_5(%arg0: i32) -> (i32, i32) {
    %c0_i32 = arith.constant 0 : i32
    %c0_i32_0 = arith.constant 0 : i32
    %c0_i32_1 = arith.constant 0 : i32
    return %c0_i32, %c0_i32_0 : i32, i32
  }
  func.func @transform_6(%arg0: i32) -> (i32, i32) {
    %c0_i32 = arith.constant 0 : i32
    %c0_i32_0 = arith.constant 0 : i32
    %c0_i32_1 = arith.constant 0 : i32
    return %c0_i32, %c0_i32_0 : i32, i32
  }
  func.func @transform_7(%arg0: i32) -> (i32, i32) {
    %c0_i32 = arith.constant 0 : i32
    %c0_i32_0 = arith.constant 0 : i32
    return %arg0, %c0_i32 : i32, i32
  }
  func.func @transform_8(%arg0: i32) -> (i32, i32) {
    %c0_i32 = arith.constant 0 : i32
    %c0_i32_0 = arith.constant 0 : i32
    %c0_i32_1 = arith.constant 0 : i32
    return %c0_i32, %c0_i32_0 : i32, i32
  }
  func.func @transform_9(%arg0: i32) -> (i32, i32) {
    %c0_i32 = arith.constant 0 : i32
    %c0_i32_0 = arith.constant 0 : i32
    %c0_i32_1 = arith.constant 0 : i32
    return %c0_i32, %c0_i32_0 : i32, i32
  }
}

module attributes {stable_mosaic.version = 14 : i64} {
  func.func @body(%arg0: i32, %arg1: memref<1000x128xf32, #tpu.memory_space<vmem>>, %arg2: memref<1x128xf32, #tpu.memory_space<vmem>>, %arg3: memref<1x128xf32, #tpu.memory_space<vmem>>, %arg4: memref<2x1000x16xf32, #tpu.memory_space<vmem>>, %arg5: memref<128x128xf32, #tpu.memory_space<vmem>>, %arg6: memref<1000x128xf32, #tpu.memory_space<vmem>>, %arg7: memref<1000x128xf32, #tpu.memory_space<vmem>>) attributes {dimension_semantics = [#tpu.dimension_semantics<arbitrary>], iteration_bounds = array<i64: 10>, scalar_prefetch = 0 : i64, scratch_operands = 0 : i64, tpu.core_type = #tpu.core_type<tc>, window_params = [{transform_indices = @transform_0, window_bounds = array<i64: 1000, 128>}, {pipeline_mode = #tpu.pipeline_mode<synchronous>, transform_indices = @transform_1, window_bounds = array<i64: 1, 128>}, {pipeline_mode = #tpu.pipeline_mode<synchronous>, transform_indices = @transform_2, window_bounds = array<i64: 1, 128>}, {transform_indices = @transform_3, window_bounds = array<i64: 2, 1000, 16>}, {pipeline_mode = #tpu.pipeline_mode<synchronous>, transform_indices = @transform_4, window_bounds = array<i64: 128, 128>}, {transform_indices = @transform_5, window_bounds = array<i64: 1000, 128>}, {transform_indices = @transform_6, window_bounds = array<i64: 1000, 128>}]} {
    %get3A = arith.constant 0 : index
    %get3A_0 = arith.constant 0 : index
    %get3A_1 = vector.load %arg2[%get3A, %get3A_0] : memref<1x128xf32, #tpu.memory_space<vmem>>, vector<1x128xf32>
    %get3A_2 = arith.constant 0 : index
    %get3A_3 = arith.constant 0 : index
    %get3A_4 = vector.load %arg1[%get3A_2, %get3A_3] : memref<1000x128xf32, #tpu.memory_space<vmem>>, vector<1000x128xf32>
    %mul3A = vector.broadcast %get3A_1 : vector<1x128xf32> to vector<1000x128xf32>
    %mul3A_5 = arith.mulf %mul3A, %get3A_4 : vector<1000x128xf32>
    %get3A_6 = arith.constant 0 : index
    %get3A_7 = arith.constant 0 : index
    %get3A_8 = vector.load %arg3[%get3A_6, %get3A_7] : memref<1x128xf32, #tpu.memory_space<vmem>>, vector<1x128xf32>
    %add3A = vector.broadcast %get3A_8 : vector<1x128xf32> to vector<1000x128xf32>
    %add3A_9 = arith.addf %mul3A_5, %add3A : vector<1000x128xf32>
    %max3A = arith.constant 0.000000e+00 : f32
    %max3A_10 = vector.broadcast %max3A : f32 to vector<1000x128xf32>
    %max3A_11 = arith.maximumf %add3A_9, %max3A_10 : vector<1000x128xf32>
    %swap3A = arith.constant 0 : index
    %swap3A_12 = arith.constant 0 : index
    %swap3A_13 = vector.load %arg6[%swap3A, %swap3A_12] : memref<1000x128xf32, #tpu.memory_space<vmem>>, vector<1000x128xf32>
    tpu.vector_store %arg6[%swap3A, %swap3A_12], %max3A_11 {strides = array<i32>} : memref<1000x128xf32, #tpu.memory_space<vmem>>, vector<1000x128xf32>,
    %get3A_14 = arith.constant 0 : index
    %get3A_15 = arith.constant 0 : index
    %get3A_16 = vector.load %arg5[%get3A_14, %get3A_15] : memref<128x128xf32, #tpu.memory_space<vmem>>, vector<128x128xf32>
    %dot_general3A = arith.constant dense<0.000000e+00> : vector<1000x128xf32>
    %dot_general3A_17 = tpu.matmul %max3A_11, %get3A_16, %dot_general3A {dimension_numbers = #tpu.dot_dimension_numbers<[1], [0], [0], [1], [0, 0, 1, 1], [], []>, precision = #tpu.contract_precision<fp32>, transpose_lhs_hint = false} : vector<1000x128xf32>, vector<128x128xf32>, vector<1000x128xf32> -> vector<1000x128xf32>
    %get3A_18 = arith.constant 0 : index
    %get3A_19 = arith.constant 0 : index
    %get3A_20 = arith.constant 0 : index
    %get3A_21 = vector.load %arg4[%get3A_18, %get3A_19, %get3A_20] : memref<2x1000x16xf32, #tpu.memory_space<vmem>>, vector<1x1000x1xf32>
    %get3A_22 = vector.shape_cast %get3A_21 : vector<1x1000x1xf32> to vector<1000x1xf32>
    %get3A_23 = arith.constant 1 : index
    %get3A_24 = arith.constant 0 : index
    %get3A_25 = arith.constant 0 : index
    %get3A_26 = vector.load %arg4[%get3A_23, %get3A_24, %get3A_25] : memref<2x1000x16xf32, #tpu.memory_space<vmem>>, vector<1x1000x1xf32>
    %get3A_27 = vector.shape_cast %get3A_26 : vector<1x1000x1xf32> to vector<1000x1xf32>
    %add3A_28 = arith.addf %get3A_22, %get3A_27 : vector<1000x1xf32>
    %add3A_29 = arith.constant 1.000000e+00 : f32
    %add3A_30 = vector.broadcast %add3A_29 : f32 to vector<1000x1xf32>
    %add3A_31 = arith.addf %add3A_28, %add3A_30 : vector<1000x1xf32>
    %rsqrt3A = math.rsqrt %add3A_31 : vector<1000x1xf32>
    %mul3A_32 = vector.broadcast %rsqrt3A : vector<1000x1xf32> to vector<1000x128xf32>
    %mul3A_33 = arith.mulf %dot_general3A_17, %mul3A_32 : vector<1000x128xf32>
    %swap3A_34 = arith.constant 0 : index
    %swap3A_35 = arith.constant 0 : index
    %swap3A_36 = vector.load %arg7[%swap3A_34, %swap3A_35] : memref<1000x128xf32, #tpu.memory_space<vmem>>, vector<1000x128xf32>
    tpu.vector_store %arg7[%swap3A_34, %swap3A_35], %mul3A_33 {strides = array<i32>} : memref<1000x128xf32, #tpu.memory_space<vmem>>, vector<1000x128xf32>,
    return
  }
  func.func @transform_0(%arg0: i32) -> (i32, i32) {
    %c0_i32 = arith.constant 0 : i32
    %c0_i32_0 = arith.constant 0 : i32
    return %arg0, %c0_i32 : i32, i32
  }
  func.func @transform_1(%arg0: i32) -> (i32, i32) {
    %c0_i32 = arith.constant 0 : i32
    %c0_i32_0 = arith.constant 0 : i32
    %c0_i32_1 = arith.constant 0 : i32
    return %c0_i32, %c0_i32_0 : i32, i32
  }
  func.func @transform_2(%arg0: i32) -> (i32, i32) {
    %c0_i32 = arith.constant 0 : i32
    %c0_i32_0 = arith.constant 0 : i32
    %c0_i32_1 = arith.constant 0 : i32
    return %c0_i32, %c0_i32_0 : i32, i32
  }
  func.func @transform_3(%arg0: i32) -> (i32, i32, i32) {
    %c0_i32 = arith.constant 0 : i32
    %c0_i32_0 = arith.constant 0 : i32
    %c0_i32_1 = arith.constant 0 : i32
    return %c0_i32, %arg0, %c0_i32_0 : i32, i32, i32
  }
  func.func @transform_4(%arg0: i32) -> (i32, i32) {
    %c0_i32 = arith.constant 0 : i32
    %c0_i32_0 = arith.constant 0 : i32
    %c0_i32_1 = arith.constant 0 : i32
    return %c0_i32, %c0_i32_0 : i32, i32
  }
  func.func @transform_5(%arg0: i32) -> (i32, i32) {
    %c0_i32 = arith.constant 0 : i32
    %c0_i32_0 = arith.constant 0 : i32
    return %arg0, %c0_i32 : i32, i32
  }
  func.func @transform_6(%arg0: i32) -> (i32, i32) {
    %c0_i32 = arith.constant 0 : i32
    %c0_i32_0 = arith.constant 0 : i32
    return %arg0, %c0_i32 : i32, i32
  }
}

module attributes {stable_mosaic.version = 14 : i64} {
  func.func @body(%arg0: i32, %arg1: memref<1000x128xf32, #tpu.memory_space<vmem>>, %arg2: memref<1x128xf32, #tpu.memory_space<vmem>>, %arg3: memref<1x128xf32, #tpu.memory_space<vmem>>, %arg4: memref<1000x128xf32, #tpu.memory_space<vmem>>, %arg5: memref<2x1000x16xf32, #tpu.memory_space<vmem>>, %arg6: memref<128x128xf32, #tpu.memory_space<vmem>>, %arg7: memref<1000x128xf32, #tpu.memory_space<vmem>>, %arg8: memref<1000x128xf32, #tpu.memory_space<vmem>>) attributes {dimension_semantics = [#tpu.dimension_semantics<arbitrary>], iteration_bounds = array<i64: 10>, scalar_prefetch = 0 : i64, scratch_operands = 0 : i64, tpu.core_type = #tpu.core_type<tc>, window_params = [{transform_indices = @transform_0, window_bounds = array<i64: 1000, 128>}, {pipeline_mode = #tpu.pipeline_mode<synchronous>, transform_indices = @transform_1, window_bounds = array<i64: 1, 128>}, {pipeline_mode = #tpu.pipeline_mode<synchronous>, transform_indices = @transform_2, window_bounds = array<i64: 1, 128>}, {transform_indices = @transform_3, window_bounds = array<i64: 1000, 128>}, {transform_indices = @transform_4, window_bounds = array<i64: 2, 1000, 16>}, {pipeline_mode = #tpu.pipeline_mode<synchronous>, transform_indices = @transform_5, window_bounds = array<i64: 128, 128>}, {transform_indices = @transform_6, window_bounds = array<i64: 1000, 128>}, {transform_indices = @transform_7, window_bounds = array<i64: 1000, 128>}]} {
    %get3A = arith.constant 0 : index
    %get3A_0 = arith.constant 0 : index
    %get3A_1 = vector.load %arg4[%get3A, %get3A_0] : memref<1000x128xf32, #tpu.memory_space<vmem>>, vector<1000x128xf32>
    %get3A_2 = arith.constant 0 : index
    %get3A_3 = arith.constant 0 : index
    %get3A_4 = vector.load %arg2[%get3A_2, %get3A_3] : memref<1x128xf32, #tpu.memory_space<vmem>>, vector<1x128xf32>
    %get3A_5 = arith.constant 0 : index
    %get3A_6 = arith.constant 0 : index
    %get3A_7 = vector.load %arg1[%get3A_5, %get3A_6] : memref<1000x128xf32, #tpu.memory_space<vmem>>, vector<1000x128xf32>
    %mul3A = vector.broadcast %get3A_4 : vector<1x128xf32> to vector<1000x128xf32>
    %mul3A_8 = arith.mulf %mul3A, %get3A_7 : vector<1000x128xf32>
    %get3A_9 = arith.constant 0 : index
    %get3A_10 = arith.constant 0 : index
    %get3A_11 = vector.load %arg3[%get3A_9, %get3A_10] : memref<1x128xf32, #tpu.memory_space<vmem>>, vector<1x128xf32>
    %add3A = vector.broadcast %get3A_11 : vector<1x128xf32> to vector<1000x128xf32>
    %add3A_12 = arith.addf %mul3A_8, %add3A : vector<1000x128xf32>
    %max3A = arith.constant 0.000000e+00 : f32
    %max3A_13 = vector.broadcast %max3A : f32 to vector<1000x128xf32>
    %max3A_14 = arith.maximumf %add3A_12, %max3A_13 : vector<1000x128xf32>
    %max3A_15 = arith.maximumf %get3A_1, %max3A_14 : vector<1000x128xf32>
    %swap3A = arith.constant 0 : index
    %swap3A_16 = arith.constant 0 : index
    %swap3A_17 = vector.load %arg7[%swap3A, %swap3A_16] : memref<1000x128xf32, #tpu.memory_space<vmem>>, vector<1000x128xf32>
    tpu.vector_store %arg7[%swap3A, %swap3A_16], %max3A_15 {strides = array<i32>} : memref<1000x128xf32, #tpu.memory_space<vmem>>, vector<1000x128xf32>,
    %add3A_18 = arith.addf %max3A_14, %get3A_1 : vector<1000x128xf32>
    %get3A_19 = arith.constant 0 : index
    %get3A_20 = arith.constant 0 : index
    %get3A_21 = vector.load %arg6[%get3A_19, %get3A_20] : memref<128x128xf32, #tpu.memory_space<vmem>>, vector<128x128xf32>
    %dot_general3A = arith.constant dense<0.000000e+00> : vector<1000x128xf32>
    %dot_general3A_22 = tpu.matmul %add3A_18, %get3A_21, %dot_general3A {dimension_numbers = #tpu.dot_dimension_numbers<[1], [0], [0], [1], [0, 0, 1, 1], [], []>, precision = #tpu.contract_precision<fp32>, transpose_lhs_hint = false} : vector<1000x128xf32>, vector<128x128xf32>, vector<1000x128xf32> -> vector<1000x128xf32>
    %get3A_23 = arith.constant 0 : index
    %get3A_24 = arith.constant 0 : index
    %get3A_25 = arith.constant 0 : index
    %get3A_26 = vector.load %arg5[%get3A_23, %get3A_24, %get3A_25] : memref<2x1000x16xf32, #tpu.memory_space<vmem>>, vector<1x1000x1xf32>
    %get3A_27 = vector.shape_cast %get3A_26 : vector<1x1000x1xf32> to vector<1000x1xf32>
    %get3A_28 = arith.constant 1 : index
    %get3A_29 = arith.constant 0 : index
    %get3A_30 = arith.constant 0 : index
    %get3A_31 = vector.load %arg5[%get3A_28, %get3A_29, %get3A_30] : memref<2x1000x16xf32, #tpu.memory_space<vmem>>, vector<1x1000x1xf32>
    %get3A_32 = vector.shape_cast %get3A_31 : vector<1x1000x1xf32> to vector<1000x1xf32>
    %add3A_33 = arith.addf %get3A_27, %get3A_32 : vector<1000x1xf32>
    %add3A_34 = arith.constant 1.000000e+00 : f32
    %add3A_35 = vector.broadcast %add3A_34 : f32 to vector<1000x1xf32>
    %add3A_36 = arith.addf %add3A_33, %add3A_35 : vector<1000x1xf32>
    %rsqrt3A = math.rsqrt %add3A_36 : vector<1000x1xf32>
    %mul3A_37 = vector.broadcast %rsqrt3A : vector<1000x1xf32> to vector<1000x128xf32>
    %mul3A_38 = arith.mulf %dot_general3A_22, %mul3A_37 : vector<1000x128xf32>
    %swap3A_39 = arith.constant 0 : index
    %swap3A_40 = arith.constant 0 : index
    %swap3A_41 = vector.load %arg8[%swap3A_39, %swap3A_40] : memref<1000x128xf32, #tpu.memory_space<vmem>>, vector<1000x128xf32>
    tpu.vector_store %arg8[%swap3A_39, %swap3A_40], %mul3A_38 {strides = array<i32>} : memref<1000x128xf32, #tpu.memory_space<vmem>>, vector<1000x128xf32>,
    return
  }
  func.func @transform_0(%arg0: i32) -> (i32, i32) {
    %c0_i32 = arith.constant 0 : i32
    %c0_i32_0 = arith.constant 0 : i32
    return %arg0, %c0_i32 : i32, i32
  }
  func.func @transform_1(%arg0: i32) -> (i32, i32) {
    %c0_i32 = arith.constant 0 : i32
    %c0_i32_0 = arith.constant 0 : i32
    %c0_i32_1 = arith.constant 0 : i32
    return %c0_i32, %c0_i32_0 : i32, i32
  }
  func.func @transform_2(%arg0: i32) -> (i32, i32) {
    %c0_i32 = arith.constant 0 : i32
    %c0_i32_0 = arith.constant 0 : i32
    %c0_i32_1 = arith.constant 0 : i32
    return %c0_i32, %c0_i32_0 : i32, i32
  }
  func.func @transform_3(%arg0: i32) -> (i32, i32) {
    %c0_i32 = arith.constant 0 : i32
    %c0_i32_0 = arith.constant 0 : i32
    return %arg0, %c0_i32 : i32, i32
  }
  func.func @transform_4(%arg0: i32) -> (i32, i32, i32) {
    %c0_i32 = arith.constant 0 : i32
    %c0_i32_0 = arith.constant 0 : i32
    %c0_i32_1 = arith.constant 0 : i32
    return %c0_i32, %arg0, %c0_i32_0 : i32, i32, i32
  }
  func.func @transform_5(%arg0: i32) -> (i32, i32) {
    %c0_i32 = arith.constant 0 : i32
    %c0_i32_0 = arith.constant 0 : i32
    %c0_i32_1 = arith.constant 0 : i32
    return %c0_i32, %c0_i32_0 : i32, i32
  }
  func.func @transform_6(%arg0: i32) -> (i32, i32) {
    %c0_i32 = arith.constant 0 : i32
    %c0_i32_0 = arith.constant 0 : i32
    return %arg0, %c0_i32 : i32, i32
  }
  func.func @transform_7(%arg0: i32) -> (i32, i32) {
    %c0_i32 = arith.constant 0 : i32
    %c0_i32_0 = arith.constant 0 : i32
    return %arg0, %c0_i32 : i32, i32
  }
}

module attributes {stable_mosaic.version = 14 : i64} {
  func.func @body(%arg0: i32, %arg1: memref<1000x128xf32, #tpu.memory_space<vmem>>, %arg2: memref<1x128xf32, #tpu.memory_space<vmem>>, %arg3: memref<1x128xf32, #tpu.memory_space<vmem>>, %arg4: memref<1000x128xf32, #tpu.memory_space<vmem>>, %arg5: memref<128x128xf32, #tpu.memory_space<vmem>>, %arg6: memref<1x128xf32, #tpu.memory_space<vmem>>, %arg7: memref<128x3x256xf32, #tpu.memory_space<vmem>>, %arg8: memref<1x3x256xf32, #tpu.memory_space<vmem>>, %arg9: memref<1000x3x256xf32, #tpu.memory_space<vmem>>) attributes {dimension_semantics = [#tpu.dimension_semantics<arbitrary>], iteration_bounds = array<i64: 10>, scalar_prefetch = 0 : i64, scratch_operands = 0 : i64, tpu.core_type = #tpu.core_type<tc>, window_params = [{transform_indices = @transform_0, window_bounds = array<i64: 1000, 128>}, {pipeline_mode = #tpu.pipeline_mode<synchronous>, transform_indices = @transform_1, window_bounds = array<i64: 1, 128>}, {pipeline_mode = #tpu.pipeline_mode<synchronous>, transform_indices = @transform_2, window_bounds = array<i64: 1, 128>}, {transform_indices = @transform_3, window_bounds = array<i64: 1000, 128>}, {pipeline_mode = #tpu.pipeline_mode<synchronous>, transform_indices = @transform_4, window_bounds = array<i64: 128, 128>}, {pipeline_mode = #tpu.pipeline_mode<synchronous>, transform_indices = @transform_5, window_bounds = array<i64: 1, 128>}, {pipeline_mode = #tpu.pipeline_mode<synchronous>, transform_indices = @transform_6, window_bounds = array<i64: 128, 3, 256>}, {pipeline_mode = #tpu.pipeline_mode<synchronous>, transform_indices = @transform_7, window_bounds = array<i64: 1, 3, 256>}, {transform_indices = @transform_8, window_bounds = array<i64: 1000, 3, 256>}]} {
    %get3A = arith.constant 0 : index
    %get3A_0 = arith.constant 0 : index
    %get3A_1 = vector.load %arg2[%get3A, %get3A_0] : memref<1x128xf32, #tpu.memory_space<vmem>>, vector<1x128xf32>
    %get3A_2 = arith.constant 0 : index
    %get3A_3 = arith.constant 0 : index
    %get3A_4 = vector.load %arg1[%get3A_2, %get3A_3] : memref<1000x128xf32, #tpu.memory_space<vmem>>, vector<1000x128xf32>
    %mul3A = vector.broadcast %get3A_1 : vector<1x128xf32> to vector<1000x128xf32>
    %mul3A_5 = arith.mulf %mul3A, %get3A_4 : vector<1000x128xf32>
    %get3A_6 = arith.constant 0 : index
    %get3A_7 = arith.constant 0 : index
    %get3A_8 = vector.load %arg3[%get3A_6, %get3A_7] : memref<1x128xf32, #tpu.memory_space<vmem>>, vector<1x128xf32>
    %add3A = vector.broadcast %get3A_8 : vector<1x128xf32> to vector<1000x128xf32>
    %add3A_9 = arith.addf %mul3A_5, %add3A : vector<1000x128xf32>
    %max3A = arith.constant 0.000000e+00 : f32
    %max3A_10 = vector.broadcast %max3A : f32 to vector<1000x128xf32>
    %max3A_11 = arith.maximumf %add3A_9, %max3A_10 : vector<1000x128xf32>
    %get3A_12 = arith.constant 0 : index
    %get3A_13 = arith.constant 0 : index
    %get3A_14 = vector.load %arg4[%get3A_12, %get3A_13] : memref<1000x128xf32, #tpu.memory_space<vmem>>, vector<1000x128xf32>
    %max3A_15 = arith.maximumf %get3A_14, %max3A_11 : vector<1000x128xf32>
    %get3A_16 = arith.constant 0 : index
    %get3A_17 = arith.constant 0 : index
    %get3A_18 = vector.load %arg5[%get3A_16, %get3A_17] : memref<128x128xf32, #tpu.memory_space<vmem>>, vector<128x128xf32>
    %dot_general3A = arith.constant dense<0.000000e+00> : vector<1000x128xf32>
    %dot_general3A_19 = tpu.matmul %max3A_15, %get3A_18, %dot_general3A {dimension_numbers = #tpu.dot_dimension_numbers<[1], [0], [0], [1], [0, 0, 1, 1], [], []>, precision = #tpu.contract_precision<fp32>, transpose_lhs_hint = false} : vector<1000x128xf32>, vector<128x128xf32>, vector<1000x128xf32> -> vector<1000x128xf32>
    %get3A_20 = arith.constant 0 : index
    %get3A_21 = arith.constant 0 : index
    %get3A_22 = vector.load %arg6[%get3A_20, %get3A_21] : memref<1x128xf32, #tpu.memory_space<vmem>>, vector<1x128xf32>
    %add3A_23 = vector.broadcast %get3A_22 : vector<1x128xf32> to vector<1000x128xf32>
    %add3A_24 = arith.addf %dot_general3A_19, %add3A_23 : vector<1000x128xf32>
    %max3A_25 = arith.constant 0.000000e+00 : f32
    %max3A_26 = vector.broadcast %max3A_25 : f32 to vector<1000x128xf32>
    %max3A_27 = arith.maximumf %add3A_24, %max3A_26 : vector<1000x128xf32>
    %get3A_28 = arith.constant 0 : index
    %get3A_29 = arith.constant 0 : index
    %get3A_30 = arith.constant 0 : index
    %get3A_31 = vector.load %arg7[%get3A_28, %get3A_29, %get3A_30] : memref<128x3x256xf32, #tpu.memory_space<vmem>>, vector<128x1x256xf32>
    %get3A_32 = vector.shape_cast %get3A_31 : vector<128x1x256xf32> to vector<128x256xf32>
    %dot_general3A_33 = arith.constant dense<0.000000e+00> : vector<1000x256xf32>
    %dot_general3A_34 = tpu.matmul %max3A_27, %get3A_32, %dot_general3A_33 {dimension_numbers = #tpu.dot_dimension_numbers<[1], [0], [0], [1], [0, 0, 1, 1], [], []>, precision = #tpu.contract_precision<fp32>, transpose_lhs_hint = false} : vector<1000x128xf32>, vector<128x256xf32>, vector<1000x256xf32> -> vector<1000x256xf32>
    %get3A_35 = arith.constant 0 : index
    %get3A_36 = arith.constant 0 : index
    %get3A_37 = arith.constant 0 : index
    %get3A_38 = vector.load %arg8[%get3A_35, %get3A_36, %get3A_37] : memref<1x3x256xf32, #tpu.memory_space<vmem>>, vector<1x1x256xf32>
    %get3A_39 = vector.shape_cast %get3A_38 : vector<1x1x256xf32> to vector<1x256xf32>
    %squeeze3A = vector.shape_cast %get3A_39 : vector<1x256xf32> to vector<256xf32>
    %broadcast_in_dim3A = vector.shape_cast %squeeze3A : vector<256xf32> to vector<1x256xf32>
    %add3A_40 = vector.broadcast %broadcast_in_dim3A : vector<1x256xf32> to vector<1000x256xf32>
    %add3A_41 = arith.addf %dot_general3A_34, %add3A_40 : vector<1000x256xf32>
    %swap3A = arith.constant 0 : index
    %swap3A_42 = arith.constant 0 : index
    %swap3A_43 = arith.constant 0 : index
    %swap3A_44 = vector.load %arg9[%swap3A, %swap3A_42, %swap3A_43] : memref<1000x3x256xf32, #tpu.memory_space<vmem>>, vector<1000x1x256xf32>
    %swap3A_45 = vector.shape_cast %swap3A_44 : vector<1000x1x256xf32> to vector<1000x256xf32>
    %swap3A_46 = vector.shape_cast %add3A_41 : vector<1000x256xf32> to vector<1000x1x256xf32>
    tpu.vector_store %arg9[%swap3A, %swap3A_42, %swap3A_43], %swap3A_46 {strides = array<i32>} : memref<1000x3x256xf32, #tpu.memory_space<vmem>>, vector<1000x1x256xf32>,
    %get3A_47 = arith.constant 0 : index
    %get3A_48 = arith.constant 1 : index
    %get3A_49 = arith.constant 0 : index
    %get3A_50 = vector.load %arg7[%get3A_47, %get3A_48, %get3A_49] : memref<128x3x256xf32, #tpu.memory_space<vmem>>, vector<128x1x256xf32>
    %get3A_51 = vector.shape_cast %get3A_50 : vector<128x1x256xf32> to vector<128x256xf32>
    %dot_general3A_52 = arith.constant dense<0.000000e+00> : vector<1000x256xf32>
    %dot_general3A_53 = tpu.matmul %max3A_27, %get3A_51, %dot_general3A_52 {dimension_numbers = #tpu.dot_dimension_numbers<[1], [0], [0], [1], [0, 0, 1, 1], [], []>, precision = #tpu.contract_precision<fp32>, transpose_lhs_hint = false} : vector<1000x128xf32>, vector<128x256xf32>, vector<1000x256xf32> -> vector<1000x256xf32>
    %get3A_54 = arith.constant 0 : index
    %get3A_55 = arith.constant 1 : index
    %get3A_56 = arith.constant 0 : index
    %get3A_57 = vector.load %arg8[%get3A_54, %get3A_55, %get3A_56] : memref<1x3x256xf32, #tpu.memory_space<vmem>>, vector<1x1x256xf32>
    %get3A_58 = vector.shape_cast %get3A_57 : vector<1x1x256xf32> to vector<1x256xf32>
    %squeeze3A_59 = vector.shape_cast %get3A_58 : vector<1x256xf32> to vector<256xf32>
    %broadcast_in_dim3A_60 = vector.shape_cast %squeeze3A_59 : vector<256xf32> to vector<1x256xf32>
    %add3A_61 = vector.broadcast %broadcast_in_dim3A_60 : vector<1x256xf32> to vector<1000x256xf32>
    %add3A_62 = arith.addf %dot_general3A_53, %add3A_61 : vector<1000x256xf32>
    %swap3A_63 = arith.constant 0 : index
    %swap3A_64 = arith.constant 1 : index
    %swap3A_65 = arith.constant 0 : index
    %swap3A_66 = vector.load %arg9[%swap3A_63, %swap3A_64, %swap3A_65] : memref<1000x3x256xf32, #tpu.memory_space<vmem>>, vector<1000x1x256xf32>
    %swap3A_67 = vector.shape_cast %swap3A_66 : vector<1000x1x256xf32> to vector<1000x256xf32>
    %swap3A_68 = vector.shape_cast %add3A_62 : vector<1000x256xf32> to vector<1000x1x256xf32>
    tpu.vector_store %arg9[%swap3A_63, %swap3A_64, %swap3A_65], %swap3A_68 {strides = array<i32>} : memref<1000x3x256xf32, #tpu.memory_space<vmem>>, vector<1000x1x256xf32>,
    %get3A_69 = arith.constant 0 : index
    %get3A_70 = arith.constant 2 : index
    %get3A_71 = arith.constant 0 : index
    %get3A_72 = vector.load %arg7[%get3A_69, %get3A_70, %get3A_71] : memref<128x3x256xf32, #tpu.memory_space<vmem>>, vector<128x1x256xf32>
    %get3A_73 = vector.shape_cast %get3A_72 : vector<128x1x256xf32> to vector<128x256xf32>
    %dot_general3A_74 = arith.constant dense<0.000000e+00> : vector<1000x256xf32>
    %dot_general3A_75 = tpu.matmul %max3A_27, %get3A_73, %dot_general3A_74 {dimension_numbers = #tpu.dot_dimension_numbers<[1], [0], [0], [1], [0, 0, 1, 1], [], []>, precision = #tpu.contract_precision<fp32>, transpose_lhs_hint = false} : vector<1000x128xf32>, vector<128x256xf32>, vector<1000x256xf32> -> vector<1000x256xf32>
    %get3A_76 = arith.constant 0 : index
    %get3A_77 = arith.constant 2 : index
    %get3A_78 = arith.constant 0 : index
    %get3A_79 = vector.load %arg8[%get3A_76, %get3A_77, %get3A_78] : memref<1x3x256xf32, #tpu.memory_space<vmem>>, vector<1x1x256xf32>
    %get3A_80 = vector.shape_cast %get3A_79 : vector<1x1x256xf32> to vector<1x256xf32>
    %squeeze3A_81 = vector.shape_cast %get3A_80 : vector<1x256xf32> to vector<256xf32>
    %broadcast_in_dim3A_82 = vector.shape_cast %squeeze3A_81 : vector<256xf32> to vector<1x256xf32>
    %add3A_83 = vector.broadcast %broadcast_in_dim3A_82 : vector<1x256xf32> to vector<1000x256xf32>
    %add3A_84 = arith.addf %dot_general3A_75, %add3A_83 : vector<1000x256xf32>
    %swap3A_85 = arith.constant 0 : index
    %swap3A_86 = arith.constant 2 : index
    %swap3A_87 = arith.constant 0 : index
    %swap3A_88 = vector.load %arg9[%swap3A_85, %swap3A_86, %swap3A_87] : memref<1000x3x256xf32, #tpu.memory_space<vmem>>, vector<1000x1x256xf32>
    %swap3A_89 = vector.shape_cast %swap3A_88 : vector<1000x1x256xf32> to vector<1000x256xf32>
    %swap3A_90 = vector.shape_cast %add3A_84 : vector<1000x256xf32> to vector<1000x1x256xf32>
    tpu.vector_store %arg9[%swap3A_85, %swap3A_86, %swap3A_87], %swap3A_90 {strides = array<i32>} : memref<1000x3x256xf32, #tpu.memory_space<vmem>>, vector<1000x1x256xf32>,
    return
  }
  func.func @transform_0(%arg0: i32) -> (i32, i32) {
    %c0_i32 = arith.constant 0 : i32
    %c0_i32_0 = arith.constant 0 : i32
    return %arg0, %c0_i32 : i32, i32
  }
  func.func @transform_1(%arg0: i32) -> (i32, i32) {
    %c0_i32 = arith.constant 0 : i32
    %c0_i32_0 = arith.constant 0 : i32
    %c0_i32_1 = arith.constant 0 : i32
    return %c0_i32, %c0_i32_0 : i32, i32
  }
  func.func @transform_2(%arg0: i32) -> (i32, i32) {
    %c0_i32 = arith.constant 0 : i32
    %c0_i32_0 = arith.constant 0 : i32
    %c0_i32_1 = arith.constant 0 : i32
    return %c0_i32, %c0_i32_0 : i32, i32
  }
  func.func @transform_3(%arg0: i32) -> (i32, i32) {
    %c0_i32 = arith.constant 0 : i32
    %c0_i32_0 = arith.constant 0 : i32
    return %arg0, %c0_i32 : i32, i32
  }
  func.func @transform_4(%arg0: i32) -> (i32, i32) {
    %c0_i32 = arith.constant 0 : i32
    %c0_i32_0 = arith.constant 0 : i32
    %c0_i32_1 = arith.constant 0 : i32
    return %c0_i32, %c0_i32_0 : i32, i32
  }
  func.func @transform_5(%arg0: i32) -> (i32, i32) {
    %c0_i32 = arith.constant 0 : i32
    %c0_i32_0 = arith.constant 0 : i32
    %c0_i32_1 = arith.constant 0 : i32
    return %c0_i32, %c0_i32_0 : i32, i32
  }
  func.func @transform_6(%arg0: i32) -> (i32, i32, i32) {
    %c0_i32 = arith.constant 0 : i32
    %c0_i32_0 = arith.constant 0 : i32
    %c0_i32_1 = arith.constant 0 : i32
    %c0_i32_2 = arith.constant 0 : i32
    return %c0_i32, %c0_i32_0, %c0_i32_1 : i32, i32, i32
  }
  func.func @transform_7(%arg0: i32) -> (i32, i32, i32) {
    %c0_i32 = arith.constant 0 : i32
    %c0_i32_0 = arith.constant 0 : i32
    %c0_i32_1 = arith.constant 0 : i32
    %c0_i32_2 = arith.constant 0 : i32
    return %c0_i32, %c0_i32_0, %c0_i32_1 : i32, i32, i32
  }
  func.func @transform_8(%arg0: i32) -> (i32, i32, i32) {
    %c0_i32 = arith.constant 0 : i32
    %c0_i32_0 = arith.constant 0 : i32
    %c0_i32_1 = arith.constant 0 : i32
    return %arg0, %c0_i32, %c0_i32_0 : i32, i32, i32
  }
}

</mosaic_0001>

<sc_bundles>
// kernel: kernel.13.cloned.1.call-start
scs
__scs_entry_jumppad:
0x0: {  	(pc) =	sbr.rel $0x88, $3  }
0x1: {  	(tag) =	ssettag $0x0;
	lr =	simm.s32 $0x1  }
0x2: {  	[smem:$0x3F8C] =	sst lr;
	_ =	strace $0xD0000000  }
0x3: {  	_ = 	snop  }
0x4: {  	_ = 	snop  }
0x5: {  	_ = 	snop  }
0x6: {  	_ = 	snop  }
0x7: {  	_ = 	snop  }
__scs_overlays_trampoline_lowered:
0x8: {  	[smem:$0x3F9B] =	sst s0  }
0x9: {  	[smem:$0x3F9C] =	sst s1  }
0xa: {  	[smem:$0x3F9D] =	sst s2  }
0xb: {  	[smem:$0x3F9E] =	sst s3  }
0xc: {  	[smem:$0x3F9F] =	sst s4  }
0xd: {  	[smem:$0x3FA0] =	sst s5  }
0xe: {  	[smem:$0x3FA1] =	sst s6  }
0xf: {  	[smem:$0x3FA2] =	sst s7  }
0x10: {  	[smem:$0x3FA3] =	sst s8  }
0x11: {  	[smem:$0x3FA4] =	sst s9;
	s0 =	simm.s32 @!p0 $0x0  }
0x12: {  	s1 =	sld [smem:$0x3F8A];
	s0 =	simm.s32 @p0 $0x1  }
0x13: {  	[smem:$0x3FA5] =	sst s0;
	s0 =	simm.s32 @!p1 $0x0  }
0x14: {  	s2 =	sld [smem:$0x3F89];
	s0 =	simm.s32 @p1 $0x1  }
0x15: {  	[smem:$0x3FA6] =	sst s0;
	s0 =	simm.s32 @!p2 $0x0  }
0x16: {  	s3 =	sld [smem:$0x3FDB];
	s0 =	simm.s32 @p2 $0x1  }
0x17: {  	s4 =	simm.s32 $0x1BF5;
	[smem:$0x3FA8] =	sst s0  }
0x18: {  	s0 =	sld [smem:$0x3F8B];
	_ =	swait.ge [sflag:s4], $0x0  }
0x19: {  	s7 =	sld [smem:$0x3F8C]  }
0x1a: {  	s8 =	sadd.s32 $0xFFFFE003, lr  }
0x1b: {  	s9 =	sadd.s32 $0xFFFFFEF7, lr;
	s5 =	simm.s32 $0xFFFFFFFF;
	p2 =	slt.u32 s8, $0xFFFFF086  }
0x1c: {  	p1 =	slt.u32 s9, $0xF7A;
	s5 =	simm.s32 @!p2 $0x0  }
0x1d: {  	s5 =	simm.s32 @p1 $0x1;
	p0 =	seq.s32 s7, s2  }
0x1e: {  	s7 =	smul.u32 @!p0 $0xF7A, s2;
	p2 =	seq.s32 @!p0 s5, $0x0  }
0x1f: {  	s9 =	smul.u32 $0xF7A, s1;
	s8 =	simm.s32 @!p0 $0x1BF5;
	p2 =	por !p2, p0  }
0x20: {  	[sflag:s8] =	ssyncset.s32 @!p0 $0xFFFFF086;
	s6 =	sadd.s32 @!p0 s3, s7;
	s7 =	simm.s32 @!p0 $0x108  }
0x21: {  	s3 =	sadd.s32 s3, s9;
	s6 =	sadd.s32 @!p0 $0x88, s6;
	s7 =	simm.s32 @p2 $0x1082  }
0x22: {  	[simem:s7], [sflag:s8] =	dma.local @!p0 [hbm:s6], $0xF7A  }
0x23: {  	s9 =	sor.u32 $0xD0000000, s2;
	s6 =	simm.s32 $0x108;
	_ =	swait.ge @!p0 [sflag:s8], $0x0  }
0x24: {  	s3 =	sadd.s32 $0x88, s3;
	s6 =	simm.s32 @!p1 $0x1082;
	[sflag:s4] =	ssyncset.s32 $0xFFFFF086  }
0x25: {  	[simem:s6], [sflag:s4] =	dma.local [hbm:s3], $0xF7A  }
0x26: {  	[smem:$0x3F8C] =	sst s1;
	(tag) =	ssettag s2;
	_ =	strace s9  }
0x27: {  	s1 =	sld [smem:$0x3F9C]  }
0x28: {  	s2 =	sld [smem:$0x3F9D]  }
0x29: {  	s4 =	sld [smem:$0x3F9F]  }
0x2a: {  	p0 =	seq.s32 s5, $0x0;
	s5 =	sld [smem:$0x3FA0]  }
0x2b: {  	s6 =	sld [smem:$0x3FA1]  }
0x2c: {  	s7 =	sld [smem:$0x3FA2]  }
0x2d: {  	s3 =	simm.s32 $0x108;
	s8 =	sld [smem:$0x3FA3]  }
0x2e: {  	s3 =	simm.s32 @!p0 $0x1082;
	s9 =	sld [smem:$0x3FA4]  }
0x2f: {  	lr =	sadd.s32 s0, s3;
	s0 =	sld [smem:$0x3F9B]  }
0x30: {  	s3 =	sld [smem:$0x3F9E]  }
0x31: {  	[smem:$0x3FA7] =	sst s10  }
0x32: {  	s10 =	sld [smem:$0x3FA5];
	_ =	sdelay $0x3  }
0x33: {  	p0 =	seq.s32 s10, $0x1;
	s10 =	sld [smem:$0x3FA7];
	_ =	sdelay $0x3  }
0x34: {  	[smem:$0x3FA7] =	sst s10  }
0x35: {  	s10 =	sld [smem:$0x3FA6];
	_ =	sdelay $0x3  }
0x36: {  	p1 =	seq.s32 s10, $0x1;
	s10 =	sld [smem:$0x3FA7];
	_ =	sdelay $0x3  }
0x37: {  	[smem:$0x3FA7] =	sst s10  }
0x38: {  	s10 =	sld [smem:$0x3FA8]  }
0x39: {  	_ = 	snop;
	(pc) =	sbr.ind lr, $3  }
0x3a: {  	_ = 	snop  }
0x3b: {  	_ = 	snop  }
0x3c: {  	p2 =	seq.s32 s10, $0x1;
	s10 =	sld [smem:$0x3FA7]  }
0x3d: {  	_ =	shalt  }
0x3e: {  	_ =	shalt  }
0x3f: {  	_ =	shalt  }
0x40: {  	_ =	shalt  }
0x41: {  	_ =	shalt  }
0x42: {  	_ =	shalt  }
0x43: {  	_ =	shalt  }
0x44: {  	_ =	shalt  }
0x45: {  	_ =	shalt  }
0x46: {  	_ =	shalt  }
0x47: {  	_ =	shalt  }
0x48: {  	_ =	shalt  }
0x49: {  	_ =	shalt  }
0x4a: {  	_ =	shalt  }
0x4b: {  	_ =	shalt  }
0x4c: {  	_ =	shalt  }
0x4d: {  	_ =	shalt  }
0x4e: {  	_ =	shalt  }
0x4f: {  	_ =	shalt  }
0x50: {  	_ =	shalt  }
0x51: {  	_ =	shalt  }
0x52: {  	_ =	shalt  }
0x53: {  	_ =	shalt  }
0x54: {  	_ =	shalt  }
0x55: {  	_ =	shalt  }
0x56: {  	_ =	shalt  }
0x57: {  	_ =	shalt  }
0x58: {  	_ =	shalt  }
0x59: {  	_ =	shalt  }
0x5a: {  	_ =	shalt  }
0x5b: {  	_ =	shalt  }
0x5c: {  	_ =	shalt  }
0x5d: {  	_ =	shalt  }
0x5e: {  	_ =	shalt  }
0x5f: {  	_ =	shalt  }
0x60: {  	_ =	shalt  }
0x61: {  	_ =	shalt  }
0x62: {  	_ =	shalt  }
0x63: {  	_ =	shalt  }
0x64: {  	_ =	shalt  }
0x65: {  	_ =	shalt  }
0x66: {  	_ =	shalt  }
0x67: {  	_ =	shalt  }
0x68: {  	_ =	shalt  }
0x69: {  	_ =	shalt  }
0x6a: {  	_ =	shalt  }
0x6b: {  	_ =	shalt  }
0x6c: {  	_ =	shalt  }
0x6d: {  	_ =	shalt  }
0x6e: {  	_ =	shalt  }
0x6f: {  	_ =	shalt  }
0x70: {  	_ =	shalt  }
0x71: {  	_ =	shalt  }
0x72: {  	_ =	shalt  }
0x73: {  	_ =	shalt  }
0x74: {  	_ =	shalt  }
0x75: {  	_ =	shalt  }
0x76: {  	_ =	shalt  }
0x77: {  	_ =	shalt  }
0x78: {  	_ =	shalt  }
0x79: {  	_ =	shalt  }
0x7a: {  	_ =	shalt  }
0x7b: {  	_ =	shalt  }
0x7c: {  	_ =	shalt  }
0x7d: {  	_ =	shalt  }
0x7e: {  	_ =	shalt  }
0x7f: {  	_ =	shalt  }
0x80: {  	_ =	shalt  }
0x81: {  	_ =	shalt  }
0x82: {  	_ =	shalt  }
0x83: {  	_ =	shalt  }
0x84: {  	_ =	shalt  }
0x85: {  	_ =	shalt  }
0x86: {  	_ =	shalt  }
0x87: {  	_ =	shalt  }
.Lfunc_end0:
.L_simem_size_0:
called_computation_lowered:
.L_overlay_start_0:
0x88: {  	s2 =	sld [smem:$0x3FD9]  }
0x89: {  	s3 =	sld [smem:$0x3FFE];
	_ =	sdelay $0x1  }
0x8a: {  	s1 =	srdreg.scid  }
0x8b: {  	s0 =	sand.u32 $0x1, s1  }
0x8c: {  	s16 =	sshll.u32 s0, $0xA;
	s2 =	sadd.s32 s3, s2  }
0x8d: {  	s2 =	sadd.s32 s2, s16  }
0x8e: {  	[smem:$0x3FB3] =	sst s2  }
0x8f: {  	_ = 	snop  }
0x90: {  	(tm) =	ssettm $0x1  }
0x91: {  	s17 =	sld [smem:$0x3FFB];
	_ =	sdelay $0x3  }
0x92: {  	_ =	strace s17  }
0x93: {  	s2 =	sld [smem:$0x3FFC];
	_ =	sdelay $0x3  }
0x94: {  	_ =	strace s2  }
0x95: {  	s2 =	sld [smem:$0x3FFD];
	_ =	sdelay $0x3  }
0x96: {  	_ =	strace s2  }
0x97: {  	_ =	strace $0x8FFFFFFF  }
0x98: {  	s18 =	sld [smem:$0x3FDB];
	_ =	sdelay $0x1  }
0x99: {  	s19 =	simm.s32 $_scs_section_size  }
0x9a: {  	s4 =	simm.s32 $_size__tile_overlayer_lowered;
	s5 =	simm.s32 $_tile_overlayer_lowered  }
0x9b: {  	s22 =	simm.s32 $0x1BFF;
	s21 =	sshll.u32 s5, $0x1;
	s2 =	sadd.s32 s19, s18  }
0x9c: {  	s6 =	simm.s32 $0x0;
	s20 =	sshll.u32 s4, $0x1;
	s4 =	sadd.s32 s21, s2  }
0x9d: {  	[timem:s6], [sflag:s22] =	dma.local [hbm:s4], s20  }
0x9e: {  	_ =	swait.ge [sflag:s22], s20  }
0x9f: {  	s3 =	ssub.s32 $0x0, s20;
	[sflag:s22] =	ssyncset.done $0x0  }
0xa0: {  	[sflag:s22] =	ssyncadd.s32 s3;
	_ =	sdelay $0x1  }
0xa1: {  	s23 =	simm.s32 $0x1B8B  }
0xa2: {  	_ =	swait.ge [sflag:s23], $0x1  }
0xa3: {  	[sflag:s23] =	ssyncset.done $0x0  }
0xa4: {  	s25 =	simm.s32 $0x1B8E;
	s24 =	sld [smem:$0x3FFE];
	[sflag:s23] =	ssyncadd.s32 $0xFFFFFFFF  }
0xa5: {  	s26 =	simm.s32 $execute0_lowered;
	[smem:$0x3FD2] =	sst s25  }
0xa6: {  	s4 =	sshll.u32 s26, $0x1;
	_ =	strace $0x80000046;
	[dreg:$0x1] =	wrdreg $0xFFFFFFFF  }
0xa7: {  	s28 =	simm.s32 $_size_execute0_lowered;
	s2 =	sadd.s32 s2, s4;
	[dreg:$0x0] =	wrdreg $0x0  }
0xa8: {  	s4 =	sshll.u32 s28, $0x1;
	[dreg:$0x2] =	wrdreg s2  }
0xa9: {  	[dreg:$0x3] =	wrdreg s4  }
0xaa: {  	[dreg:$0x4] =	wrdreg $0xC0  }
0xab: {  	_ =	task [dreg:s6], $0x5FFFF  }
0xac: {  	[dreg:$0x1] =	wrdreg $0xFFFFFFFF  }
0xad: {  	[dreg:$0x0] =	wrdreg $0x60  }
0xae: {  	[dreg:$0x2] =	wrdreg s24  }
0xaf: {  	[dreg:$0x3] =	wrdreg $0x68800  }
0xb0: {  	[dreg:$0x4] =	wrdreg $0x9  }
0xb1: {  	_ =	task.clear_ibuf [dreg:s6], $0x5FFFF;
	_ =	strace $0x90000046  }
0xb2: {  	s29 =	simm.s32 $0x9;
	_ =	strace $0x80000048  }
0xb3: {  	_ =	swait.ge [sflag:s29], $0x1  }
0xb4: {  	[sflag:s29] =	ssyncadd.s32 $0xFFFFFFFF  }
0xb5: {  	_ =	strace $0x90000048  }
0xb6: {  	_ =	sfence  }
0xb7: {  	s30 =	sld [smem:$0x0];
	_ =	sdelay $0x2  }
0xb8: {  	s31 =	sshll.u32 s1, $0xD;
	s1 =	sshrl.u32 s1, $0x2  }
0xb9: {  	s3 =	sand.u32 $0x4000, s31;
	s1 =	sadd.s32 s1, s30  }
0xba: {  	s0 =	sor.u32 s3, s0;
	s1 =	sshll.u32 s1, $0x11  }
0xbb: {  	s0 =	sor.u32 s1, s0  }
0xbc: {  	s0 =	sadd.s32 $0x8F2B, s0  }
0xbd: {  	[sflag:s0] =	ssyncadd.remote.s32 $0x1  }
0xbe: {  	_ =	sfence.sel $0xFFFF  }
0xbf: {  	[dreg:$0x0] =	wrdreg $0xFFFFFFFF;
	(pc) =	sbr.abs _section_cstart, $3  }
0xc0: {  	[dreg:$0x1] =	wrdreg $0xFFFFFFFF  }
0xc1: {  	_ =	task.clear_ibuf [dreg:s6], $0x2FFFF;
	_ =	strace $0x9FFFFFFF  }
0xc2: {  	(tm) =	ssettm $0x7FFFFFFF  }
0xc3: {  	_ =	shalt  }
tec
execute0_lowered:
.L_overlay_start_1:
0x0: {  	(tag) =	ssettag $0x1  }
0x1: {  	s1 =	srdreg.scid;
	s4 =	rddreg [dreg:$0x0]  }
0x2: {  	s0 =	stileid.u32;
	s2 =	rddreg [dreg:$0x1]  }
0x3: {  	s3 =	simm.s32 $0x0;
	s12 =	simm.s32 $0x2880;
	s13 =	simm.s32 $0x2  }
0x4: {  	s14 =	simm.s32 $0x1;
	s15 =	simm.s32 $0x50;
	s6 =	smul.u32 $0x4E20, s0  }
0x5: {  	s16 =	simm.s32 $0x80;
	s18 =	simm.s32 $0x0;
	s26 =	smul.u32 $0x14000, s0  }
0x6: {  	s5 =	sand.u32 $0x1, s1;
	s1 =	rddreg [dreg:$0x2];
	s9 =	smul.u32 $0x50000, s0  }
0x7: {  	[smem:$0x7FF] =	sst s3;
	s17 =	sshll.u32 s0, $0x6;
	s7 =	smul.u32 $0x2710, s5  }
0x8: {  	s8 =	smul.u32 $0x140000, s5;
	_ =	strace $0x80000047;
	s5 =	ssub.s32 $0x2, s5  }
0x9: {  	s17 =	sor.u32 $0x1C02, s17;
	s29 =	sshrl.u32 s5, $0x1;
	s6 =	sadd.s32 s7, s6  }
0xa: {  	s30 =	sshrl.u32 s9, $0x2;
	s28 =	sadd.s32 s26, s8;
	s6 =	sshrl.u32 s6, $0x3  }
0xb: {  	s10 =	ssub.s32 s5, s29;
	s11 =	sadd.s32 s6, s4;
	s6 =	sshrl.u32 s28, $0x3  }
0xc: {  	s10 =	smax.u32 s10, $0x1;
	s31 =	sadd.s32 s6, s4;
	s4 =	sadd.s32 s30, s2  }
0xd: {  	s11 =	sadd.s32 $0xF200, s11;
	s5 =	sadd.s32 $0x4000, s4;
	s6 =	sadd.s32 $0x8000, s4  }
0xe: {  	v0 =	vimm.f32 $0.0e+00;
	s7 =	sadd.s32 $0xC000, s4;
	s8 =	sadd.s32 $0x10000, s4;
	s9 =	sadd.s32 $0x19000, s31  }
.LBB2_1:
0xf: {  	p0 =	por $0x0, $0x0  }
0x10: {  	s19 =	simm.s32 $0x1;
	[tilespmem:s12+$0x0] =	vst v0;
	s20 =	simm.s32 $0x80;
	s21 =	simm.s32 $0x2880;
	v1 =	vimm.f32 @!p0 $1.000000000e+00  }
.LBB2_2:
0x11: {  	s22 =	smov.u32 s19;
	s19 =	sadd.s32 $0x1, s19  }
0x12: {  	[tilespmem:s20+$0x0] =	vst @!p0 v1;
	s21 =	sadd.s32 $0x80, s21;
	s20 =	sadd.s32 $0x80, s20;
	p1 =	sne.s32 s19, $0x80  }
.Ltmp0:
0x13: {  	(pc) =	sbr.rel @p1 .LBB2_2-.Ltmp0, $3  }
0x14: {  	_ =	sdelay $0x1  }
0x15: {  	p0 =	sgt.u32 s22, $0x4F  }
0x16: {  	v1 =	vimm.f32 @!p0 $1.000000000e+00;
	[tilespmem:s21+$0x0] =	vst v0  }
0x17: {  	[tilespmem:s20+$0x0] =	vst @!p0 v1  }
0x18: {  	[spmem:s4] =	stream.linear.scatter [tilespmem:s12], [sflag:$0x2], $0x4000, $0x38;
	[tilespmem:$0x9080] =	vst v63  }
0x19: {  	_ =	swait.ge [sflag:s13], $0x4000  }
0x1a: {  	[sflag:s13] =	ssyncset.done $0x0  }
0x1b: {  	[sflag:s13] =	ssyncadd.s32 $0xFFFFC000  }
0x1c: {  	[spmem:s5] =	stream.linear.scatter [tilespmem:s12], [sflag:$0x2], $0x4000, $0x38;
	[tilespmem:$0x9080] =	vst v63  }
0x1d: {  	_ =	swait.ge [sflag:s13], $0x4000  }
0x1e: {  	[sflag:s13] =	ssyncset.done $0x0  }
0x1f: {  	[sflag:s13] =	ssyncadd.s32 $0xFFFFC000  }
0x20: {  	[spmem:s6] =	stream.linear.scatter [tilespmem:s12], [sflag:$0x2], $0x4000, $0x38;
	[tilespmem:$0x9080] =	vst v63  }
0x21: {  	_ =	swait.ge [sflag:s13], $0x4000  }
0x22: {  	[sflag:s13] =	ssyncset.done $0x0  }
0x23: {  	[sflag:s13] =	ssyncadd.s32 $0xFFFFC000  }
0x24: {  	[spmem:s7] =	stream.linear.scatter [tilespmem:s12], [sflag:$0x2], $0x4000, $0x38;
	[tilespmem:$0x9080] =	vst v63  }
0x25: {  	_ =	swait.ge [sflag:s13], $0x4000  }
0x26: {  	[sflag:s13] =	ssyncset.done $0x0  }
0x27: {  	[sflag:s13] =	ssyncadd.s32 $0xFFFFC000  }
0x28: {  	[spmem:s8] =	stream.linear.scatter [tilespmem:s12], [sflag:$0x2], $0x4000, $0x38;
	[tilespmem:$0x9080] =	vst v63  }
0x29: {  	_ =	swait.ge [sflag:s13], $0x4000  }
0x2a: {  	[sflag:s13] =	ssyncset.done $0x0  }
0x2b: {  	[sflag:s13] =	ssyncadd.s32 $0xFFFFC000  }
0x2c: {  	s19 =	sadd.s32 $0x0, s11;
	[bflag:$0x0] =	sbarrier.arrive $0xFFFF  }
0x2d: {  	[tilespmem:s3], [sflag:$0x1] =	stream.linear.gather [hbm4b:s19+s3], $0x50, $0x38;
	[tilespmem:$0x9080] =	vst v63  }
0x2e: {  	_ =	swait.ge [sflag:s14], $0x50  }
0x2f: {  	[sflag:s14] =	ssyncset.done $0x0  }
0x30: {  	[sflag:s14] =	ssyncadd.s32 $0xFFFFFFB0  }
0x31: {  	[spmem:s2] =	stream.indirect.scatter.add.f32 [tilespmem:s16], [sflag:$0x2], $0x10, s3, s15, $0xb8;
	[tilespmem:$0x9080] =	vst v63  }
0x32: {  	_ =	swait.ge [sflag:s13], $0x500  }
0x33: {  	s20 =	simm.s32 $0x14;
	s19 =	simm.s32 $0xA;
	[sflag:s13] =	ssyncset.done $0x0  }
.LBB2_4:
0x34: {  	s21 =	sadd.s32 s19, s11  }
0x35: {  	[sflag:s13] =	ssyncadd.s32 $0xFFFFFB00;
	s19 =	smov.u32 s20;
	s22 =	sadd.s32 $0xA, s20  }
0x36: {  	[tilespmem:s3], [sflag:$0x1] =	stream.linear.gather [hbm4b:s21+s3], $0x50, $0x38;
	[tilespmem:$0x9080] =	vst v63  }
0x37: {  	p0 =	sne.s32 s20, $0x4D8;
	_ =	swait.ge [sflag:s14], $0x50  }
.Ltmp1:
0x38: {  	[sflag:s14] =	ssyncset.done $0x0;
	(pc) =	sbr.rel @p0 .LBB2_4-.Ltmp1, $4  }
0x39: {  	[sflag:s14] =	ssyncadd.s32 $0xFFFFFFB0  }
0x3a: {  	[spmem:s2] =	stream.indirect.scatter.add.f32 [tilespmem:s16], [sflag:$0x2], $0x10, s3, s15, $0xb8;
	[tilespmem:$0x9080] =	vst v63  }
0x3b: {  	_ =	swait.ge [sflag:s13], $0x500  }
0x3c: {  	s20 =	smov.u32 s22;
	[sflag:s13] =	ssyncset.done $0x0  }
0x3d: {  	s19 =	sadd.s32 s19, s11;
	[sflag:s13] =	ssyncadd.s32 $0xFFFFFB00  }
0x3e: {  	[tilespmem:s3], [sflag:$0x1] =	stream.linear.gather [hbm4b:s19+s3], $0x50, $0x38;
	[tilespmem:$0x9080] =	vst v63  }
0x3f: {  	_ =	swait.ge [sflag:s14], $0x50  }
0x40: {  	[sflag:s14] =	ssyncset.done $0x0  }
0x41: {  	[sflag:s14] =	ssyncadd.s32 $0xFFFFFFB0  }
0x42: {  	[spmem:s2] =	stream.indirect.scatter.add.f32 [tilespmem:s16], [sflag:$0x2], $0x10, s3, s15, $0xb8;
	[tilespmem:$0x9080] =	vst v63  }
0x43: {  	_ =	swait.ge [sflag:s13], $0x500  }
0x44: {  	s18 =	sadd.s32 $0x1, s18;
	[sflag:s13] =	ssyncset.done $0x0  }
0x45: {  	p0 =	sne.s32 s18, s10;
	[sflag:s13] =	ssyncadd.s32 $0xFFFFFB00  }
.Ltmp2:
0x46: {  	s31 =	sshrl.u32 s4, $0x3;
	[bflag:$0x0] =	sbarrier.arrive $0xFFFF;
	(pc) =	sbr.rel @p0 .LBB2_1-.Ltmp2, $4  }
0x47: {  	[hbm:s9], [sflag:s17] =	dma.local [spmem:s31], $0x2800  }
0x48: {  	_ =	swait.ge [sflag:s13], $0x2800  }
0x49: {  	[sflag:s13] =	ssyncset.done $0x0  }
0x4a: {  	[sflag:s13] =	ssyncadd.s32 $0xFFFFD800  }
0x4b: {  	_ =	sfence.sel $0x180000  }
0x4c: {  	[bflag:$0x0] =	sbarrier.arrive $0xFFFF  }
0x4d: {  	p0 =	sne.s32 s0, $0x0;
	_ =	strace $0x90000047  }
0x4e: {  	s0 =	sadd.s32 @!p0 $0x100000, s1;
	[bflag:$0x2] =	sbarrier.arrive $0xFFFF  }
0x4f: {  	[sflag:s0] =	ssyncadd.tile.s32 @!p0 $0x1;
	_ =	shalt  }
.Lfunc_end2:
_tile_overlayer_lowered:
.L_overlay_start_2:
0x50: {  	(tag) =	ssettag $0x2  }
0x51: {  	s0 =	rddreg [dreg:$0x0];
	s2 =	stileid.u32  }
0x52: {  	s1 =	rddreg [dreg:$0x1];
	p0 =	sne.s32 s2, $0x0  }
0x53: {  	s3 =	rddreg [dreg:$0x2];
	[bflag:$0x3] =	sbarrier.arrive $0xFFFF;
	s2 =	simm.s32 @!p0 $0x1C02  }
0x54: {  	[timem:s3], [sflag:s2] =	dma.local @!p0 [hbm:s0], s1  }
0x55: {  	s0 =	simm.s32 @!p0 $0x2  }
0x56: {  	_ =	swait.ge @!p0 [sflag:s0], s1  }
0x57: {  	s1 =	ssub.s32 @!p0 $0x0, s1;
	[sflag:s0] =	ssyncset.done @!p0 $0x0  }
0x58: {  	[sflag:s0] =	ssyncadd.s32 @!p0 s1  }
0x59: {  	[bflag:$0x3] =	sbarrier.arrive $0xFFFF  }
0x5a: {  	_ =	shalt  }

// kernel: kernel.16.cloned.1.call-start
scs
__scs_entry_jumppad:
0x0: {  	(pc) =	sbr.rel $0x88, $3  }
0x1: {  	(tag) =	ssettag $0x0;
	lr =	simm.s32 $0x1  }
0x2: {  	[smem:$0x3F8C] =	sst lr;
	_ =	strace $0xD0000000  }
0x3: {  	_ = 	snop  }
0x4: {  	_ = 	snop  }
0x5: {  	_ = 	snop  }
0x6: {  	_ = 	snop  }
0x7: {  	_ = 	snop  }
__scs_overlays_trampoline_lowered:
0x8: {  	[smem:$0x3F9B] =	sst s0  }
0x9: {  	[smem:$0x3F9C] =	sst s1  }
0xa: {  	[smem:$0x3F9D] =	sst s2  }
0xb: {  	[smem:$0x3F9E] =	sst s3  }
0xc: {  	[smem:$0x3F9F] =	sst s4  }
0xd: {  	[smem:$0x3FA0] =	sst s5  }
0xe: {  	[smem:$0x3FA1] =	sst s6  }
0xf: {  	[smem:$0x3FA2] =	sst s7  }
0x10: {  	[smem:$0x3FA3] =	sst s8  }
0x11: {  	[smem:$0x3FA4] =	sst s9;
	s0 =	simm.s32 @!p0 $0x0  }
0x12: {  	s1 =	sld [smem:$0x3F8A];
	s0 =	simm.s32 @p0 $0x1  }
0x13: {  	[smem:$0x3FA5] =	sst s0;
	s0 =	simm.s32 @!p1 $0x0  }
0x14: {  	s2 =	sld [smem:$0x3F89];
	s0 =	simm.s32 @p1 $0x1  }
0x15: {  	[smem:$0x3FA6] =	sst s0;
	s0 =	simm.s32 @!p2 $0x0  }
0x16: {  	s3 =	sld [smem:$0x3FDB];
	s0 =	simm.s32 @p2 $0x1  }
0x17: {  	s4 =	simm.s32 $0x1BF5;
	[smem:$0x3FA8] =	sst s0  }
0x18: {  	s0 =	sld [smem:$0x3F8B];
	_ =	swait.ge [sflag:s4], $0x0  }
0x19: {  	s7 =	sld [smem:$0x3F8C]  }
0x1a: {  	s8 =	sadd.s32 $0xFFFFE003, lr  }
0x1b: {  	s9 =	sadd.s32 $0xFFFFFEF7, lr;
	s5 =	simm.s32 $0xFFFFFFFF;
	p2 =	slt.u32 s8, $0xFFFFF086  }
0x1c: {  	p1 =	slt.u32 s9, $0xF7A;
	s5 =	simm.s32 @!p2 $0x0  }
0x1d: {  	s5 =	simm.s32 @p1 $0x1;
	p0 =	seq.s32 s7, s2  }
0x1e: {  	s7 =	smul.u32 @!p0 $0xF7A, s2;
	p2 =	seq.s32 @!p0 s5, $0x0  }
0x1f: {  	s9 =	smul.u32 $0xF7A, s1;
	s8 =	simm.s32 @!p0 $0x1BF5;
	p2 =	por !p2, p0  }
0x20: {  	[sflag:s8] =	ssyncset.s32 @!p0 $0xFFFFF086;
	s6 =	sadd.s32 @!p0 s3, s7;
	s7 =	simm.s32 @!p0 $0x108  }
0x21: {  	s3 =	sadd.s32 s3, s9;
	s6 =	sadd.s32 @!p0 $0x88, s6;
	s7 =	simm.s32 @p2 $0x1082  }
0x22: {  	[simem:s7], [sflag:s8] =	dma.local @!p0 [hbm:s6], $0xF7A  }
0x23: {  	s9 =	sor.u32 $0xD0000000, s2;
	s6 =	simm.s32 $0x108;
	_ =	swait.ge @!p0 [sflag:s8], $0x0  }
0x24: {  	s3 =	sadd.s32 $0x88, s3;
	s6 =	simm.s32 @!p1 $0x1082;
	[sflag:s4] =	ssyncset.s32 $0xFFFFF086  }
0x25: {  	[simem:s6], [sflag:s4] =	dma.local [hbm:s3], $0xF7A  }
0x26: {  	[smem:$0x3F8C] =	sst s1;
	(tag) =	ssettag s2;
	_ =	strace s9  }
0x27: {  	s1 =	sld [smem:$0x3F9C]  }
0x28: {  	s2 =	sld [smem:$0x3F9D]  }
0x29: {  	s4 =	sld [smem:$0x3F9F]  }
0x2a: {  	p0 =	seq.s32 s5, $0x0;
	s5 =	sld [smem:$0x3FA0]  }
0x2b: {  	s6 =	sld [smem:$0x3FA1]  }
0x2c: {  	s7 =	sld [smem:$0x3FA2]  }
0x2d: {  	s3 =	simm.s32 $0x108;
	s8 =	sld [smem:$0x3FA3]  }
0x2e: {  	s3 =	simm.s32 @!p0 $0x1082;
	s9 =	sld [smem:$0x3FA4]  }
0x2f: {  	lr =	sadd.s32 s0, s3;
	s0 =	sld [smem:$0x3F9B]  }
0x30: {  	s3 =	sld [smem:$0x3F9E]  }
0x31: {  	[smem:$0x3FA7] =	sst s10  }
0x32: {  	s10 =	sld [smem:$0x3FA5];
	_ =	sdelay $0x3  }
0x33: {  	p0 =	seq.s32 s10, $0x1;
	s10 =	sld [smem:$0x3FA7];
	_ =	sdelay $0x3  }
0x34: {  	[smem:$0x3FA7] =	sst s10  }
0x35: {  	s10 =	sld [smem:$0x3FA6];
	_ =	sdelay $0x3  }
0x36: {  	p1 =	seq.s32 s10, $0x1;
	s10 =	sld [smem:$0x3FA7];
	_ =	sdelay $0x3  }
0x37: {  	[smem:$0x3FA7] =	sst s10  }
0x38: {  	s10 =	sld [smem:$0x3FA8]  }
0x39: {  	_ = 	snop;
	(pc) =	sbr.ind lr, $3  }
0x3a: {  	_ = 	snop  }
0x3b: {  	_ = 	snop  }
0x3c: {  	p2 =	seq.s32 s10, $0x1;
	s10 =	sld [smem:$0x3FA7]  }
0x3d: {  	_ =	shalt  }
0x3e: {  	_ =	shalt  }
0x3f: {  	_ =	shalt  }
0x40: {  	_ =	shalt  }
0x41: {  	_ =	shalt  }
0x42: {  	_ =	shalt  }
0x43: {  	_ =	shalt  }
0x44: {  	_ =	shalt  }
0x45: {  	_ =	shalt  }
0x46: {  	_ =	shalt  }
0x47: {  	_ =	shalt  }
0x48: {  	_ =	shalt  }
0x49: {  	_ =	shalt  }
0x4a: {  	_ =	shalt  }
0x4b: {  	_ =	shalt  }
0x4c: {  	_ =	shalt  }
0x4d: {  	_ =	shalt  }
0x4e: {  	_ =	shalt  }
0x4f: {  	_ =	shalt  }
0x50: {  	_ =	shalt  }
0x51: {  	_ =	shalt  }
0x52: {  	_ =	shalt  }
0x53: {  	_ =	shalt  }
0x54: {  	_ =	shalt  }
0x55: {  	_ =	shalt  }
0x56: {  	_ =	shalt  }
0x57: {  	_ =	shalt  }
0x58: {  	_ =	shalt  }
0x59: {  	_ =	shalt  }
0x5a: {  	_ =	shalt  }
0x5b: {  	_ =	shalt  }
0x5c: {  	_ =	shalt  }
0x5d: {  	_ =	shalt  }
0x5e: {  	_ =	shalt  }
0x5f: {  	_ =	shalt  }
0x60: {  	_ =	shalt  }
0x61: {  	_ =	shalt  }
0x62: {  	_ =	shalt  }
0x63: {  	_ =	shalt  }
0x64: {  	_ =	shalt  }
0x65: {  	_ =	shalt  }
0x66: {  	_ =	shalt  }
0x67: {  	_ =	shalt  }
0x68: {  	_ =	shalt  }
0x69: {  	_ =	shalt  }
0x6a: {  	_ =	shalt  }
0x6b: {  	_ =	shalt  }
0x6c: {  	_ =	shalt  }
0x6d: {  	_ =	shalt  }
0x6e: {  	_ =	shalt  }
0x6f: {  	_ =	shalt  }
0x70: {  	_ =	shalt  }
0x71: {  	_ =	shalt  }
0x72: {  	_ =	shalt  }
0x73: {  	_ =	shalt  }
0x74: {  	_ =	shalt  }
0x75: {  	_ =	shalt  }
0x76: {  	_ =	shalt  }
0x77: {  	_ =	shalt  }
0x78: {  	_ =	shalt  }
0x79: {  	_ =	shalt  }
0x7a: {  	_ =	shalt  }
0x7b: {  	_ =	shalt  }
0x7c: {  	_ =	shalt  }
0x7d: {  	_ =	shalt  }
0x7e: {  	_ =	shalt  }
0x7f: {  	_ =	shalt  }
0x80: {  	_ =	shalt  }
0x81: {  	_ =	shalt  }
0x82: {  	_ =	shalt  }
0x83: {  	_ =	shalt  }
0x84: {  	_ =	shalt  }
0x85: {  	_ =	shalt  }
0x86: {  	_ =	shalt  }
0x87: {  	_ =	shalt  }
.Lfunc_end0:
.L_simem_size_0:
called_computation.1_lowered:
.L_overlay_start_0:
0x88: {  	s2 =	sld [smem:$0x3FD9]  }
0x89: {  	s3 =	sld [smem:$0x3FFE];
	_ =	sdelay $0x1  }
0x8a: {  	s1 =	srdreg.scid  }
0x8b: {  	s0 =	sand.u32 $0x1, s1  }
0x8c: {  	s17 =	sshll.u32 s0, $0xA;
	s2 =	sadd.s32 s3, s2  }
0x8d: {  	s2 =	sadd.s32 s2, s17  }
0x8e: {  	[smem:$0x3FB3] =	sst s2  }
0x8f: {  	_ = 	snop  }
0x90: {  	s2 =	sld [smem:$0x3FD0];
	(tm) =	ssettm $0x1  }
0x91: {  	s18 =	sld [smem:$0x3FFB];
	_ =	sdelay $0x3  }
0x92: {  	_ =	strace s18  }
0x93: {  	s3 =	sld [smem:$0x3FFC];
	_ =	sdelay $0x3  }
0x94: {  	_ =	strace s3  }
0x95: {  	s3 =	sld [smem:$0x3FFD];
	_ =	sdelay $0x3  }
0x96: {  	_ =	strace s3  }
0x97: {  	_ =	strace $0x8FFFFFFF  }
0x98: {  	s19 =	sld [smem:$0x3FDB];
	_ =	sdelay $0x1  }
0x99: {  	s4 =	simm.s32 $_scs_section_size  }
0x9a: {  	s5 =	simm.s32 $_size__tile_overlayer_lowered;
	s6 =	simm.s32 $_tile_overlayer_lowered  }
0x9b: {  	s22 =	simm.s32 $0x1BFF;
	s21 =	sshll.u32 s6, $0x1;
	s3 =	sadd.s32 s4, s19  }
0x9c: {  	s7 =	simm.s32 $0x0;
	s20 =	sshll.u32 s5, $0x1;
	s5 =	sadd.s32 s21, s3  }
0x9d: {  	[timem:s7], [sflag:s22] =	dma.local [hbm:s5], s20  }
0x9e: {  	_ =	swait.ge [sflag:s22], s20  }
0x9f: {  	s4 =	ssub.s32 $0x0, s20;
	[sflag:s22] =	ssyncset.done $0x0  }
0xa0: {  	[sflag:s22] =	ssyncadd.s32 s4;
	_ =	sdelay $0x1  }
0xa1: {  	s23 =	simm.s32 $0x1B8B  }
0xa2: {  	_ =	swait.ge [sflag:s23], $0x1  }
0xa3: {  	[sflag:s23] =	ssyncset.done $0x0  }
0xa4: {  	s25 =	simm.s32 $0x1B8E;
	s24 =	sld [smem:$0x3FFE];
	[sflag:s23] =	ssyncadd.s32 $0xFFFFFFFF  }
0xa5: {  	s26 =	simm.s32 $execute0_lowered;
	[smem:$0x3FD2] =	sst s25  }
0xa6: {  	s5 =	sshll.u32 s26, $0x1;
	_ =	strace $0x80000049;
	[dreg:$0x1] =	wrdreg $0xFFFFFFFF  }
0xa7: {  	s28 =	simm.s32 $_size_execute0_lowered;
	s3 =	sadd.s32 s3, s5;
	[dreg:$0x0] =	wrdreg $0x0  }
0xa8: {  	s5 =	sshll.u32 s28, $0x1;
	[dreg:$0x2] =	wrdreg s3  }
0xa9: {  	[dreg:$0x3] =	wrdreg s5  }
0xaa: {  	[dreg:$0x4] =	wrdreg $0xC0  }
0xab: {  	_ =	task [dreg:s7], $0x5FFFF  }
0xac: {  	[dreg:$0x1] =	wrdreg $0xFFFFFFFF  }
0xad: {  	[dreg:$0x0] =	wrdreg $0x60  }
0xae: {  	[dreg:$0x2] =	wrdreg s24  }
0xaf: {  	[dreg:$0x3] =	wrdreg s2  }
0xb0: {  	[dreg:$0x4] =	wrdreg $0x90800  }
0xb1: {  	[dreg:$0x5] =	wrdreg $0x9  }
0xb2: {  	_ =	task.clear_ibuf [dreg:s7], $0x6FFFF;
	_ =	strace $0x90000049  }
0xb3: {  	s29 =	simm.s32 $0x9;
	_ =	strace $0x8000004B  }
0xb4: {  	_ =	swait.ge [sflag:s29], $0x1  }
0xb5: {  	[sflag:s29] =	ssyncadd.s32 $0xFFFFFFFF  }
0xb6: {  	_ =	strace $0x9000004B  }
0xb7: {  	_ =	sfence  }
0xb8: {  	s30 =	sld [smem:$0x0];
	_ =	sdelay $0x2  }
0xb9: {  	s31 =	sshll.u32 s1, $0xD;
	s1 =	sshrl.u32 s1, $0x2  }
0xba: {  	s3 =	sand.u32 $0x4000, s31;
	s1 =	sadd.s32 s1, s30  }
0xbb: {  	s0 =	sor.u32 s3, s0;
	s1 =	sshll.u32 s1, $0x11  }
0xbc: {  	s0 =	sor.u32 s1, s0  }
0xbd: {  	s0 =	sadd.s32 $0x8F2B, s0  }
0xbe: {  	[sflag:s0] =	ssyncadd.remote.s32 $0x1  }
0xbf: {  	_ =	sfence.sel $0xFFFF  }
0xc0: {  	[dreg:$0x0] =	wrdreg $0xFFFFFFFF;
	(pc) =	sbr.abs _section_cstart, $3  }
0xc1: {  	[dreg:$0x1] =	wrdreg $0xFFFFFFFF  }
0xc2: {  	_ =	task.clear_ibuf [dreg:s7], $0x2FFFF;
	_ =	strace $0x9FFFFFFF  }
0xc3: {  	(tm) =	ssettm $0x7FFFFFFF  }
tec
execute0_lowered:
.L_overlay_start_1:
0x0: {  	(tag) =	ssettag $0x1  }
0x1: {  	s5 =	rddreg [dreg:$0x0]  }
0x2: {  	s1 =	srdreg.scid;
	s11 =	rddreg [dreg:$0x1]  }
0x3: {  	s0 =	stileid.u32;
	s2 =	rddreg [dreg:$0x2];
	s3 =	simm.s32 $0x0  }
0x4: {  	s15 =	simm.s32 $0x4;
	s16 =	simm.s32 $0x3;
	s17 =	simm.s32 $0x2800  }
0x5: {  	s18 =	simm.s32 $0x50;
	s19 =	simm.s32 $0x2780;
	s20 =	simm.s32 $0x2880  }
0x6: {  	s21 =	simm.s32 $0x1;
	s22 =	simm.s32 $0x2;
	s8 =	smul.u32 $0x4E20, s0  }
0x7: {  	s24 =	simm.s32 $0x0;
	s6 =	sand.u32 $0x1, s1;
	s26 =	smul.u32 $0x50000, s0  }
0x8: {  	s25 =	sshll.u32 s0, $0x1;
	[smem:$0x7FF] =	sst s3;
	s31 =	smul.u32 $0x14000, s0  }
0x9: {  	s4 =	sadd.s32 $0x69000, s5;
	s23 =	sshll.u32 s0, $0x6;
	s9 =	smul.u32 $0x2710, s6  }
0xa: {  	s1 =	sor.u32 s6, s25;
	s28 =	ssub.s32 $0x2, s6;
	s10 =	smul.u32 $0x140000, s6  }
0xb: {  	s23 =	sor.u32 $0x1C04, s23;
	s7 =	smul.u32 $0x2710, s1;
	s1 =	rddreg [dreg:$0x3]  }
0xc: {  	_ =	strace $0x8000004A;
	s29 =	sshrl.u32 s28, $0x1;
	s30 =	sshrl.u32 s26, $0x2  }
0xd: {  	s8 =	sadd.s32 s9, s8;
	s12 =	ssub.s32 s28, s29;
	s6 =	sadd.s32 s30, s2  }
0xe: {  	s14 =	sadd.s32 s31, s10;
	s7 =	sshrl.u32 s7, $0x3;
	s8 =	sshrl.u32 s8, $0x3  }
0xf: {  	s9 =	sadd.s32 $0xC000, s6;
	s10 =	sadd.s32 $0x10000, s6;
	s14 =	sshrl.u32 s14, $0x3  }
0x10: {  	s12 =	smax.u32 s12, $0x1;
	s7 =	sadd.s32 s7, s5;
	s13 =	sadd.s32 s8, s5  }
0x11: {  	s8 =	sadd.s32 $0x8000, s6;
	s11 =	sadd.s32 s11, s14;
	s14 =	simm.s32 $0x5080  }
0x12: {  	v0 =	vimm.f32 $0.0e+00;
	s5 =	sadd.s32 $0x5400, s7;
	s7 =	sadd.s32 $0x4000, s6;
	s13 =	sadd.s32 $0xF200, s13  }
.LBB2_1:
0x13: {  	[tilespmem:s3], [sflag:$0x3] =	stream.linear.gather [hbm4b:s5+s3], $0x2710, $0x38;
	[tilespmem:$0x1D080] =	vst v63  }
0x14: {  	s25 =	simm.s32 $0x0;
	s26 =	simm.s32 $0x200  }
.LBB2_2:
0x15: {  	p0 =	sne.s32 s26, $0xFE00;
	[tilespmem:s25+$0x50F0] =	vst v0  }
0x16: {  	[tilespmem:s25+$0x5080] =	vst v0  }
0x17: {  	[tilespmem:s25+$0x5090] =	vst v0  }
.Ltmp0:
0x18: {  	[tilespmem:s25+$0x50A0] =	vst v0;
	(pc) =	sbr.rel @p0 .LBB2_2-.Ltmp0, $4  }
0x19: {  	[tilespmem:s25+$0x50B0] =	vst v0  }
0x1a: {  	[tilespmem:s25+$0x50C0] =	vst v0  }
0x1b: {  	[tilespmem:s25+$0x50D0] =	vst v0  }
0x1c: {  	[tilespmem:s25+$0x50E0] =	vst v0;
	s25 =	sshra.s32 s26, $0x2;
	s26 =	sadd.s32 $0x200, s26  }
0x1d: {  	[tilespmem:s25+$0x50F0] =	vst v0  }
0x1e: {  	[tilespmem:s25+$0x5080] =	vst v0  }
0x1f: {  	[tilespmem:s25+$0x5090] =	vst v0  }
0x20: {  	[tilespmem:s25+$0x50A0] =	vst v0  }
0x21: {  	[tilespmem:s25+$0x50B0] =	vst v0  }
0x22: {  	[tilespmem:s25+$0x50C0] =	vst v0  }
0x23: {  	[tilespmem:s25+$0x50D0] =	vst v0  }
0x24: {  	[tilespmem:s25+$0x50E0] =	vst v0  }
0x25: {  	[spmem:s6] =	stream.linear.scatter [tilespmem:s14], [sflag:$0x4], $0x4000, $0x38;
	[tilespmem:$0x1D080] =	vst v63  }
0x26: {  	_ =	swait.ge [sflag:s15], $0x4000  }
0x27: {  	[sflag:s15] =	ssyncset.done $0x0  }
0x28: {  	[sflag:s15] =	ssyncadd.s32 $0xFFFFC000  }
0x29: {  	[spmem:s7] =	stream.linear.scatter [tilespmem:s14], [sflag:$0x4], $0x4000, $0x38;
	[tilespmem:$0x1D080] =	vst v63  }
0x2a: {  	_ =	swait.ge [sflag:s15], $0x4000  }
0x2b: {  	[sflag:s15] =	ssyncset.done $0x0  }
0x2c: {  	[sflag:s15] =	ssyncadd.s32 $0xFFFFC000  }
0x2d: {  	[spmem:s8] =	stream.linear.scatter [tilespmem:s14], [sflag:$0x4], $0x4000, $0x38;
	[tilespmem:$0x1D080] =	vst v63  }
0x2e: {  	_ =	swait.ge [sflag:s15], $0x4000  }
0x2f: {  	[sflag:s15] =	ssyncset.done $0x0  }
0x30: {  	[sflag:s15] =	ssyncadd.s32 $0xFFFFC000  }
0x31: {  	[spmem:s9] =	stream.linear.scatter [tilespmem:s14], [sflag:$0x4], $0x4000, $0x38;
	[tilespmem:$0x1D080] =	vst v63  }
0x32: {  	_ =	swait.ge [sflag:s15], $0x4000  }
0x33: {  	[sflag:s15] =	ssyncset.done $0x0  }
0x34: {  	[sflag:s15] =	ssyncadd.s32 $0xFFFFC000  }
0x35: {  	[spmem:s10] =	stream.linear.scatter [tilespmem:s14], [sflag:$0x4], $0x4000, $0x38;
	[tilespmem:$0x1D080] =	vst v63  }
0x36: {  	_ =	swait.ge [sflag:s15], $0x4000  }
0x37: {  	[sflag:s15] =	ssyncset.done $0x0  }
0x38: {  	[sflag:s15] =	ssyncadd.s32 $0xFFFFC000  }
0x39: {  	_ =	swait.ge [sflag:s16], $0x2710  }
0x3a: {  	[sflag:s16] =	ssyncset.done $0x0  }
0x3b: {  	[sflag:s16] =	ssyncadd.s32 $0xFFFFD8F0  }
0x3c: {  	s31 =	simm.s32 $0x20;
	s26 =	sadd.s32 $0x0, s13;
	[bflag:$0x0] =	sbarrier.arrive $0xFFFF  }
0x3d: {  	[tilespmem:s17], [sflag:$0x2] =	stream.linear.gather [hbm4b:s26+s3], $0x50, $0x38;
	[tilespmem:$0x1D080] =	vst v63  }
0x3e: {  	v1 =	vld [tilespmem:s31+$0xFFFFFFE0];
	_ =	sdelay $0x4  }
0x3f: {  	[tilespmem:$0x2780] =	vst v1  }
0x40: {  	v1 =	vld [tilespmem:s31+$0xFFFFFFF0];
	_ =	sdelay $0x4  }
0x41: {  	[tilespmem:$0x2790] =	vst v1  }
0x42: {  	v1 =	vld [tilespmem:s31+$0x0];
	_ =	sdelay $0x4  }
0x43: {  	[tilespmem:$0x27A0] =	vst v1  }
0x44: {  	v1 =	vld [tilespmem:s31+$0x10];
	_ =	sdelay $0x4  }
0x45: {  	[tilespmem:$0x27B0] =	vst v1  }
0x46: {  	v1 =	vld [tilespmem:s31+$0x20];
	_ =	sdelay $0x4  }
0x47: {  	[tilespmem:$0x27C0] =	vst v1  }
0x48: {  	[tilespmem:s20], [sflag:$0x1] =	stream.indirect.gather [hbm4b:s4+s18], $0x80, s19, s18, $0xb8;
	[tilespmem:$0x1D080] =	vst v63  }
0x49: {  	_ =	swait.ge [sflag:s21], $0x2800  }
0x4a: {  	[sflag:s21] =	ssyncset.done $0x0  }
0x4b: {  	[sflag:s21] =	ssyncadd.s32 $0xFFFFD800  }
0x4c: {  	_ =	swait.ge [sflag:s22], $0x50  }
0x4d: {  	[sflag:s22] =	ssyncset.done $0x0  }
0x4e: {  	[sflag:s22] =	ssyncadd.s32 $0xFFFFFFB0  }
0x4f: {  	[spmem:s2] =	stream.indirect.scatter.add.f32 [tilespmem:s20], [sflag:$0x4], $0x80, s17, s18, $0xb8;
	[tilespmem:$0x1D080] =	vst v63  }
0x50: {  	s29 =	simm.s32 $0x14;
	_ =	swait.ge [sflag:s15], $0x2800  }
0x51: {  	s25 =	simm.s32 $0x70;
	s26 =	simm.s32 $0xA;
	[sflag:s15] =	ssyncset.done $0x0  }
.LBB2_4:
0x52: {  	s30 =	sadd.s32 s26, s13  }
0x53: {  	[sflag:s15] =	ssyncadd.s32 $0xFFFFD800;
	s26 =	smov.u32 s29;
	s28 =	sadd.s32 $0xA, s29  }
0x54: {  	[tilespmem:s17], [sflag:$0x2] =	stream.linear.gather [hbm4b:s30+s3], $0x50, $0x38;
	[tilespmem:$0x1D080] =	vst v63  }
0x55: {  	p0 =	sne.s32 s29, $0x4D8;
	v1 =	vld [tilespmem:s25+$0xFFFFFFE0];
	_ =	sdelay $0x4  }
0x56: {  	[tilespmem:$0x2780] =	vst v1  }
0x57: {  	v1 =	vld [tilespmem:s25+$0xFFFFFFF0];
	_ =	sdelay $0x4  }
0x58: {  	[tilespmem:$0x2790] =	vst v1  }
0x59: {  	v1 =	vld [tilespmem:s25+$0x0];
	_ =	sdelay $0x4  }
0x5a: {  	[tilespmem:$0x27A0] =	vst v1  }
0x5b: {  	v1 =	vld [tilespmem:s25+$0x10];
	_ =	sdelay $0x4  }
0x5c: {  	[tilespmem:$0x27B0] =	vst v1  }
0x5d: {  	v1 =	vld [tilespmem:s25+$0x20];
	_ =	sdelay $0x4  }
0x5e: {  	[tilespmem:$0x27C0] =	vst v1  }
0x5f: {  	[tilespmem:s20], [sflag:$0x1] =	stream.indirect.gather [hbm4b:s4+s18], $0x80, s19, s18, $0xb8;
	[tilespmem:$0x1D080] =	vst v63  }
0x60: {  	_ =	swait.ge [sflag:s21], $0x2800  }
0x61: {  	[sflag:s21] =	ssyncset.done $0x0  }
0x62: {  	[sflag:s21] =	ssyncadd.s32 $0xFFFFD800  }
0x63: {  	_ =	swait.ge [sflag:s22], $0x50  }
.Ltmp1:
0x64: {  	[sflag:s22] =	ssyncset.done $0x0;
	(pc) =	sbr.rel @p0 .LBB2_4-.Ltmp1, $4  }
0x65: {  	[sflag:s22] =	ssyncadd.s32 $0xFFFFFFB0  }
0x66: {  	[spmem:s2] =	stream.indirect.scatter.add.f32 [tilespmem:s20], [sflag:$0x4], $0x80, s17, s18, $0xb8;
	[tilespmem:$0x1D080] =	vst v63  }
0x67: {  	_ =	swait.ge [sflag:s15], $0x2800  }
0x68: {  	s29 =	smov.u32 s28;
	s25 =	sadd.s32 $0x50, s25;
	[sflag:s15] =	ssyncset.done $0x0  }
0x69: {  	s26 =	sadd.s32 s26, s13;
	[sflag:s15] =	ssyncadd.s32 $0xFFFFD800  }
0x6a: {  	[tilespmem:s17], [sflag:$0x2] =	stream.linear.gather [hbm4b:s26+s3], $0x50, $0x38;
	[tilespmem:$0x1D080] =	vst v63  }
0x6b: {  	v1 =	vld [tilespmem:s25+$0xFFFFFFE0];
	_ =	sdelay $0x4  }
0x6c: {  	[tilespmem:$0x2780] =	vst v1  }
0x6d: {  	v1 =	vld [tilespmem:s25+$0xFFFFFFF0];
	_ =	sdelay $0x4  }
0x6e: {  	[tilespmem:$0x2790] =	vst v1  }
0x6f: {  	v1 =	vld [tilespmem:s25+$0x0];
	_ =	sdelay $0x4  }
0x70: {  	[tilespmem:$0x27A0] =	vst v1  }
0x71: {  	v1 =	vld [tilespmem:s25+$0x10];
	_ =	sdelay $0x4  }
0x72: {  	[tilespmem:$0x27B0] =	vst v1  }
0x73: {  	v1 =	vld [tilespmem:s25+$0x20];
	_ =	sdelay $0x4  }
0x74: {  	[tilespmem:$0x27C0] =	vst v1  }
0x75: {  	[tilespmem:s20], [sflag:$0x1] =	stream.indirect.gather [hbm4b:s4+s18], $0x80, s19, s18, $0xb8;
	[tilespmem:$0x1D080] =	vst v63  }
0x76: {  	_ =	swait.ge [sflag:s21], $0x2800  }
0x77: {  	[sflag:s21] =	ssyncset.done $0x0  }
0x78: {  	[sflag:s21] =	ssyncadd.s32 $0xFFFFD800  }
0x79: {  	_ =	swait.ge [sflag:s22], $0x50  }
0x7a: {  	[sflag:s22] =	ssyncset.done $0x0  }
0x7b: {  	[sflag:s22] =	ssyncadd.s32 $0xFFFFFFB0  }
0x7c: {  	[spmem:s2] =	stream.indirect.scatter.add.f32 [tilespmem:s20], [sflag:$0x4], $0x80, s17, s18, $0xb8;
	[tilespmem:$0x1D080] =	vst v63  }
0x7d: {  	_ =	swait.ge [sflag:s15], $0x2800  }
0x7e: {  	s24 =	sadd.s32 $0x1, s24;
	[sflag:s15] =	ssyncset.done $0x0  }
0x7f: {  	p0 =	sne.s32 s24, s12;
	[sflag:s15] =	ssyncadd.s32 $0xFFFFD800  }
.Ltmp2:
0x80: {  	s31 =	sshrl.u32 s6, $0x3;
	[bflag:$0x0] =	sbarrier.arrive $0xFFFF;
	(pc) =	sbr.rel @p0 .LBB2_1-.Ltmp2, $4  }
0x81: {  	[hbm:s11], [sflag:s23] =	dma.local [spmem:s31], $0x2800  }
0x82: {  	_ =	swait.ge [sflag:s15], $0x2800  }
0x83: {  	[sflag:s15] =	ssyncset.done $0x0  }
0x84: {  	[sflag:s15] =	ssyncadd.s32 $0xFFFFD800  }
0x85: {  	_ =	sfence.sel $0x180000  }
0x86: {  	[bflag:$0x0] =	sbarrier.arrive $0xFFFF  }
0x87: {  	p0 =	sne.s32 s0, $0x0;
	_ =	strace $0x9000004A  }
0x88: {  	s0 =	sadd.s32 @!p0 $0x100000, s1;
	[bflag:$0x2] =	sbarrier.arrive $0xFFFF  }
0x89: {  	[sflag:s0] =	ssyncadd.tile.s32 @!p0 $0x1;
	_ =	shalt  }
.Lfunc_end2:
_tile_overlayer_lowered:
.L_overlay_start_2:
0x8a: {  	(tag) =	ssettag $0x2  }
0x8b: {  	s0 =	rddreg [dreg:$0x0];
	s2 =	stileid.u32  }
0x8c: {  	s1 =	rddreg [dreg:$0x1];
	p0 =	sne.s32 s2, $0x0  }
0x8d: {  	s3 =	rddreg [dreg:$0x2];
	[bflag:$0x3] =	sbarrier.arrive $0xFFFF;
	s2 =	simm.s32 @!p0 $0x1C04  }
0x8e: {  	[timem:s3], [sflag:s2] =	dma.local @!p0 [hbm:s0], s1  }
0x8f: {  	s0 =	simm.s32 @!p0 $0x4  }
0x90: {  	_ =	swait.ge @!p0 [sflag:s0], s1  }
0x91: {  	s1 =	ssub.s32 @!p0 $0x0, s1;
	[sflag:s0] =	ssyncset.done @!p0 $0x0  }
0x92: {  	[sflag:s0] =	ssyncadd.s32 @!p0 s1  }
0x93: {  	[bflag:$0x3] =	sbarrier.arrive $0xFFFF  }
0x94: {  	_ =	shalt  }

// kernel: kernel.19.cloned.1.call-start
scs
__scs_entry_jumppad:
0x0: {  	(pc) =	sbr.rel $0x88, $3  }
0x1: {  	(tag) =	ssettag $0x0;
	lr =	simm.s32 $0x1  }
0x2: {  	[smem:$0x3F8C] =	sst lr;
	_ =	strace $0xD0000000  }
0x3: {  	_ = 	snop  }
0x4: {  	_ = 	snop  }
0x5: {  	_ = 	snop  }
0x6: {  	_ = 	snop  }
0x7: {  	_ = 	snop  }
__scs_overlays_trampoline_lowered:
0x8: {  	[smem:$0x3F9B] =	sst s0  }
0x9: {  	[smem:$0x3F9C] =	sst s1  }
0xa: {  	[smem:$0x3F9D] =	sst s2  }
0xb: {  	[smem:$0x3F9E] =	sst s3  }
0xc: {  	[smem:$0x3F9F] =	sst s4  }
0xd: {  	[smem:$0x3FA0] =	sst s5  }
0xe: {  	[smem:$0x3FA1] =	sst s6  }
0xf: {  	[smem:$0x3FA2] =	sst s7  }
0x10: {  	[smem:$0x3FA3] =	sst s8  }
0x11: {  	[smem:$0x3FA4] =	sst s9;
	s0 =	simm.s32 @!p0 $0x0  }
0x12: {  	s1 =	sld [smem:$0x3F8A];
	s0 =	simm.s32 @p0 $0x1  }
0x13: {  	[smem:$0x3FA5] =	sst s0;
	s0 =	simm.s32 @!p1 $0x0  }
0x14: {  	s2 =	sld [smem:$0x3F89];
	s0 =	simm.s32 @p1 $0x1  }
0x15: {  	[smem:$0x3FA6] =	sst s0;
	s0 =	simm.s32 @!p2 $0x0  }
0x16: {  	s3 =	sld [smem:$0x3FDB];
	s0 =	simm.s32 @p2 $0x1  }
0x17: {  	s4 =	simm.s32 $0x1BF5;
	[smem:$0x3FA8] =	sst s0  }
0x18: {  	s0 =	sld [smem:$0x3F8B];
	_ =	swait.ge [sflag:s4], $0x0  }
0x19: {  	s7 =	sld [smem:$0x3F8C]  }
0x1a: {  	s8 =	sadd.s32 $0xFFFFE003, lr  }
0x1b: {  	s9 =	sadd.s32 $0xFFFFFEF7, lr;
	s5 =	simm.s32 $0xFFFFFFFF;
	p2 =	slt.u32 s8, $0xFFFFF086  }
0x1c: {  	p1 =	slt.u32 s9, $0xF7A;
	s5 =	simm.s32 @!p2 $0x0  }
0x1d: {  	s5 =	simm.s32 @p1 $0x1;
	p0 =	seq.s32 s7, s2  }
0x1e: {  	s7 =	smul.u32 @!p0 $0xF7A, s2;
	p2 =	seq.s32 @!p0 s5, $0x0  }
0x1f: {  	s9 =	smul.u32 $0xF7A, s1;
	s8 =	simm.s32 @!p0 $0x1BF5;
	p2 =	por !p2, p0  }
0x20: {  	[sflag:s8] =	ssyncset.s32 @!p0 $0xFFFFF086;
	s6 =	sadd.s32 @!p0 s3, s7;
	s7 =	simm.s32 @!p0 $0x108  }
0x21: {  	s3 =	sadd.s32 s3, s9;
	s6 =	sadd.s32 @!p0 $0x88, s6;
	s7 =	simm.s32 @p2 $0x1082  }
0x22: {  	[simem:s7], [sflag:s8] =	dma.local @!p0 [hbm:s6], $0xF7A  }
0x23: {  	s9 =	sor.u32 $0xD0000000, s2;
	s6 =	simm.s32 $0x108;
	_ =	swait.ge @!p0 [sflag:s8], $0x0  }
0x24: {  	s3 =	sadd.s32 $0x88, s3;
	s6 =	simm.s32 @!p1 $0x1082;
	[sflag:s4] =	ssyncset.s32 $0xFFFFF086  }
0x25: {  	[simem:s6], [sflag:s4] =	dma.local [hbm:s3], $0xF7A  }
0x26: {  	[smem:$0x3F8C] =	sst s1;
	(tag) =	ssettag s2;
	_ =	strace s9  }
0x27: {  	s1 =	sld [smem:$0x3F9C]  }
0x28: {  	s2 =	sld [smem:$0x3F9D]  }
0x29: {  	s4 =	sld [smem:$0x3F9F]  }
0x2a: {  	p0 =	seq.s32 s5, $0x0;
	s5 =	sld [smem:$0x3FA0]  }
0x2b: {  	s6 =	sld [smem:$0x3FA1]  }
0x2c: {  	s7 =	sld [smem:$0x3FA2]  }
0x2d: {  	s3 =	simm.s32 $0x108;
	s8 =	sld [smem:$0x3FA3]  }
0x2e: {  	s3 =	simm.s32 @!p0 $0x1082;
	s9 =	sld [smem:$0x3FA4]  }
0x2f: {  	lr =	sadd.s32 s0, s3;
	s0 =	sld [smem:$0x3F9B]  }
0x30: {  	s3 =	sld [smem:$0x3F9E]  }
0x31: {  	[smem:$0x3FA7] =	sst s10  }
0x32: {  	s10 =	sld [smem:$0x3FA5];
	_ =	sdelay $0x3  }
0x33: {  	p0 =	seq.s32 s10, $0x1;
	s10 =	sld [smem:$0x3FA7];
	_ =	sdelay $0x3  }
0x34: {  	[smem:$0x3FA7] =	sst s10  }
0x35: {  	s10 =	sld [smem:$0x3FA6];
	_ =	sdelay $0x3  }
0x36: {  	p1 =	seq.s32 s10, $0x1;
	s10 =	sld [smem:$0x3FA7];
	_ =	sdelay $0x3  }
0x37: {  	[smem:$0x3FA7] =	sst s10  }
0x38: {  	s10 =	sld [smem:$0x3FA8]  }
0x39: {  	_ = 	snop;
	(pc) =	sbr.ind lr, $3  }
0x3a: {  	_ = 	snop  }
0x3b: {  	_ = 	snop  }
0x3c: {  	p2 =	seq.s32 s10, $0x1;
	s10 =	sld [smem:$0x3FA7]  }
0x3d: {  	_ =	shalt  }
0x3e: {  	_ =	shalt  }
0x3f: {  	_ =	shalt  }
0x40: {  	_ =	shalt  }
0x41: {  	_ =	shalt  }
0x42: {  	_ =	shalt  }
0x43: {  	_ =	shalt  }
0x44: {  	_ =	shalt  }
0x45: {  	_ =	shalt  }
0x46: {  	_ =	shalt  }
0x47: {  	_ =	shalt  }
0x48: {  	_ =	shalt  }
0x49: {  	_ =	shalt  }
0x4a: {  	_ =	shalt  }
0x4b: {  	_ =	shalt  }
0x4c: {  	_ =	shalt  }
0x4d: {  	_ =	shalt  }
0x4e: {  	_ =	shalt  }
0x4f: {  	_ =	shalt  }
0x50: {  	_ =	shalt  }
0x51: {  	_ =	shalt  }
0x52: {  	_ =	shalt  }
0x53: {  	_ =	shalt  }
0x54: {  	_ =	shalt  }
0x55: {  	_ =	shalt  }
0x56: {  	_ =	shalt  }
0x57: {  	_ =	shalt  }
0x58: {  	_ =	shalt  }
0x59: {  	_ =	shalt  }
0x5a: {  	_ =	shalt  }
0x5b: {  	_ =	shalt  }
0x5c: {  	_ =	shalt  }
0x5d: {  	_ =	shalt  }
0x5e: {  	_ =	shalt  }
0x5f: {  	_ =	shalt  }
0x60: {  	_ =	shalt  }
0x61: {  	_ =	shalt  }
0x62: {  	_ =	shalt  }
0x63: {  	_ =	shalt  }
0x64: {  	_ =	shalt  }
0x65: {  	_ =	shalt  }
0x66: {  	_ =	shalt  }
0x67: {  	_ =	shalt  }
0x68: {  	_ =	shalt  }
0x69: {  	_ =	shalt  }
0x6a: {  	_ =	shalt  }
0x6b: {  	_ =	shalt  }
0x6c: {  	_ =	shalt  }
0x6d: {  	_ =	shalt  }
0x6e: {  	_ =	shalt  }
0x6f: {  	_ =	shalt  }
0x70: {  	_ =	shalt  }
0x71: {  	_ =	shalt  }
0x72: {  	_ =	shalt  }
0x73: {  	_ =	shalt  }
0x74: {  	_ =	shalt  }
0x75: {  	_ =	shalt  }
0x76: {  	_ =	shalt  }
0x77: {  	_ =	shalt  }
0x78: {  	_ =	shalt  }
0x79: {  	_ =	shalt  }
0x7a: {  	_ =	shalt  }
0x7b: {  	_ =	shalt  }
0x7c: {  	_ =	shalt  }
0x7d: {  	_ =	shalt  }
0x7e: {  	_ =	shalt  }
0x7f: {  	_ =	shalt  }
0x80: {  	_ =	shalt  }
0x81: {  	_ =	shalt  }
0x82: {  	_ =	shalt  }
0x83: {  	_ =	shalt  }
0x84: {  	_ =	shalt  }
0x85: {  	_ =	shalt  }
0x86: {  	_ =	shalt  }
0x87: {  	_ =	shalt  }
.Lfunc_end0:
.L_simem_size_0:
called_computation.2_lowered:
.L_overlay_start_0:
0x88: {  	s2 =	sld [smem:$0x3FD9]  }
0x89: {  	s3 =	sld [smem:$0x3FFE];
	_ =	sdelay $0x1  }
0x8a: {  	s1 =	srdreg.scid  }
0x8b: {  	s0 =	sand.u32 $0x1, s1  }
0x8c: {  	s17 =	sshll.u32 s0, $0xA;
	s2 =	sadd.s32 s3, s2  }
0x8d: {  	s2 =	sadd.s32 s2, s17  }
0x8e: {  	[smem:$0x3FB3] =	sst s2  }
0x8f: {  	_ = 	snop  }
0x90: {  	s2 =	sld [smem:$0x3FD0];
	(tm) =	ssettm $0x1  }
0x91: {  	s18 =	sld [smem:$0x3FFB];
	_ =	sdelay $0x3  }
0x92: {  	_ =	strace s18  }
0x93: {  	s3 =	sld [smem:$0x3FFC];
	_ =	sdelay $0x3  }
0x94: {  	_ =	strace s3  }
0x95: {  	s3 =	sld [smem:$0x3FFD];
	_ =	sdelay $0x3  }
0x96: {  	_ =	strace s3  }
0x97: {  	_ =	strace $0x8FFFFFFF  }
0x98: {  	s19 =	sld [smem:$0x3FDB];
	_ =	sdelay $0x1  }
0x99: {  	s4 =	simm.s32 $_scs_section_size  }
0x9a: {  	s5 =	simm.s32 $_size__tile_overlayer_lowered;
	s6 =	simm.s32 $_tile_overlayer_lowered  }
0x9b: {  	s22 =	simm.s32 $0x1BFF;
	s21 =	sshll.u32 s6, $0x1;
	s3 =	sadd.s32 s4, s19  }
0x9c: {  	s7 =	simm.s32 $0x0;
	s20 =	sshll.u32 s5, $0x1;
	s5 =	sadd.s32 s21, s3  }
0x9d: {  	[timem:s7], [sflag:s22] =	dma.local [hbm:s5], s20  }
0x9e: {  	_ =	swait.ge [sflag:s22], s20  }
0x9f: {  	s4 =	ssub.s32 $0x0, s20;
	[sflag:s22] =	ssyncset.done $0x0  }
0xa0: {  	[sflag:s22] =	ssyncadd.s32 s4;
	_ =	sdelay $0x1  }
0xa1: {  	s23 =	simm.s32 $0x1B8B  }
0xa2: {  	_ =	swait.ge [sflag:s23], $0x1  }
0xa3: {  	[sflag:s23] =	ssyncset.done $0x0  }
0xa4: {  	s25 =	simm.s32 $0x1B8E;
	s24 =	sld [smem:$0x3FFE];
	[sflag:s23] =	ssyncadd.s32 $0xFFFFFFFF  }
0xa5: {  	s26 =	simm.s32 $execute0_lowered;
	[smem:$0x3FD2] =	sst s25  }
0xa6: {  	s5 =	sshll.u32 s26, $0x1;
	_ =	strace $0x8000004C;
	[dreg:$0x1] =	wrdreg $0xFFFFFFFF  }
0xa7: {  	s28 =	simm.s32 $_size_execute0_lowered;
	s3 =	sadd.s32 s3, s5;
	[dreg:$0x0] =	wrdreg $0x0  }
0xa8: {  	s5 =	sshll.u32 s28, $0x1;
	[dreg:$0x2] =	wrdreg s3  }
0xa9: {  	[dreg:$0x3] =	wrdreg s5  }
0xaa: {  	[dreg:$0x4] =	wrdreg $0xC0  }
0xab: {  	_ =	task [dreg:s7], $0x5FFFF  }
0xac: {  	[dreg:$0x1] =	wrdreg $0xFFFFFFFF  }
0xad: {  	[dreg:$0x0] =	wrdreg $0x60  }
0xae: {  	[dreg:$0x2] =	wrdreg s24  }
0xaf: {  	[dreg:$0x3] =	wrdreg s2  }
0xb0: {  	[dreg:$0x4] =	wrdreg $0x90800  }
0xb1: {  	[dreg:$0x5] =	wrdreg $0x9  }
0xb2: {  	_ =	task.clear_ibuf [dreg:s7], $0x6FFFF;
	_ =	strace $0x9000004C  }
0xb3: {  	s29 =	simm.s32 $0x9;
	_ =	strace $0x8000004E  }
0xb4: {  	_ =	swait.ge [sflag:s29], $0x1  }
0xb5: {  	[sflag:s29] =	ssyncadd.s32 $0xFFFFFFFF  }
0xb6: {  	_ =	strace $0x9000004E  }
0xb7: {  	_ =	sfence  }
0xb8: {  	s30 =	sld [smem:$0x0];
	_ =	sdelay $0x2  }
0xb9: {  	s31 =	sshll.u32 s1, $0xD;
	s1 =	sshrl.u32 s1, $0x2  }
0xba: {  	s3 =	sand.u32 $0x4000, s31;
	s1 =	sadd.s32 s1, s30  }
0xbb: {  	s0 =	sor.u32 s3, s0;
	s1 =	sshll.u32 s1, $0x11  }
0xbc: {  	s0 =	sor.u32 s1, s0  }
0xbd: {  	s0 =	sadd.s32 $0x8F2B, s0  }
0xbe: {  	[sflag:s0] =	ssyncadd.remote.s32 $0x1  }
0xbf: {  	_ =	sfence.sel $0xFFFF  }
0xc0: {  	[dreg:$0x0] =	wrdreg $0xFFFFFFFF;
	(pc) =	sbr.abs _section_cstart, $3  }
0xc1: {  	[dreg:$0x1] =	wrdreg $0xFFFFFFFF  }
0xc2: {  	_ =	task.clear_ibuf [dreg:s7], $0x2FFFF;
	_ =	strace $0x9FFFFFFF  }
0xc3: {  	(tm) =	ssettm $0x7FFFFFFF  }
tec
execute0_lowered:
.L_overlay_start_1:
0x0: {  	(tag) =	ssettag $0x1  }
0x1: {  	s5 =	rddreg [dreg:$0x0]  }
0x2: {  	s1 =	srdreg.scid;
	s11 =	rddreg [dreg:$0x1]  }
0x3: {  	s0 =	stileid.u32;
	s2 =	rddreg [dreg:$0x2];
	s3 =	simm.s32 $0x0  }
0x4: {  	s15 =	simm.s32 $0x4;
	s16 =	simm.s32 $0x3;
	s17 =	simm.s32 $0x2800  }
0x5: {  	s18 =	simm.s32 $0x50;
	s19 =	simm.s32 $0x2780;
	s20 =	simm.s32 $0x2880  }
0x6: {  	s21 =	simm.s32 $0x1;
	s22 =	simm.s32 $0x2;
	s8 =	smul.u32 $0x4E20, s0  }
0x7: {  	s24 =	simm.s32 $0x0;
	s6 =	sand.u32 $0x1, s1;
	s26 =	smul.u32 $0x50000, s0  }
0x8: {  	s25 =	sshll.u32 s0, $0x1;
	[smem:$0x7FF] =	sst s3;
	s31 =	smul.u32 $0x14000, s0  }
0x9: {  	s4 =	sadd.s32 $0x69000, s5;
	s23 =	sshll.u32 s0, $0x6;
	s9 =	smul.u32 $0x2710, s6  }
0xa: {  	s1 =	sor.u32 s6, s25;
	s28 =	ssub.s32 $0x2, s6;
	s10 =	smul.u32 $0x140000, s6  }
0xb: {  	s23 =	sor.u32 $0x1C04, s23;
	s7 =	smul.u32 $0x2710, s1;
	s1 =	rddreg [dreg:$0x3]  }
0xc: {  	_ =	strace $0x8000004D;
	s29 =	sshrl.u32 s28, $0x1;
	s30 =	sshrl.u32 s26, $0x2  }
0xd: {  	s8 =	sadd.s32 s9, s8;
	s12 =	ssub.s32 s28, s29;
	s6 =	sadd.s32 s30, s2  }
0xe: {  	s14 =	sadd.s32 s31, s10;
	s7 =	sshrl.u32 s7, $0x3;
	s8 =	sshrl.u32 s8, $0x3  }
0xf: {  	s9 =	sadd.s32 $0xC000, s6;
	s10 =	sadd.s32 $0x10000, s6;
	s14 =	sshrl.u32 s14, $0x3  }
0x10: {  	s12 =	smax.u32 s12, $0x1;
	s7 =	sadd.s32 s7, s5;
	s13 =	sadd.s32 s8, s5  }
0x11: {  	s8 =	sadd.s32 $0x8000, s6;
	s11 =	sadd.s32 s11, s14;
	s14 =	simm.s32 $0x5080  }
0x12: {  	v0 =	vimm.f32 $0.0e+00;
	s5 =	sadd.s32 $0x5400, s7;
	s7 =	sadd.s32 $0x4000, s6;
	s13 =	sadd.s32 $0xF200, s13  }
.LBB2_1:
0x13: {  	[tilespmem:s3], [sflag:$0x3] =	stream.linear.gather [hbm4b:s5+s3], $0x2710, $0x38;
	[tilespmem:$0x1D080] =	vst v63  }
0x14: {  	s25 =	simm.s32 $0x0;
	s26 =	simm.s32 $0x200  }
.LBB2_2:
0x15: {  	p0 =	sne.s32 s26, $0xFE00;
	[tilespmem:s25+$0x50F0] =	vst v0  }
0x16: {  	[tilespmem:s25+$0x5080] =	vst v0  }
0x17: {  	[tilespmem:s25+$0x5090] =	vst v0  }
.Ltmp0:
0x18: {  	[tilespmem:s25+$0x50A0] =	vst v0;
	(pc) =	sbr.rel @p0 .LBB2_2-.Ltmp0, $4  }
0x19: {  	[tilespmem:s25+$0x50B0] =	vst v0  }
0x1a: {  	[tilespmem:s25+$0x50C0] =	vst v0  }
0x1b: {  	[tilespmem:s25+$0x50D0] =	vst v0  }
0x1c: {  	[tilespmem:s25+$0x50E0] =	vst v0;
	s25 =	sshra.s32 s26, $0x2;
	s26 =	sadd.s32 $0x200, s26  }
0x1d: {  	[tilespmem:s25+$0x50F0] =	vst v0  }
0x1e: {  	[tilespmem:s25+$0x5080] =	vst v0  }
0x1f: {  	[tilespmem:s25+$0x5090] =	vst v0  }
0x20: {  	[tilespmem:s25+$0x50A0] =	vst v0  }
0x21: {  	[tilespmem:s25+$0x50B0] =	vst v0  }
0x22: {  	[tilespmem:s25+$0x50C0] =	vst v0  }
0x23: {  	[tilespmem:s25+$0x50D0] =	vst v0  }
0x24: {  	[tilespmem:s25+$0x50E0] =	vst v0  }
0x25: {  	[spmem:s6] =	stream.linear.scatter [tilespmem:s14], [sflag:$0x4], $0x4000, $0x38;
	[tilespmem:$0x1D080] =	vst v63  }
0x26: {  	_ =	swait.ge [sflag:s15], $0x4000  }
0x27: {  	[sflag:s15] =	ssyncset.done $0x0  }
0x28: {  	[sflag:s15] =	ssyncadd.s32 $0xFFFFC000  }
0x29: {  	[spmem:s7] =	stream.linear.scatter [tilespmem:s14], [sflag:$0x4], $0x4000, $0x38;
	[tilespmem:$0x1D080] =	vst v63  }
0x2a: {  	_ =	swait.ge [sflag:s15], $0x4000  }
0x2b: {  	[sflag:s15] =	ssyncset.done $0x0  }
0x2c: {  	[sflag:s15] =	ssyncadd.s32 $0xFFFFC000  }
0x2d: {  	[spmem:s8] =	stream.linear.scatter [tilespmem:s14], [sflag:$0x4], $0x4000, $0x38;
	[tilespmem:$0x1D080] =	vst v63  }
0x2e: {  	_ =	swait.ge [sflag:s15], $0x4000  }
0x2f: {  	[sflag:s15] =	ssyncset.done $0x0  }
0x30: {  	[sflag:s15] =	ssyncadd.s32 $0xFFFFC000  }
0x31: {  	[spmem:s9] =	stream.linear.scatter [tilespmem:s14], [sflag:$0x4], $0x4000, $0x38;
	[tilespmem:$0x1D080] =	vst v63  }
0x32: {  	_ =	swait.ge [sflag:s15], $0x4000  }
0x33: {  	[sflag:s15] =	ssyncset.done $0x0  }
0x34: {  	[sflag:s15] =	ssyncadd.s32 $0xFFFFC000  }
0x35: {  	[spmem:s10] =	stream.linear.scatter [tilespmem:s14], [sflag:$0x4], $0x4000, $0x38;
	[tilespmem:$0x1D080] =	vst v63  }
0x36: {  	_ =	swait.ge [sflag:s15], $0x4000  }
0x37: {  	[sflag:s15] =	ssyncset.done $0x0  }
0x38: {  	[sflag:s15] =	ssyncadd.s32 $0xFFFFC000  }
0x39: {  	_ =	swait.ge [sflag:s16], $0x2710  }
0x3a: {  	[sflag:s16] =	ssyncset.done $0x0  }
0x3b: {  	[sflag:s16] =	ssyncadd.s32 $0xFFFFD8F0  }
0x3c: {  	s31 =	simm.s32 $0x20;
	s26 =	sadd.s32 $0x0, s13;
	[bflag:$0x0] =	sbarrier.arrive $0xFFFF  }
0x3d: {  	[tilespmem:s17], [sflag:$0x2] =	stream.linear.gather [hbm4b:s26+s3], $0x50, $0x38;
	[tilespmem:$0x1D080] =	vst v63  }
0x3e: {  	v1 =	vld [tilespmem:s31+$0xFFFFFFE0];
	_ =	sdelay $0x4  }
0x3f: {  	[tilespmem:$0x2780] =	vst v1  }
0x40: {  	v1 =	vld [tilespmem:s31+$0xFFFFFFF0];
	_ =	sdelay $0x4  }
0x41: {  	[tilespmem:$0x2790] =	vst v1  }
0x42: {  	v1 =	vld [tilespmem:s31+$0x0];
	_ =	sdelay $0x4  }
0x43: {  	[tilespmem:$0x27A0] =	vst v1  }
0x44: {  	v1 =	vld [tilespmem:s31+$0x10];
	_ =	sdelay $0x4  }
0x45: {  	[tilespmem:$0x27B0] =	vst v1  }
0x46: {  	v1 =	vld [tilespmem:s31+$0x20];
	_ =	sdelay $0x4  }
0x47: {  	[tilespmem:$0x27C0] =	vst v1  }
0x48: {  	[tilespmem:s20], [sflag:$0x1] =	stream.indirect.gather [hbm4b:s4+s18], $0x80, s19, s18, $0xb8;
	[tilespmem:$0x1D080] =	vst v63  }
0x49: {  	_ =	swait.ge [sflag:s21], $0x2800  }
0x4a: {  	[sflag:s21] =	ssyncset.done $0x0  }
0x4b: {  	[sflag:s21] =	ssyncadd.s32 $0xFFFFD800  }
0x4c: {  	_ =	swait.ge [sflag:s22], $0x50  }
0x4d: {  	[sflag:s22] =	ssyncset.done $0x0  }
0x4e: {  	[sflag:s22] =	ssyncadd.s32 $0xFFFFFFB0  }
0x4f: {  	[spmem:s2] =	stream.indirect.scatter.add.f32 [tilespmem:s20], [sflag:$0x4], $0x80, s17, s18, $0xb8;
	[tilespmem:$0x1D080] =	vst v63  }
0x50: {  	s29 =	simm.s32 $0x14;
	_ =	swait.ge [sflag:s15], $0x2800  }
0x51: {  	s25 =	simm.s32 $0x70;
	s26 =	simm.s32 $0xA;
	[sflag:s15] =	ssyncset.done $0x0  }
.LBB2_4:
0x52: {  	s30 =	sadd.s32 s26, s13  }
0x53: {  	[sflag:s15] =	ssyncadd.s32 $0xFFFFD800;
	s26 =	smov.u32 s29;
	s28 =	sadd.s32 $0xA, s29  }
0x54: {  	[tilespmem:s17], [sflag:$0x2] =	stream.linear.gather [hbm4b:s30+s3], $0x50, $0x38;
	[tilespmem:$0x1D080] =	vst v63  }
0x55: {  	p0 =	sne.s32 s29, $0x4D8;
	v1 =	vld [tilespmem:s25+$0xFFFFFFE0];
	_ =	sdelay $0x4  }
0x56: {  	[tilespmem:$0x2780] =	vst v1  }
0x57: {  	v1 =	vld [tilespmem:s25+$0xFFFFFFF0];
	_ =	sdelay $0x4  }
0x58: {  	[tilespmem:$0x2790] =	vst v1  }
0x59: {  	v1 =	vld [tilespmem:s25+$0x0];
	_ =	sdelay $0x4  }
0x5a: {  	[tilespmem:$0x27A0] =	vst v1  }
0x5b: {  	v1 =	vld [tilespmem:s25+$0x10];
	_ =	sdelay $0x4  }
0x5c: {  	[tilespmem:$0x27B0] =	vst v1  }
0x5d: {  	v1 =	vld [tilespmem:s25+$0x20];
	_ =	sdelay $0x4  }
0x5e: {  	[tilespmem:$0x27C0] =	vst v1  }
0x5f: {  	[tilespmem:s20], [sflag:$0x1] =	stream.indirect.gather [hbm4b:s4+s18], $0x80, s19, s18, $0xb8;
	[tilespmem:$0x1D080] =	vst v63  }
0x60: {  	_ =	swait.ge [sflag:s21], $0x2800  }
0x61: {  	[sflag:s21] =	ssyncset.done $0x0  }
0x62: {  	[sflag:s21] =	ssyncadd.s32 $0xFFFFD800  }
0x63: {  	_ =	swait.ge [sflag:s22], $0x50  }
.Ltmp1:
0x64: {  	[sflag:s22] =	ssyncset.done $0x0;
	(pc) =	sbr.rel @p0 .LBB2_4-.Ltmp1, $4  }
0x65: {  	[sflag:s22] =	ssyncadd.s32 $0xFFFFFFB0  }
0x66: {  	[spmem:s2] =	stream.indirect.scatter.add.f32 [tilespmem:s20], [sflag:$0x4], $0x80, s17, s18, $0xb8;
	[tilespmem:$0x1D080] =	vst v63  }
0x67: {  	_ =	swait.ge [sflag:s15], $0x2800  }
0x68: {  	s29 =	smov.u32 s28;
	s25 =	sadd.s32 $0x50, s25;
	[sflag:s15] =	ssyncset.done $0x0  }
0x69: {  	s26 =	sadd.s32 s26, s13;
	[sflag:s15] =	ssyncadd.s32 $0xFFFFD800  }
0x6a: {  	[tilespmem:s17], [sflag:$0x2] =	stream.linear.gather [hbm4b:s26+s3], $0x50, $0x38;
	[tilespmem:$0x1D080] =	vst v63  }
0x6b: {  	v1 =	vld [tilespmem:s25+$0xFFFFFFE0];
	_ =	sdelay $0x4  }
0x6c: {  	[tilespmem:$0x2780] =	vst v1  }
0x6d: {  	v1 =	vld [tilespmem:s25+$0xFFFFFFF0];
	_ =	sdelay $0x4  }
0x6e: {  	[tilespmem:$0x2790] =	vst v1  }
0x6f: {  	v1 =	vld [tilespmem:s25+$0x0];
	_ =	sdelay $0x4  }
0x70: {  	[tilespmem:$0x27A0] =	vst v1  }
0x71: {  	v1 =	vld [tilespmem:s25+$0x10];
	_ =	sdelay $0x4  }
0x72: {  	[tilespmem:$0x27B0] =	vst v1  }
0x73: {  	v1 =	vld [tilespmem:s25+$0x20];
	_ =	sdelay $0x4  }
0x74: {  	[tilespmem:$0x27C0] =	vst v1  }
0x75: {  	[tilespmem:s20], [sflag:$0x1] =	stream.indirect.gather [hbm4b:s4+s18], $0x80, s19, s18, $0xb8;
	[tilespmem:$0x1D080] =	vst v63  }
0x76: {  	_ =	swait.ge [sflag:s21], $0x2800  }
0x77: {  	[sflag:s21] =	ssyncset.done $0x0  }
0x78: {  	[sflag:s21] =	ssyncadd.s32 $0xFFFFD800  }
0x79: {  	_ =	swait.ge [sflag:s22], $0x50  }
0x7a: {  	[sflag:s22] =	ssyncset.done $0x0  }
0x7b: {  	[sflag:s22] =	ssyncadd.s32 $0xFFFFFFB0  }
0x7c: {  	[spmem:s2] =	stream.indirect.scatter.add.f32 [tilespmem:s20], [sflag:$0x4], $0x80, s17, s18, $0xb8;
	[tilespmem:$0x1D080] =	vst v63  }
0x7d: {  	_ =	swait.ge [sflag:s15], $0x2800  }
0x7e: {  	s24 =	sadd.s32 $0x1, s24;
	[sflag:s15] =	ssyncset.done $0x0  }
0x7f: {  	p0 =	sne.s32 s24, s12;
	[sflag:s15] =	ssyncadd.s32 $0xFFFFD800  }
.Ltmp2:
0x80: {  	s31 =	sshrl.u32 s6, $0x3;
	[bflag:$0x0] =	sbarrier.arrive $0xFFFF;
	(pc) =	sbr.rel @p0 .LBB2_1-.Ltmp2, $4  }
0x81: {  	[hbm:s11], [sflag:s23] =	dma.local [spmem:s31], $0x2800  }
0x82: {  	_ =	swait.ge [sflag:s15], $0x2800  }
0x83: {  	[sflag:s15] =	ssyncset.done $0x0  }
0x84: {  	[sflag:s15] =	ssyncadd.s32 $0xFFFFD800  }
0x85: {  	_ =	sfence.sel $0x180000  }
0x86: {  	[bflag:$0x0] =	sbarrier.arrive $0xFFFF  }
0x87: {  	p0 =	sne.s32 s0, $0x0;
	_ =	strace $0x9000004D  }
0x88: {  	s0 =	sadd.s32 @!p0 $0x100000, s1;
	[bflag:$0x2] =	sbarrier.arrive $0xFFFF  }
0x89: {  	[sflag:s0] =	ssyncadd.tile.s32 @!p0 $0x1;
	_ =	shalt  }
.Lfunc_end2:
_tile_overlayer_lowered:
.L_overlay_start_2:
0x8a: {  	(tag) =	ssettag $0x2  }
0x8b: {  	s0 =	rddreg [dreg:$0x0];
	s2 =	stileid.u32  }
0x8c: {  	s1 =	rddreg [dreg:$0x1];
	p0 =	sne.s32 s2, $0x0  }
0x8d: {  	s3 =	rddreg [dreg:$0x2];
	[bflag:$0x3] =	sbarrier.arrive $0xFFFF;
	s2 =	simm.s32 @!p0 $0x1C04  }
0x8e: {  	[timem:s3], [sflag:s2] =	dma.local @!p0 [hbm:s0], s1  }
0x8f: {  	s0 =	simm.s32 @!p0 $0x4  }
0x90: {  	_ =	swait.ge @!p0 [sflag:s0], s1  }
0x91: {  	s1 =	ssub.s32 @!p0 $0x0, s1;
	[sflag:s0] =	ssyncset.done @!p0 $0x0  }
0x92: {  	[sflag:s0] =	ssyncadd.s32 @!p0 s1  }
0x93: {  	[bflag:$0x3] =	sbarrier.arrive $0xFFFF  }
0x94: {  	_ =	shalt  }

// kernel: kernel.22.cloned.1.call-start
scs
__scs_entry_jumppad:
0x0: {  	(pc) =	sbr.rel $0x88, $3  }
0x1: {  	(tag) =	ssettag $0x0;
	lr =	simm.s32 $0x1  }
0x2: {  	[smem:$0x3F8C] =	sst lr;
	_ =	strace $0xD0000000  }
0x3: {  	_ = 	snop  }
0x4: {  	_ = 	snop  }
0x5: {  	_ = 	snop  }
0x6: {  	_ = 	snop  }
0x7: {  	_ = 	snop  }
__scs_overlays_trampoline_lowered:
0x8: {  	[smem:$0x3F9B] =	sst s0  }
0x9: {  	[smem:$0x3F9C] =	sst s1  }
0xa: {  	[smem:$0x3F9D] =	sst s2  }
0xb: {  	[smem:$0x3F9E] =	sst s3  }
0xc: {  	[smem:$0x3F9F] =	sst s4  }
0xd: {  	[smem:$0x3FA0] =	sst s5  }
0xe: {  	[smem:$0x3FA1] =	sst s6  }
0xf: {  	[smem:$0x3FA2] =	sst s7  }
0x10: {  	[smem:$0x3FA3] =	sst s8  }
0x11: {  	[smem:$0x3FA4] =	sst s9;
	s0 =	simm.s32 @!p0 $0x0  }
0x12: {  	s1 =	sld [smem:$0x3F8A];
	s0 =	simm.s32 @p0 $0x1  }
0x13: {  	[smem:$0x3FA5] =	sst s0;
	s0 =	simm.s32 @!p1 $0x0  }
0x14: {  	s2 =	sld [smem:$0x3F89];
	s0 =	simm.s32 @p1 $0x1  }
0x15: {  	[smem:$0x3FA6] =	sst s0;
	s0 =	simm.s32 @!p2 $0x0  }
0x16: {  	s3 =	sld [smem:$0x3FDB];
	s0 =	simm.s32 @p2 $0x1  }
0x17: {  	s4 =	simm.s32 $0x1BF5;
	[smem:$0x3FA8] =	sst s0  }
0x18: {  	s0 =	sld [smem:$0x3F8B];
	_ =	swait.ge [sflag:s4], $0x0  }
0x19: {  	s7 =	sld [smem:$0x3F8C]  }
0x1a: {  	s8 =	sadd.s32 $0xFFFFE003, lr  }
0x1b: {  	s9 =	sadd.s32 $0xFFFFFEF7, lr;
	s5 =	simm.s32 $0xFFFFFFFF;
	p2 =	slt.u32 s8, $0xFFFFF086  }
0x1c: {  	p1 =	slt.u32 s9, $0xF7A;
	s5 =	simm.s32 @!p2 $0x0  }
0x1d: {  	s5 =	simm.s32 @p1 $0x1;
	p0 =	seq.s32 s7, s2  }
0x1e: {  	s7 =	smul.u32 @!p0 $0xF7A, s2;
	p2 =	seq.s32 @!p0 s5, $0x0  }
0x1f: {  	s9 =	smul.u32 $0xF7A, s1;
	s8 =	simm.s32 @!p0 $0x1BF5;
	p2 =	por !p2, p0  }
0x20: {  	[sflag:s8] =	ssyncset.s32 @!p0 $0xFFFFF086;
	s6 =	sadd.s32 @!p0 s3, s7;
	s7 =	simm.s32 @!p0 $0x108  }
0x21: {  	s3 =	sadd.s32 s3, s9;
	s6 =	sadd.s32 @!p0 $0x88, s6;
	s7 =	simm.s32 @p2 $0x1082  }
0x22: {  	[simem:s7], [sflag:s8] =	dma.local @!p0 [hbm:s6], $0xF7A  }
0x23: {  	s9 =	sor.u32 $0xD0000000, s2;
	s6 =	simm.s32 $0x108;
	_ =	swait.ge @!p0 [sflag:s8], $0x0  }
0x24: {  	s3 =	sadd.s32 $0x88, s3;
	s6 =	simm.s32 @!p1 $0x1082;
	[sflag:s4] =	ssyncset.s32 $0xFFFFF086  }
0x25: {  	[simem:s6], [sflag:s4] =	dma.local [hbm:s3], $0xF7A  }
0x26: {  	[smem:$0x3F8C] =	sst s1;
	(tag) =	ssettag s2;
	_ =	strace s9  }
0x27: {  	s1 =	sld [smem:$0x3F9C]  }
0x28: {  	s2 =	sld [smem:$0x3F9D]  }
0x29: {  	s4 =	sld [smem:$0x3F9F]  }
0x2a: {  	p0 =	seq.s32 s5, $0x0;
	s5 =	sld [smem:$0x3FA0]  }
0x2b: {  	s6 =	sld [smem:$0x3FA1]  }
0x2c: {  	s7 =	sld [smem:$0x3FA2]  }
0x2d: {  	s3 =	simm.s32 $0x108;
	s8 =	sld [smem:$0x3FA3]  }
0x2e: {  	s3 =	simm.s32 @!p0 $0x1082;
	s9 =	sld [smem:$0x3FA4]  }
0x2f: {  	lr =	sadd.s32 s0, s3;
	s0 =	sld [smem:$0x3F9B]  }
0x30: {  	s3 =	sld [smem:$0x3F9E]  }
0x31: {  	[smem:$0x3FA7] =	sst s10  }
0x32: {  	s10 =	sld [smem:$0x3FA5];
	_ =	sdelay $0x3  }
0x33: {  	p0 =	seq.s32 s10, $0x1;
	s10 =	sld [smem:$0x3FA7];
	_ =	sdelay $0x3  }
0x34: {  	[smem:$0x3FA7] =	sst s10  }
0x35: {  	s10 =	sld [smem:$0x3FA6];
	_ =	sdelay $0x3  }
0x36: {  	p1 =	seq.s32 s10, $0x1;
	s10 =	sld [smem:$0x3FA7];
	_ =	sdelay $0x3  }
0x37: {  	[smem:$0x3FA7] =	sst s10  }
0x38: {  	s10 =	sld [smem:$0x3FA8]  }
0x39: {  	_ = 	snop;
	(pc) =	sbr.ind lr, $3  }
0x3a: {  	_ = 	snop  }
0x3b: {  	_ = 	snop  }
0x3c: {  	p2 =	seq.s32 s10, $0x1;
	s10 =	sld [smem:$0x3FA7]  }
0x3d: {  	_ =	shalt  }
0x3e: {  	_ =	shalt  }
0x3f: {  	_ =	shalt  }
0x40: {  	_ =	shalt  }
0x41: {  	_ =	shalt  }
0x42: {  	_ =	shalt  }
0x43: {  	_ =	shalt  }
0x44: {  	_ =	shalt  }
0x45: {  	_ =	shalt  }
0x46: {  	_ =	shalt  }
0x47: {  	_ =	shalt  }
0x48: {  	_ =	shalt  }
0x49: {  	_ =	shalt  }
0x4a: {  	_ =	shalt  }
0x4b: {  	_ =	shalt  }
0x4c: {  	_ =	shalt  }
0x4d: {  	_ =	shalt  }
0x4e: {  	_ =	shalt  }
0x4f: {  	_ =	shalt  }
0x50: {  	_ =	shalt  }
0x51: {  	_ =	shalt  }
0x52: {  	_ =	shalt  }
0x53: {  	_ =	shalt  }
0x54: {  	_ =	shalt  }
0x55: {  	_ =	shalt  }
0x56: {  	_ =	shalt  }
0x57: {  	_ =	shalt  }
0x58: {  	_ =	shalt  }
0x59: {  	_ =	shalt  }
0x5a: {  	_ =	shalt  }
0x5b: {  	_ =	shalt  }
0x5c: {  	_ =	shalt  }
0x5d: {  	_ =	shalt  }
0x5e: {  	_ =	shalt  }
0x5f: {  	_ =	shalt  }
0x60: {  	_ =	shalt  }
0x61: {  	_ =	shalt  }
0x62: {  	_ =	shalt  }
0x63: {  	_ =	shalt  }
0x64: {  	_ =	shalt  }
0x65: {  	_ =	shalt  }
0x66: {  	_ =	shalt  }
0x67: {  	_ =	shalt  }
0x68: {  	_ =	shalt  }
0x69: {  	_ =	shalt  }
0x6a: {  	_ =	shalt  }
0x6b: {  	_ =	shalt  }
0x6c: {  	_ =	shalt  }
0x6d: {  	_ =	shalt  }
0x6e: {  	_ =	shalt  }
0x6f: {  	_ =	shalt  }
0x70: {  	_ =	shalt  }
0x71: {  	_ =	shalt  }
0x72: {  	_ =	shalt  }
0x73: {  	_ =	shalt  }
0x74: {  	_ =	shalt  }
0x75: {  	_ =	shalt  }
0x76: {  	_ =	shalt  }
0x77: {  	_ =	shalt  }
0x78: {  	_ =	shalt  }
0x79: {  	_ =	shalt  }
0x7a: {  	_ =	shalt  }
0x7b: {  	_ =	shalt  }
0x7c: {  	_ =	shalt  }
0x7d: {  	_ =	shalt  }
0x7e: {  	_ =	shalt  }
0x7f: {  	_ =	shalt  }
0x80: {  	_ =	shalt  }
0x81: {  	_ =	shalt  }
0x82: {  	_ =	shalt  }
0x83: {  	_ =	shalt  }
0x84: {  	_ =	shalt  }
0x85: {  	_ =	shalt  }
0x86: {  	_ =	shalt  }
0x87: {  	_ =	shalt  }
.Lfunc_end0:
.L_simem_size_0:
called_computation.3_lowered:
.L_overlay_start_0:
0x88: {  	s2 =	sld [smem:$0x3FD9]  }
0x89: {  	s3 =	sld [smem:$0x3FFE];
	_ =	sdelay $0x1  }
0x8a: {  	s1 =	srdreg.scid  }
0x8b: {  	s0 =	sand.u32 $0x1, s1  }
0x8c: {  	s17 =	sshll.u32 s0, $0xA;
	s2 =	sadd.s32 s3, s2  }
0x8d: {  	s2 =	sadd.s32 s2, s17  }
0x8e: {  	[smem:$0x3FB3] =	sst s2  }
0x8f: {  	_ = 	snop  }
0x90: {  	s2 =	sld [smem:$0x3FD0];
	(tm) =	ssettm $0x1  }
0x91: {  	s18 =	sld [smem:$0x3FFB];
	_ =	sdelay $0x3  }
0x92: {  	_ =	strace s18  }
0x93: {  	s3 =	sld [smem:$0x3FFC];
	_ =	sdelay $0x3  }
0x94: {  	_ =	strace s3  }
0x95: {  	s3 =	sld [smem:$0x3FFD];
	_ =	sdelay $0x3  }
0x96: {  	_ =	strace s3  }
0x97: {  	_ =	strace $0x8FFFFFFF  }
0x98: {  	s19 =	sld [smem:$0x3FDB];
	_ =	sdelay $0x1  }
0x99: {  	s4 =	simm.s32 $_scs_section_size  }
0x9a: {  	s5 =	simm.s32 $_size__tile_overlayer_lowered;
	s6 =	simm.s32 $_tile_overlayer_lowered  }
0x9b: {  	s22 =	simm.s32 $0x1BFF;
	s21 =	sshll.u32 s6, $0x1;
	s3 =	sadd.s32 s4, s19  }
0x9c: {  	s7 =	simm.s32 $0x0;
	s20 =	sshll.u32 s5, $0x1;
	s5 =	sadd.s32 s21, s3  }
0x9d: {  	[timem:s7], [sflag:s22] =	dma.local [hbm:s5], s20  }
0x9e: {  	_ =	swait.ge [sflag:s22], s20  }
0x9f: {  	s4 =	ssub.s32 $0x0, s20;
	[sflag:s22] =	ssyncset.done $0x0  }
0xa0: {  	[sflag:s22] =	ssyncadd.s32 s4;
	_ =	sdelay $0x1  }
0xa1: {  	s23 =	simm.s32 $0x1B8B  }
0xa2: {  	_ =	swait.ge [sflag:s23], $0x1  }
0xa3: {  	[sflag:s23] =	ssyncset.done $0x0  }
0xa4: {  	s25 =	simm.s32 $0x1B8E;
	s24 =	sld [smem:$0x3FFE];
	[sflag:s23] =	ssyncadd.s32 $0xFFFFFFFF  }
0xa5: {  	s26 =	simm.s32 $execute0_lowered;
	[smem:$0x3FD2] =	sst s25  }
0xa6: {  	s5 =	sshll.u32 s26, $0x1;
	_ =	strace $0x8000004F;
	[dreg:$0x1] =	wrdreg $0xFFFFFFFF  }
0xa7: {  	s28 =	simm.s32 $_size_execute0_lowered;
	s3 =	sadd.s32 s3, s5;
	[dreg:$0x0] =	wrdreg $0x0  }
0xa8: {  	s5 =	sshll.u32 s28, $0x1;
	[dreg:$0x2] =	wrdreg s3  }
0xa9: {  	[dreg:$0x3] =	wrdreg s5  }
0xaa: {  	[dreg:$0x4] =	wrdreg $0xC0  }
0xab: {  	_ =	task [dreg:s7], $0x5FFFF  }
0xac: {  	[dreg:$0x1] =	wrdreg $0xFFFFFFFF  }
0xad: {  	[dreg:$0x0] =	wrdreg $0x60  }
0xae: {  	[dreg:$0x2] =	wrdreg s24  }
0xaf: {  	[dreg:$0x3] =	wrdreg s2  }
0xb0: {  	[dreg:$0x4] =	wrdreg $0x90800  }
0xb1: {  	[dreg:$0x5] =	wrdreg $0x9  }
0xb2: {  	_ =	task.clear_ibuf [dreg:s7], $0x6FFFF;
	_ =	strace $0x9000004F  }
0xb3: {  	s29 =	simm.s32 $0x9;
	_ =	strace $0x80000051  }
0xb4: {  	_ =	swait.ge [sflag:s29], $0x1  }
0xb5: {  	[sflag:s29] =	ssyncadd.s32 $0xFFFFFFFF  }
0xb6: {  	_ =	strace $0x90000051  }
0xb7: {  	_ =	sfence  }
0xb8: {  	s30 =	sld [smem:$0x0];
	_ =	sdelay $0x2  }
0xb9: {  	s31 =	sshll.u32 s1, $0xD;
	s1 =	sshrl.u32 s1, $0x2  }
0xba: {  	s3 =	sand.u32 $0x4000, s31;
	s1 =	sadd.s32 s1, s30  }
0xbb: {  	s0 =	sor.u32 s3, s0;
	s1 =	sshll.u32 s1, $0x11  }
0xbc: {  	s0 =	sor.u32 s1, s0  }
0xbd: {  	s0 =	sadd.s32 $0x8F2B, s0  }
0xbe: {  	[sflag:s0] =	ssyncadd.remote.s32 $0x1  }
0xbf: {  	_ =	sfence.sel $0xFFFF  }
0xc0: {  	[dreg:$0x0] =	wrdreg $0xFFFFFFFF;
	(pc) =	sbr.abs _section_cstart, $3  }
0xc1: {  	[dreg:$0x1] =	wrdreg $0xFFFFFFFF  }
0xc2: {  	_ =	task.clear_ibuf [dreg:s7], $0x2FFFF;
	_ =	strace $0x9FFFFFFF  }
0xc3: {  	(tm) =	ssettm $0x7FFFFFFF  }
tec
execute0_lowered:
.L_overlay_start_1:
0x0: {  	(tag) =	ssettag $0x1  }
0x1: {  	s5 =	rddreg [dreg:$0x0]  }
0x2: {  	s1 =	srdreg.scid;
	s11 =	rddreg [dreg:$0x1]  }
0x3: {  	s0 =	stileid.u32;
	s2 =	rddreg [dreg:$0x2];
	s3 =	simm.s32 $0x0  }
0x4: {  	s15 =	simm.s32 $0x4;
	s16 =	simm.s32 $0x3;
	s17 =	simm.s32 $0x2800  }
0x5: {  	s18 =	simm.s32 $0x50;
	s19 =	simm.s32 $0x2780;
	s20 =	simm.s32 $0x2880  }
0x6: {  	s21 =	simm.s32 $0x1;
	s22 =	simm.s32 $0x2;
	s8 =	smul.u32 $0x4E20, s0  }
0x7: {  	s24 =	simm.s32 $0x0;
	s6 =	sand.u32 $0x1, s1;
	s26 =	smul.u32 $0x50000, s0  }
0x8: {  	s25 =	sshll.u32 s0, $0x1;
	[smem:$0x7FF] =	sst s3;
	s31 =	smul.u32 $0x14000, s0  }
0x9: {  	s4 =	sadd.s32 $0x69000, s5;
	s23 =	sshll.u32 s0, $0x6;
	s9 =	smul.u32 $0x2710, s6  }
0xa: {  	s1 =	sor.u32 s6, s25;
	s28 =	ssub.s32 $0x2, s6;
	s10 =	smul.u32 $0x140000, s6  }
0xb: {  	s23 =	sor.u32 $0x1C04, s23;
	s7 =	smul.u32 $0x2710, s1;
	s1 =	rddreg [dreg:$0x3]  }
0xc: {  	_ =	strace $0x80000050;
	s29 =	sshrl.u32 s28, $0x1;
	s30 =	sshrl.u32 s26, $0x2  }
0xd: {  	s8 =	sadd.s32 s9, s8;
	s12 =	ssub.s32 s28, s29;
	s6 =	sadd.s32 s30, s2  }
0xe: {  	s14 =	sadd.s32 s31, s10;
	s7 =	sshrl.u32 s7, $0x3;
	s8 =	sshrl.u32 s8, $0x3  }
0xf: {  	s9 =	sadd.s32 $0xC000, s6;
	s10 =	sadd.s32 $0x10000, s6;
	s14 =	sshrl.u32 s14, $0x3  }
0x10: {  	s12 =	smax.u32 s12, $0x1;
	s7 =	sadd.s32 s7, s5;
	s13 =	sadd.s32 s8, s5  }
0x11: {  	s8 =	sadd.s32 $0x8000, s6;
	s11 =	sadd.s32 s11, s14;
	s14 =	simm.s32 $0x5080  }
0x12: {  	v0 =	vimm.f32 $0.0e+00;
	s5 =	sadd.s32 $0x5400, s7;
	s7 =	sadd.s32 $0x4000, s6;
	s13 =	sadd.s32 $0xF200, s13  }
.LBB2_1:
0x13: {  	[tilespmem:s3], [sflag:$0x3] =	stream.linear.gather [hbm4b:s5+s3], $0x2710, $0x38;
	[tilespmem:$0x1D080] =	vst v63  }
0x14: {  	s25 =	simm.s32 $0x0;
	s26 =	simm.s32 $0x200  }
.LBB2_2:
0x15: {  	p0 =	sne.s32 s26, $0xFE00;
	[tilespmem:s25+$0x50F0] =	vst v0  }
0x16: {  	[tilespmem:s25+$0x5080] =	vst v0  }
0x17: {  	[tilespmem:s25+$0x5090] =	vst v0  }
.Ltmp0:
0x18: {  	[tilespmem:s25+$0x50A0] =	vst v0;
	(pc) =	sbr.rel @p0 .LBB2_2-.Ltmp0, $4  }
0x19: {  	[tilespmem:s25+$0x50B0] =	vst v0  }
0x1a: {  	[tilespmem:s25+$0x50C0] =	vst v0  }
0x1b: {  	[tilespmem:s25+$0x50D0] =	vst v0  }
0x1c: {  	[tilespmem:s25+$0x50E0] =	vst v0;
	s25 =	sshra.s32 s26, $0x2;
	s26 =	sadd.s32 $0x200, s26  }
0x1d: {  	[tilespmem:s25+$0x50F0] =	vst v0  }
0x1e: {  	[tilespmem:s25+$0x5080] =	vst v0  }
0x1f: {  	[tilespmem:s25+$0x5090] =	vst v0  }
0x20: {  	[tilespmem:s25+$0x50A0] =	vst v0  }
0x21: {  	[tilespmem:s25+$0x50B0] =	vst v0  }
0x22: {  	[tilespmem:s25+$0x50C0] =	vst v0  }
0x23: {  	[tilespmem:s25+$0x50D0] =	vst v0  }
0x24: {  	[tilespmem:s25+$0x50E0] =	vst v0  }
0x25: {  	[spmem:s6] =	stream.linear.scatter [tilespmem:s14], [sflag:$0x4], $0x4000, $0x38;
	[tilespmem:$0x1D080] =	vst v63  }
0x26: {  	_ =	swait.ge [sflag:s15], $0x4000  }
0x27: {  	[sflag:s15] =	ssyncset.done $0x0  }
0x28: {  	[sflag:s15] =	ssyncadd.s32 $0xFFFFC000  }
0x29: {  	[spmem:s7] =	stream.linear.scatter [tilespmem:s14], [sflag:$0x4], $0x4000, $0x38;
	[tilespmem:$0x1D080] =	vst v63  }
0x2a: {  	_ =	swait.ge [sflag:s15], $0x4000  }
0x2b: {  	[sflag:s15] =	ssyncset.done $0x0  }
0x2c: {  	[sflag:s15] =	ssyncadd.s32 $0xFFFFC000  }
0x2d: {  	[spmem:s8] =	stream.linear.scatter [tilespmem:s14], [sflag:$0x4], $0x4000, $0x38;
	[tilespmem:$0x1D080] =	vst v63  }
0x2e: {  	_ =	swait.ge [sflag:s15], $0x4000  }
0x2f: {  	[sflag:s15] =	ssyncset.done $0x0  }
0x30: {  	[sflag:s15] =	ssyncadd.s32 $0xFFFFC000  }
0x31: {  	[spmem:s9] =	stream.linear.scatter [tilespmem:s14], [sflag:$0x4], $0x4000, $0x38;
	[tilespmem:$0x1D080] =	vst v63  }
0x32: {  	_ =	swait.ge [sflag:s15], $0x4000  }
0x33: {  	[sflag:s15] =	ssyncset.done $0x0  }
0x34: {  	[sflag:s15] =	ssyncadd.s32 $0xFFFFC000  }
0x35: {  	[spmem:s10] =	stream.linear.scatter [tilespmem:s14], [sflag:$0x4], $0x4000, $0x38;
	[tilespmem:$0x1D080] =	vst v63  }
0x36: {  	_ =	swait.ge [sflag:s15], $0x4000  }
0x37: {  	[sflag:s15] =	ssyncset.done $0x0  }
0x38: {  	[sflag:s15] =	ssyncadd.s32 $0xFFFFC000  }
0x39: {  	_ =	swait.ge [sflag:s16], $0x2710  }
0x3a: {  	[sflag:s16] =	ssyncset.done $0x0  }
0x3b: {  	[sflag:s16] =	ssyncadd.s32 $0xFFFFD8F0  }
0x3c: {  	s31 =	simm.s32 $0x20;
	s26 =	sadd.s32 $0x0, s13;
	[bflag:$0x0] =	sbarrier.arrive $0xFFFF  }
0x3d: {  	[tilespmem:s17], [sflag:$0x2] =	stream.linear.gather [hbm4b:s26+s3], $0x50, $0x38;
	[tilespmem:$0x1D080] =	vst v63  }
0x3e: {  	v1 =	vld [tilespmem:s31+$0xFFFFFFE0];
	_ =	sdelay $0x4  }
0x3f: {  	[tilespmem:$0x2780] =	vst v1  }
0x40: {  	v1 =	vld [tilespmem:s31+$0xFFFFFFF0];
	_ =	sdelay $0x4  }
0x41: {  	[tilespmem:$0x2790] =	vst v1  }
0x42: {  	v1 =	vld [tilespmem:s31+$0x0];
	_ =	sdelay $0x4  }
0x43: {  	[tilespmem:$0x27A0] =	vst v1  }
0x44: {  	v1 =	vld [tilespmem:s31+$0x10];
	_ =	sdelay $0x4  }
0x45: {  	[tilespmem:$0x27B0] =	vst v1  }
0x46: {  	v1 =	vld [tilespmem:s31+$0x20];
	_ =	sdelay $0x4  }
0x47: {  	[tilespmem:$0x27C0] =	vst v1  }
0x48: {  	[tilespmem:s20], [sflag:$0x1] =	stream.indirect.gather [hbm4b:s4+s18], $0x80, s19, s18, $0xb8;
	[tilespmem:$0x1D080] =	vst v63  }
0x49: {  	_ =	swait.ge [sflag:s21], $0x2800  }
0x4a: {  	[sflag:s21] =	ssyncset.done $0x0  }
0x4b: {  	[sflag:s21] =	ssyncadd.s32 $0xFFFFD800  }
0x4c: {  	_ =	swait.ge [sflag:s22], $0x50  }
0x4d: {  	[sflag:s22] =	ssyncset.done $0x0  }
0x4e: {  	[sflag:s22] =	ssyncadd.s32 $0xFFFFFFB0  }
0x4f: {  	[spmem:s2] =	stream.indirect.scatter.add.f32 [tilespmem:s20], [sflag:$0x4], $0x80, s17, s18, $0xb8;
	[tilespmem:$0x1D080] =	vst v63  }
0x50: {  	s29 =	simm.s32 $0x14;
	_ =	swait.ge [sflag:s15], $0x2800  }
0x51: {  	s25 =	simm.s32 $0x70;
	s26 =	simm.s32 $0xA;
	[sflag:s15] =	ssyncset.done $0x0  }
.LBB2_4:
0x52: {  	s30 =	sadd.s32 s26, s13  }
0x53: {  	[sflag:s15] =	ssyncadd.s32 $0xFFFFD800;
	s26 =	smov.u32 s29;
	s28 =	sadd.s32 $0xA, s29  }
0x54: {  	[tilespmem:s17], [sflag:$0x2] =	stream.linear.gather [hbm4b:s30+s3], $0x50, $0x38;
	[tilespmem:$0x1D080] =	vst v63  }
0x55: {  	p0 =	sne.s32 s29, $0x4D8;
	v1 =	vld [tilespmem:s25+$0xFFFFFFE0];
	_ =	sdelay $0x4  }
0x56: {  	[tilespmem:$0x2780] =	vst v1  }
0x57: {  	v1 =	vld [tilespmem:s25+$0xFFFFFFF0];
	_ =	sdelay $0x4  }
0x58: {  	[tilespmem:$0x2790] =	vst v1  }
0x59: {  	v1 =	vld [tilespmem:s25+$0x0];
	_ =	sdelay $0x4  }
0x5a: {  	[tilespmem:$0x27A0] =	vst v1  }
0x5b: {  	v1 =	vld [tilespmem:s25+$0x10];
	_ =	sdelay $0x4  }
0x5c: {  	[tilespmem:$0x27B0] =	vst v1  }
0x5d: {  	v1 =	vld [tilespmem:s25+$0x20];
	_ =	sdelay $0x4  }
0x5e: {  	[tilespmem:$0x27C0] =	vst v1  }
0x5f: {  	[tilespmem:s20], [sflag:$0x1] =	stream.indirect.gather [hbm4b:s4+s18], $0x80, s19, s18, $0xb8;
	[tilespmem:$0x1D080] =	vst v63  }
0x60: {  	_ =	swait.ge [sflag:s21], $0x2800  }
0x61: {  	[sflag:s21] =	ssyncset.done $0x0  }
0x62: {  	[sflag:s21] =	ssyncadd.s32 $0xFFFFD800  }
0x63: {  	_ =	swait.ge [sflag:s22], $0x50  }
.Ltmp1:
0x64: {  	[sflag:s22] =	ssyncset.done $0x0;
	(pc) =	sbr.rel @p0 .LBB2_4-.Ltmp1, $4  }
0x65: {  	[sflag:s22] =	ssyncadd.s32 $0xFFFFFFB0  }
0x66: {  	[spmem:s2] =	stream.indirect.scatter.add.f32 [tilespmem:s20], [sflag:$0x4], $0x80, s17, s18, $0xb8;
	[tilespmem:$0x1D080] =	vst v63  }
0x67: {  	_ =	swait.ge [sflag:s15], $0x2800  }
0x68: {  	s29 =	smov.u32 s28;
	s25 =	sadd.s32 $0x50, s25;
	[sflag:s15] =	ssyncset.done $0x0  }
0x69: {  	s26 =	sadd.s32 s26, s13;
	[sflag:s15] =	ssyncadd.s32 $0xFFFFD800  }
0x6a: {  	[tilespmem:s17], [sflag:$0x2] =	stream.linear.gather [hbm4b:s26+s3], $0x50, $0x38;
	[tilespmem:$0x1D080] =	vst v63  }
0x6b: {  	v1 =	vld [tilespmem:s25+$0xFFFFFFE0];
	_ =	sdelay $0x4  }
0x6c: {  	[tilespmem:$0x2780] =	vst v1  }
0x6d: {  	v1 =	vld [tilespmem:s25+$0xFFFFFFF0];
	_ =	sdelay $0x4  }
0x6e: {  	[tilespmem:$0x2790] =	vst v1  }
0x6f: {  	v1 =	vld [tilespmem:s25+$0x0];
	_ =	sdelay $0x4  }
0x70: {  	[tilespmem:$0x27A0] =	vst v1  }
0x71: {  	v1 =	vld [tilespmem:s25+$0x10];
	_ =	sdelay $0x4  }
0x72: {  	[tilespmem:$0x27B0] =	vst v1  }
0x73: {  	v1 =	vld [tilespmem:s25+$0x20];
	_ =	sdelay $0x4  }
0x74: {  	[tilespmem:$0x27C0] =	vst v1  }
0x75: {  	[tilespmem:s20], [sflag:$0x1] =	stream.indirect.gather [hbm4b:s4+s18], $0x80, s19, s18, $0xb8;
	[tilespmem:$0x1D080] =	vst v63  }
0x76: {  	_ =	swait.ge [sflag:s21], $0x2800  }
0x77: {  	[sflag:s21] =	ssyncset.done $0x0  }
0x78: {  	[sflag:s21] =	ssyncadd.s32 $0xFFFFD800  }
0x79: {  	_ =	swait.ge [sflag:s22], $0x50  }
0x7a: {  	[sflag:s22] =	ssyncset.done $0x0  }
0x7b: {  	[sflag:s22] =	ssyncadd.s32 $0xFFFFFFB0  }
0x7c: {  	[spmem:s2] =	stream.indirect.scatter.add.f32 [tilespmem:s20], [sflag:$0x4], $0x80, s17, s18, $0xb8;
	[tilespmem:$0x1D080] =	vst v63  }
0x7d: {  	_ =	swait.ge [sflag:s15], $0x2800  }
0x7e: {  	s24 =	sadd.s32 $0x1, s24;
	[sflag:s15] =	ssyncset.done $0x0  }
0x7f: {  	p0 =	sne.s32 s24, s12;
	[sflag:s15] =	ssyncadd.s32 $0xFFFFD800  }
.Ltmp2:
0x80: {  	s31 =	sshrl.u32 s6, $0x3;
	[bflag:$0x0] =	sbarrier.arrive $0xFFFF;
	(pc) =	sbr.rel @p0 .LBB2_1-.Ltmp2, $4  }
0x81: {  	[hbm:s11], [sflag:s23] =	dma.local [spmem:s31], $0x2800  }
0x82: {  	_ =	swait.ge [sflag:s15], $0x2800  }
0x83: {  	[sflag:s15] =	ssyncset.done $0x0  }
0x84: {  	[sflag:s15] =	ssyncadd.s32 $0xFFFFD800  }
0x85: {  	_ =	sfence.sel $0x180000  }
0x86: {  	[bflag:$0x0] =	sbarrier.arrive $0xFFFF  }
0x87: {  	p0 =	sne.s32 s0, $0x0;
	_ =	strace $0x90000050  }
0x88: {  	s0 =	sadd.s32 @!p0 $0x100000, s1;
	[bflag:$0x2] =	sbarrier.arrive $0xFFFF  }
0x89: {  	[sflag:s0] =	ssyncadd.tile.s32 @!p0 $0x1;
	_ =	shalt  }
.Lfunc_end2:
_tile_overlayer_lowered:
.L_overlay_start_2:
0x8a: {  	(tag) =	ssettag $0x2  }
0x8b: {  	s0 =	rddreg [dreg:$0x0];
	s2 =	stileid.u32  }
0x8c: {  	s1 =	rddreg [dreg:$0x1];
	p0 =	sne.s32 s2, $0x0  }
0x8d: {  	s3 =	rddreg [dreg:$0x2];
	[bflag:$0x3] =	sbarrier.arrive $0xFFFF;
	s2 =	simm.s32 @!p0 $0x1C04  }
0x8e: {  	[timem:s3], [sflag:s2] =	dma.local @!p0 [hbm:s0], s1  }
0x8f: {  	s0 =	simm.s32 @!p0 $0x4  }
0x90: {  	_ =	swait.ge @!p0 [sflag:s0], s1  }
0x91: {  	s1 =	ssub.s32 @!p0 $0x0, s1;
	[sflag:s0] =	ssyncset.done @!p0 $0x0  }
0x92: {  	[sflag:s0] =	ssyncadd.s32 @!p0 s1  }
0x93: {  	[bflag:$0x3] =	sbarrier.arrive $0xFFFF  }
0x94: {  	_ =	shalt  }

</sc_bundles>
